<compile_context>
chip_gen: v7x
topology: tpu7x:2x2x1
jax: 0.10.2.dev20260603
libtpu: 0.0.44.dev20260713+nightly
codegen_flags: <defaults>
</compile_context>

<pallas_src>
import functools

import jax
import jax.numpy as jnp
from jax import lax
from jax.experimental import pallas as pl
from jax.experimental.pallas import tpu as pltpu
from jax.experimental.pallas import tpu_sc as plsc

_L = 16

_GDN = lax.GatherDimensionNumbers(
    offset_dims=(), collapsed_slice_dims=(0,), start_index_map=(0,))


def _lane_sum(x):
    lanes = lax.iota(jnp.int32, _L)
    for s in (8, 4, 2, 1):
        idx = (lanes ^ s).reshape(_L, 1)
        x = x + lax.gather(x, idx, _GDN, (1,),
                           mode=lax.GatherScatterMode.PROMISE_IN_BOUNDS)
    return x


def _build_sc_call(B, FD, P2, D):
    NC, NS = 2, 16
    NW = NC * NS
    rows_per_worker = B // NW
    R = 32
    n_chunks = rows_per_worker // R
    KD = D // _L
    NG = P2 // _L
    NSUB = 4

    mesh = plsc.VectorSubcoreMesh(core_axis_name="c", subcore_axis_name="s")

    @functools.partial(
        pl.kernel,
        mesh=mesh,
        compiler_params=pltpu.CompilerParams(needs_layout_passes=False),
        out_type=jax.ShapeDtypeStruct((B,), jnp.float32),
        scratch_types=[
            pltpu.VMEM((R, FD), jnp.float32),
            pltpu.VMEM((R, FD), jnp.float32),
            pltpu.VMEM((R, P2), jnp.float32),
            pltpu.VMEM((rows_per_worker,), jnp.float32),
            pltpu.VMEM((P2,), jnp.int32),
            pltpu.VMEM((P2,), jnp.int32),
            pltpu.VMEM((D,), jnp.float32),
        ],
    )
    def sc_kernel(emb_hbm, off1_hbm, off2_hbm, sc_hbm, w_hbm, out_hbm,
                  emb_v, embw_v, sc_v, out_v, o1_v, o2_v, w_v):
        wid = lax.axis_index("s") * NC + lax.axis_index("c")
        base = wid * rows_per_worker
        pltpu.sync_copy(off1_hbm, o1_v)
        pltpu.sync_copy(off2_hbm, o2_v)
        pltpu.sync_copy(w_hbm, w_v)
        w_regs = [w_v[pl.ds(k * _L, _L)] for k in range(KD)]
        zero = jnp.zeros((_L,), jnp.float32)
        lanes = lax.iota(jnp.int32, _L)

        def chunk_body(c, _):
            row0 = base + c * R
            pltpu.sync_copy(emb_hbm.at[pl.ds(row0, R)], emb_v)
            pltpu.sync_copy(sc_hbm.at[pl.ds(row0, R)], sc_v)

            def scale_body(r, _):
                for col in range(0, FD, D):
                    for k in range(KD):
                        o = col + k * _L
                        embw_v[r, pl.ds(o, _L)] = (
                            emb_v[r, pl.ds(o, _L)] * w_regs[k])
                return 0
            lax.fori_loop(0, R, scale_body, 0)

            def rgrp_body(rg, _):
                def row_body(l, vec):
                    bi = rg * _L + l
                    bvec = jnp.full((_L,), bi, jnp.int32)

                    def grp_body(g, rowsum):
                        gbase = pl.multiple_of(g * _L, _L)
                        o1g = o1_v[pl.ds(gbase, _L)]
                        o2g = o2_v[pl.ds(gbase, _L)]
                        sg = sc_v[bi, pl.ds(gbase, _L)]
                        t = [zero] * NSUB
                        for d in range(D):
                            g1 = plsc.load_gather(embw_v, [bvec, o1g + d])
                            g2 = plsc.load_gather(emb_v, [bvec, o2g + d])
                            t[d % NSUB] = t[d % NSUB] + g1 * g2
                        tt = (t[0] + t[1]) + (t[2] + t[3])
                        return rowsum + sg * tt

                    rowsum = lax.fori_loop(0, NG, grp_body, zero)
                    tot = _lane_sum(rowsum)
                    return jnp.where(lanes == l, tot, vec)

                vec = lax.fori_loop(0, _L, row_body, zero)
                out_v[pl.ds(pl.multiple_of(c * R + rg * _L, _L), _L)] = vec
                return 0

            lax.fori_loop(0, R // _L, rgrp_body, 0)
            return 0

        lax.fori_loop(0, n_chunks, chunk_body, 0)
        pltpu.sync_copy(out_v, out_hbm.at[pl.ds(base, rows_per_worker)])

    return sc_kernel


def kernel(embeddings, selected_pairs, interaction_scores, W, b):
    B, F, D = embeddings.shape
    P = selected_pairs.shape[0]
    P2 = ((P + _L - 1) // _L) * _L
    emb2 = embeddings.reshape(B, F * D)
    off1 = jnp.zeros((P2,), jnp.int32).at[:P].set(
        selected_pairs[:, 0].astype(jnp.int32) * D)
    off2 = jnp.zeros((P2,), jnp.int32).at[:P].set(
        selected_pairs[:, 1].astype(jnp.int32) * D)
    scores = jnp.pad(interaction_scores, ((0, 0), (0, P2 - P)))
    wv = W.reshape(D)
    sc_call = _build_sc_call(B, F * D, P2, D)
    out = sc_call(emb2, off1, off2, scores, wv)
    return out.reshape(B, 1) + b

# --- scband reference (transcript-rebuilt; emitter-appended) ---
"""Pipeline reference for scband-feature-crossing-15461882266237 (READ-ONLY COPY).

The authoritative reference and input builder live on the scoring server;
editing this copy changes nothing except your own understanding.
"""

import jax, jax.numpy as jnp
import numpy as np

BATCH = 16384
NUM_FIELDS = 26
EMBED_DIM = 64
NUM_INTERACTIONS = 100


def setup_inputs(seed: int = 0) -> dict:
    key = jax.random.key(seed)
    k1, k2, k3, k4 = jax.random.split(key, 4)
    embeddings = jax.random.normal(k1, (BATCH, NUM_FIELDS, EMBED_DIM), dtype=jnp.float32)
    selected_pairs = jax.random.randint(k2, (NUM_INTERACTIONS, 2), 0, NUM_FIELDS, dtype=jnp.int32)
    interaction_scores = jax.random.uniform(k3, (BATCH, NUM_INTERACTIONS), dtype=jnp.float32)
    # Linear(embedding_dim, 1): xavier_uniform weight, zero bias
    limit = float(np.sqrt(6.0 / (EMBED_DIM + 1)))
    W = jax.random.uniform(k4, (1, EMBED_DIM), dtype=jnp.float32, minval=-limit, maxval=limit)
    b = jnp.zeros((1,), dtype=jnp.float32)
    return {"embeddings": embeddings, "selected_pairs": selected_pairs, "interaction_scores": interaction_scores, "W": W, "b": b}


def reference(embeddings, selected_pairs, interaction_scores, W, b):
    # Gather both fields of every selected pair: (B, num_interactions, D)
    e1 = jnp.take(embeddings, selected_pairs[:, 0], axis=1)
    e2 = jnp.take(embeddings, selected_pairs[:, 1], axis=1)
    crossed = e1 * e2  # elementwise cross per pair
    weighted = crossed * interaction_scores[:, :, None]
    summed = jnp.sum(weighted, axis=1)  # (B, D)
    output = summed @ W.T + b  # (B, 1)
    return output

if __name__ == "__main__":
    import jax
    _d = setup_inputs()
    print(jax.jit(kernel)(*tuple(_d.values())))

</pallas_src>

<mosaic_0001>
#map = affine_map<(d0, d1) -> (0, 0)>
#map1 = affine_map<(d0, d1) -> (0)>
module attributes {stable_mosaic.version = 14 : i64} {
  func.func @sc_kernel(%arg0: i32, %arg1: i32, %arg2: memref<16384x1664xf32, #tpu.memory_space<hbm>>, %arg3: memref<112xi32, #tpu.memory_space<hbm>>, %arg4: memref<112xi32, #tpu.memory_space<hbm>>, %arg5: memref<16384x112xf32, #tpu.memory_space<hbm>>, %arg6: memref<64xf32, #tpu.memory_space<hbm>>, %arg7: memref<16384xf32, #tpu.memory_space<hbm>>, %arg8: memref<32x1664xf32, #tpu.memory_space<vmem>>, %arg9: memref<32x1664xf32, #tpu.memory_space<vmem>>, %arg10: memref<32x112xf32, #tpu.memory_space<vmem>>, %arg11: memref<512xf32, #tpu.memory_space<vmem>>, %arg12: memref<112xi32, #tpu.memory_space<vmem>>, %arg13: memref<112xi32, #tpu.memory_space<vmem>>, %arg14: memref<64xf32, #tpu.memory_space<vmem>>) attributes {dimension_semantics = [#tpu.dimension_semantics<core_parallel>, #tpu.dimension_semantics<subcore_parallel>], iteration_bounds = array<i64: 2, 16>, scalar_prefetch = 0 : i64, scratch_operands = 7 : i64, tpu.core_type = #tpu.core_type<sc_vector_subcore>, window_params = [{transform_indices = #map}, {transform_indices = #map1}, {transform_indices = #map1}, {transform_indices = #map}, {transform_indices = #map1}, {transform_indices = #map1}]} {
    %mul3A = arith.constant 2 : i32
    %mul3A_0 = arith.muli %arg1, %mul3A : i32
    %add3A = arith.addi %mul3A_0, %arg0 : i32
    %mul3A_1 = arith.constant 512 : i32
    %mul3A_2 = arith.muli %add3A, %mul3A_1 : i32
    "tpu.region"() ({
      %run_scoped3A = tpu.sem_alloc : memref<!tpu.dma_semaphore, #tpu.memory_space<semaphore_mem>>
      tpu.enqueue_dma source(%arg3 : memref<112xi32, #tpu.memory_space<hbm>>) target(%arg12 : memref<112xi32, #tpu.memory_space<vmem>>) target_semaphore(%run_scoped3A : memref<!tpu.dma_semaphore, #tpu.memory_space<semaphore_mem>>)
      tpu.wait_dma2 semaphore(%run_scoped3A : memref<!tpu.dma_semaphore, #tpu.memory_space<semaphore_mem>>) src(%arg3 : memref<112xi32, #tpu.memory_space<hbm>>) dst(%arg12 : memref<112xi32, #tpu.memory_space<vmem>>)
      tpu.yield
    }) : () -> ()
    "tpu.region"() ({
      %run_scoped3A = tpu.sem_alloc : memref<!tpu.dma_semaphore, #tpu.memory_space<semaphore_mem>>
      tpu.enqueue_dma source(%arg4 : memref<112xi32, #tpu.memory_space<hbm>>) target(%arg13 : memref<112xi32, #tpu.memory_space<vmem>>) target_semaphore(%run_scoped3A : memref<!tpu.dma_semaphore, #tpu.memory_space<semaphore_mem>>)
      tpu.wait_dma2 semaphore(%run_scoped3A : memref<!tpu.dma_semaphore, #tpu.memory_space<semaphore_mem>>) src(%arg4 : memref<112xi32, #tpu.memory_space<hbm>>) dst(%arg13 : memref<112xi32, #tpu.memory_space<vmem>>)
      tpu.yield
    }) : () -> ()
    "tpu.region"() ({
      %run_scoped3A = tpu.sem_alloc : memref<!tpu.dma_semaphore, #tpu.memory_space<semaphore_mem>>
      tpu.enqueue_dma source(%arg6 : memref<64xf32, #tpu.memory_space<hbm>>) target(%arg14 : memref<64xf32, #tpu.memory_space<vmem>>) target_semaphore(%run_scoped3A : memref<!tpu.dma_semaphore, #tpu.memory_space<semaphore_mem>>)
      tpu.wait_dma2 semaphore(%run_scoped3A : memref<!tpu.dma_semaphore, #tpu.memory_space<semaphore_mem>>) src(%arg6 : memref<64xf32, #tpu.memory_space<hbm>>) dst(%arg14 : memref<64xf32, #tpu.memory_space<vmem>>)
      tpu.yield
    }) : () -> ()
    %get3A = arith.constant 0 : index
    %get3A_3 = tpu.vector_load %arg14[%get3A] {strides = array<i32>} : memref<64xf32, #tpu.memory_space<vmem>>, vector<16xf32>,
    %get3A_4 = arith.constant 16 : index
    %get3A_5 = tpu.vector_load %arg14[%get3A_4] {strides = array<i32>} : memref<64xf32, #tpu.memory_space<vmem>>, vector<16xf32>,
    %get3A_6 = arith.constant 32 : index
    %get3A_7 = tpu.vector_load %arg14[%get3A_6] {strides = array<i32>} : memref<64xf32, #tpu.memory_space<vmem>>, vector<16xf32>,
    %get3A_8 = arith.constant 48 : index
    %get3A_9 = tpu.vector_load %arg14[%get3A_8] {strides = array<i32>} : memref<64xf32, #tpu.memory_space<vmem>>, vector<16xf32>,
    %broadcast_in_dim3A = arith.constant 0.000000e+00 : f32
    %broadcast_in_dim3A_10 = vector.broadcast %broadcast_in_dim3A : f32 to vector<16xf32>
    %iota3A = tpu.iota {dimensions = array<i32: 0>} : vector<16xi32>
    %scan3A = arith.constant 0 : i32
    %scan3A_11 = arith.constant 0 : i32
    %scan3A_12 = arith.constant 16 : i32
    %scan3A_13 = arith.addi %scan3A_11, %scan3A_12 : i32
    %scan3A_14 = arith.constant 1 : i32
    %scan3A_15 = scf.for %scan3A_17 = %scan3A_11 to %scan3A_13 step %scan3A_14 iter_args(%scan3A_18 = %scan3A) -> (i32)  : i32 {
      %mul3A_19 = arith.constant 32 : i32
      %mul3A_20 = arith.muli %scan3A_17, %mul3A_19 : i32
      %add3A_21 = arith.addi %mul3A_2, %mul3A_20 : i32
      "tpu.region"() ({
        %run_scoped3A = tpu.sem_alloc : memref<!tpu.dma_semaphore, #tpu.memory_space<semaphore_mem>>
        %dma_start3A = arith.constant 0 : i32
        %dma_start3A_37 = tpu.memref_slice %arg2[%add3A_21, %dma_start3A] : memref<16384x1664xf32, #tpu.memory_space<hbm>> -> memref<32x1664xf32, #tpu.memory_space<hbm>>
        %dma_start3A_38 = arith.constant 0 : i32
        %dma_start3A_39 = tpu.memref_slice %arg2[%add3A_21, %dma_start3A_38] : memref<16384x1664xf32, #tpu.memory_space<hbm>> -> memref<32x1664xf32, #tpu.memory_space<hbm>>
        tpu.enqueue_dma source(%dma_start3A_39 : memref<32x1664xf32, #tpu.memory_space<hbm>>) target(%arg8 : memref<32x1664xf32, #tpu.memory_space<vmem>>) target_semaphore(%run_scoped3A : memref<!tpu.dma_semaphore, #tpu.memory_space<semaphore_mem>>)
        %dma_wait3A = arith.constant 0 : i32
        %dma_wait3A_40 = tpu.memref_slice %arg2[%add3A_21, %dma_wait3A] : memref<16384x1664xf32, #tpu.memory_space<hbm>> -> memref<32x1664xf32, #tpu.memory_space<hbm>>
        %dma_wait3A_41 = arith.constant 0 : i32
        %dma_wait3A_42 = tpu.memref_slice %arg2[%add3A_21, %dma_wait3A_41] : memref<16384x1664xf32, #tpu.memory_space<hbm>> -> memref<32x1664xf32, #tpu.memory_space<hbm>>
        tpu.wait_dma2 semaphore(%run_scoped3A : memref<!tpu.dma_semaphore, #tpu.memory_space<semaphore_mem>>) src(%dma_wait3A_42 : memref<32x1664xf32, #tpu.memory_space<hbm>>) dst(%arg8 : memref<32x1664xf32, #tpu.memory_space<vmem>>)
        tpu.yield
      }) : () -> ()
      "tpu.region"() ({
        %run_scoped3A = tpu.sem_alloc : memref<!tpu.dma_semaphore, #tpu.memory_space<semaphore_mem>>
        %dma_start3A = arith.constant 0 : i32
        %dma_start3A_37 = tpu.memref_slice %arg5[%add3A_21, %dma_start3A] : memref<16384x112xf32, #tpu.memory_space<hbm>> -> memref<32x112xf32, #tpu.memory_space<hbm>>
        %dma_start3A_38 = arith.constant 0 : i32
        %dma_start3A_39 = tpu.memref_slice %arg5[%add3A_21, %dma_start3A_38] : memref<16384x112xf32, #tpu.memory_space<hbm>> -> memref<32x112xf32, #tpu.memory_space<hbm>>
        tpu.enqueue_dma source(%dma_start3A_39 : memref<32x112xf32, #tpu.memory_space<hbm>>) target(%arg10 : memref<32x112xf32, #tpu.memory_space<vmem>>) target_semaphore(%run_scoped3A : memref<!tpu.dma_semaphore, #tpu.memory_space<semaphore_mem>>)
        %dma_wait3A = arith.constant 0 : i32
        %dma_wait3A_40 = tpu.memref_slice %arg5[%add3A_21, %dma_wait3A] : memref<16384x112xf32, #tpu.memory_space<hbm>> -> memref<32x112xf32, #tpu.memory_space<hbm>>
        %dma_wait3A_41 = arith.constant 0 : i32
        %dma_wait3A_42 = tpu.memref_slice %arg5[%add3A_21, %dma_wait3A_41] : memref<16384x112xf32, #tpu.memory_space<hbm>> -> memref<32x112xf32, #tpu.memory_space<hbm>>
        tpu.wait_dma2 semaphore(%run_scoped3A : memref<!tpu.dma_semaphore, #tpu.memory_space<semaphore_mem>>) src(%dma_wait3A_42 : memref<32x112xf32, #tpu.memory_space<hbm>>) dst(%arg10 : memref<32x112xf32, #tpu.memory_space<vmem>>)
        tpu.yield
      }) : () -> ()
      %scan3A_22 = arith.constant 0 : i32
      %scan3A_23 = arith.constant 0 : i32
      %scan3A_24 = arith.constant 32 : i32
      %scan3A_25 = arith.addi %scan3A_23, %scan3A_24 : i32
      %scan3A_26 = arith.constant 1 : i32
      %scan3A_27 = scf.for %scan3A_37 = %scan3A_23 to %scan3A_25 step %scan3A_26 iter_args(%scan3A_38 = %scan3A_22) -> (i32)  : i32 {
        %get3A_39 = arith.index_cast %scan3A_37 : i32 to index
        %get3A_40 = arith.constant 0 : index
        %get3A_41 = tpu.vector_load %arg8[%get3A_39, %get3A_40] {strides = array<i32>} : memref<32x1664xf32, #tpu.memory_space<vmem>>, vector<16xf32>,
        %mul3A_42 = arith.mulf %get3A_41, %get3A_3 : vector<16xf32>
        %swap3A = arith.index_cast %scan3A_37 : i32 to index
        %swap3A_43 = arith.constant 0 : index
        %swap3A_44 = tpu.vector_load %arg9[%swap3A, %swap3A_43] {strides = array<i32>} : memref<32x1664xf32, #tpu.memory_space<vmem>>, vector<16xf32>,
        tpu.vector_store %arg9[%swap3A, %swap3A_43], %mul3A_42 {strides = array<i32>} : memref<32x1664xf32, #tpu.memory_space<vmem>>, vector<16xf32>,
        %get3A_45 = arith.index_cast %scan3A_37 : i32 to index
        %get3A_46 = arith.constant 16 : index
        %get3A_47 = tpu.vector_load %arg8[%get3A_45, %get3A_46] {strides = array<i32>} : memref<32x1664xf32, #tpu.memory_space<vmem>>, vector<16xf32>,
        %mul3A_48 = arith.mulf %get3A_47, %get3A_5 : vector<16xf32>
        %swap3A_49 = arith.index_cast %scan3A_37 : i32 to index
        %swap3A_50 = arith.constant 16 : index
        %swap3A_51 = tpu.vector_load %arg9[%swap3A_49, %swap3A_50] {strides = array<i32>} : memref<32x1664xf32, #tpu.memory_space<vmem>>, vector<16xf32>,
        tpu.vector_store %arg9[%swap3A_49, %swap3A_50], %mul3A_48 {strides = array<i32>} : memref<32x1664xf32, #tpu.memory_space<vmem>>, vector<16xf32>,
        %get3A_52 = arith.index_cast %scan3A_37 : i32 to index
        %get3A_53 = arith.constant 32 : index
        %get3A_54 = tpu.vector_load %arg8[%get3A_52, %get3A_53] {strides = array<i32>} : memref<32x1664xf32, #tpu.memory_space<vmem>>, vector<16xf32>,
        %mul3A_55 = arith.mulf %get3A_54, %get3A_7 : vector<16xf32>
        %swap3A_56 = arith.index_cast %scan3A_37 : i32 to index
        %swap3A_57 = arith.constant 32 : index
        %swap3A_58 = tpu.vector_load %arg9[%swap3A_56, %swap3A_57] {strides = array<i32>} : memref<32x1664xf32, #tpu.memory_space<vmem>>, vector<16xf32>,
        tpu.vector_store %arg9[%swap3A_56, %swap3A_57], %mul3A_55 {strides = array<i32>} : memref<32x1664xf32, #tpu.memory_space<vmem>>, vector<16xf32>,
        %get3A_59 = arith.index_cast %scan3A_37 : i32 to index
        %get3A_60 = arith.constant 48 : index
        %get3A_61 = tpu.vector_load %arg8[%get3A_59, %get3A_60] {strides = array<i32>} : memref<32x1664xf32, #tpu.memory_space<vmem>>, vector<16xf32>,
        %mul3A_62 = arith.mulf %get3A_61, %get3A_9 : vector<16xf32>
        %swap3A_63 = arith.index_cast %scan3A_37 : i32 to index
        %swap3A_64 = arith.constant 48 : index
        %swap3A_65 = tpu.vector_load %arg9[%swap3A_63, %swap3A_64] {strides = array<i32>} : memref<32x1664xf32, #tpu.memory_space<vmem>>, vector<16xf32>,
        tpu.vector_store %arg9[%swap3A_63, %swap3A_64], %mul3A_62 {strides = array<i32>} : memref<32x1664xf32, #tpu.memory_space<vmem>>, vector<16xf32>,
        %get3A_66 = arith.index_cast %scan3A_37 : i32 to index
        %get3A_67 = arith.constant 64 : index
        %get3A_68 = tpu.vector_load %arg8[%get3A_66, %get3A_67] {strides = array<i32>} : memref<32x1664xf32, #tpu.memory_space<vmem>>, vector<16xf32>,
        %mul3A_69 = arith.mulf %get3A_68, %get3A_3 : vector<16xf32>
        %swap3A_70 = arith.index_cast %scan3A_37 : i32 to index
        %swap3A_71 = arith.constant 64 : index
        %swap3A_72 = tpu.vector_load %arg9[%swap3A_70, %swap3A_71] {strides = array<i32>} : memref<32x1664xf32, #tpu.memory_space<vmem>>, vector<16xf32>,
        tpu.vector_store %arg9[%swap3A_70, %swap3A_71], %mul3A_69 {strides = array<i32>} : memref<32x1664xf32, #tpu.memory_space<vmem>>, vector<16xf32>,
        %get3A_73 = arith.index_cast %scan3A_37 : i32 to index
        %get3A_74 = arith.constant 80 : index
        %get3A_75 = tpu.vector_load %arg8[%get3A_73, %get3A_74] {strides = array<i32>} : memref<32x1664xf32, #tpu.memory_space<vmem>>, vector<16xf32>,
        %mul3A_76 = arith.mulf %get3A_75, %get3A_5 : vector<16xf32>
        %swap3A_77 = arith.index_cast %scan3A_37 : i32 to index
        %swap3A_78 = arith.constant 80 : index
        %swap3A_79 = tpu.vector_load %arg9[%swap3A_77, %swap3A_78] {strides = array<i32>} : memref<32x1664xf32, #tpu.memory_space<vmem>>, vector<16xf32>,
        tpu.vector_store %arg9[%swap3A_77, %swap3A_78], %mul3A_76 {strides = array<i32>} : memref<32x1664xf32, #tpu.memory_space<vmem>>, vector<16xf32>,
        %get3A_80 = arith.index_cast %scan3A_37 : i32 to index
        %get3A_81 = arith.constant 96 : index
        %get3A_82 = tpu.vector_load %arg8[%get3A_80, %get3A_81] {strides = array<i32>} : memref<32x1664xf32, #tpu.memory_space<vmem>>, vector<16xf32>,
        %mul3A_83 = arith.mulf %get3A_82, %get3A_7 : vector<16xf32>
        %swap3A_84 = arith.index_cast %scan3A_37 : i32 to index
        %swap3A_85 = arith.constant 96 : index
        %swap3A_86 = tpu.vector_load %arg9[%swap3A_84, %swap3A_85] {strides = array<i32>} : memref<32x1664xf32, #tpu.memory_space<vmem>>, vector<16xf32>,
        tpu.vector_store %arg9[%swap3A_84, %swap3A_85], %mul3A_83 {strides = array<i32>} : memref<32x1664xf32, #tpu.memory_space<vmem>>, vector<16xf32>,
        %get3A_87 = arith.index_cast %scan3A_37 : i32 to index
        %get3A_88 = arith.constant 112 : index
        %get3A_89 = tpu.vector_load %arg8[%get3A_87, %get3A_88] {strides = array<i32>} : memref<32x1664xf32, #tpu.memory_space<vmem>>, vector<16xf32>,
        %mul3A_90 = arith.mulf %get3A_89, %get3A_9 : vector<16xf32>
        %swap3A_91 = arith.index_cast %scan3A_37 : i32 to index
        %swap3A_92 = arith.constant 112 : index
        %swap3A_93 = tpu.vector_load %arg9[%swap3A_91, %swap3A_92] {strides = array<i32>} : memref<32x1664xf32, #tpu.memory_space<vmem>>, vector<16xf32>,
        tpu.vector_store %arg9[%swap3A_91, %swap3A_92], %mul3A_90 {strides = array<i32>} : memref<32x1664xf32, #tpu.memory_space<vmem>>, vector<16xf32>,
        %get3A_94 = arith.index_cast %scan3A_37 : i32 to index
        %get3A_95 = arith.constant 128 : index
        %get3A_96 = tpu.vector_load %arg8[%get3A_94, %get3A_95] {strides = array<i32>} : memref<32x1664xf32, #tpu.memory_space<vmem>>, vector<16xf32>,
        %mul3A_97 = arith.mulf %get3A_96, %get3A_3 : vector<16xf32>
        %swap3A_98 = arith.index_cast %scan3A_37 : i32 to index
        %swap3A_99 = arith.constant 128 : index
        %swap3A_100 = tpu.vector_load %arg9[%swap3A_98, %swap3A_99] {strides = array<i32>} : memref<32x1664xf32, #tpu.memory_space<vmem>>, vector<16xf32>,
        tpu.vector_store %arg9[%swap3A_98, %swap3A_99], %mul3A_97 {strides = array<i32>} : memref<32x1664xf32, #tpu.memory_space<vmem>>, vector<16xf32>,
        %get3A_101 = arith.index_cast %scan3A_37 : i32 to index
        %get3A_102 = arith.constant 144 : index
        %get3A_103 = tpu.vector_load %arg8[%get3A_101, %get3A_102] {strides = array<i32>} : memref<32x1664xf32, #tpu.memory_space<vmem>>, vector<16xf32>,
        %mul3A_104 = arith.mulf %get3A_103, %get3A_5 : vector<16xf32>
        %swap3A_105 = arith.index_cast %scan3A_37 : i32 to index
        %swap3A_106 = arith.constant 144 : index
        %swap3A_107 = tpu.vector_load %arg9[%swap3A_105, %swap3A_106] {strides = array<i32>} : memref<32x1664xf32, #tpu.memory_space<vmem>>, vector<16xf32>,
        tpu.vector_store %arg9[%swap3A_105, %swap3A_106], %mul3A_104 {strides = array<i32>} : memref<32x1664xf32, #tpu.memory_space<vmem>>, vector<16xf32>,
        %get3A_108 = arith.index_cast %scan3A_37 : i32 to index
        %get3A_109 = arith.constant 160 : index
        %get3A_110 = tpu.vector_load %arg8[%get3A_108, %get3A_109] {strides = array<i32>} : memref<32x1664xf32, #tpu.memory_space<vmem>>, vector<16xf32>,
        %mul3A_111 = arith.mulf %get3A_110, %get3A_7 : vector<16xf32>
        %swap3A_112 = arith.index_cast %scan3A_37 : i32 to index
        %swap3A_113 = arith.constant 160 : index
        %swap3A_114 = tpu.vector_load %arg9[%swap3A_112, %swap3A_113] {strides = array<i32>} : memref<32x1664xf32, #tpu.memory_space<vmem>>, vector<16xf32>,
        tpu.vector_store %arg9[%swap3A_112, %swap3A_113], %mul3A_111 {strides = array<i32>} : memref<32x1664xf32, #tpu.memory_space<vmem>>, vector<16xf32>,
        %get3A_115 = arith.index_cast %scan3A_37 : i32 to index
        %get3A_116 = arith.constant 176 : index
        %get3A_117 = tpu.vector_load %arg8[%get3A_115, %get3A_116] {strides = array<i32>} : memref<32x1664xf32, #tpu.memory_space<vmem>>, vector<16xf32>,
        %mul3A_118 = arith.mulf %get3A_117, %get3A_9 : vector<16xf32>
        %swap3A_119 = arith.index_cast %scan3A_37 : i32 to index
        %swap3A_120 = arith.constant 176 : index
        %swap3A_121 = tpu.vector_load %arg9[%swap3A_119, %swap3A_120] {strides = array<i32>} : memref<32x1664xf32, #tpu.memory_space<vmem>>, vector<16xf32>,
        tpu.vector_store %arg9[%swap3A_119, %swap3A_120], %mul3A_118 {strides = array<i32>} : memref<32x1664xf32, #tpu.memory_space<vmem>>, vector<16xf32>,
        %get3A_122 = arith.index_cast %scan3A_37 : i32 to index
        %get3A_123 = arith.constant 192 : index
        %get3A_124 = tpu.vector_load %arg8[%get3A_122, %get3A_123] {strides = array<i32>} : memref<32x1664xf32, #tpu.memory_space<vmem>>, vector<16xf32>,
        %mul3A_125 = arith.mulf %get3A_124, %get3A_3 : vector<16xf32>
        %swap3A_126 = arith.index_cast %scan3A_37 : i32 to index
        %swap3A_127 = arith.constant 192 : index
        %swap3A_128 = tpu.vector_load %arg9[%swap3A_126, %swap3A_127] {strides = array<i32>} : memref<32x1664xf32, #tpu.memory_space<vmem>>, vector<16xf32>,
        tpu.vector_store %arg9[%swap3A_126, %swap3A_127], %mul3A_125 {strides = array<i32>} : memref<32x1664xf32, #tpu.memory_space<vmem>>, vector<16xf32>,
        %get3A_129 = arith.index_cast %scan3A_37 : i32 to index
        %get3A_130 = arith.constant 208 : index
        %get3A_131 = tpu.vector_load %arg8[%get3A_129, %get3A_130] {strides = array<i32>} : memref<32x1664xf32, #tpu.memory_space<vmem>>, vector<16xf32>,
        %mul3A_132 = arith.mulf %get3A_131, %get3A_5 : vector<16xf32>
        %swap3A_133 = arith.index_cast %scan3A_37 : i32 to index
        %swap3A_134 = arith.constant 208 : index
        %swap3A_135 = tpu.vector_load %arg9[%swap3A_133, %swap3A_134] {strides = array<i32>} : memref<32x1664xf32, #tpu.memory_space<vmem>>, vector<16xf32>,
        tpu.vector_store %arg9[%swap3A_133, %swap3A_134], %mul3A_132 {strides = array<i32>} : memref<32x1664xf32, #tpu.memory_space<vmem>>, vector<16xf32>,
        %get3A_136 = arith.index_cast %scan3A_37 : i32 to index
        %get3A_137 = arith.constant 224 : index
        %get3A_138 = tpu.vector_load %arg8[%get3A_136, %get3A_137] {strides = array<i32>} : memref<32x1664xf32, #tpu.memory_space<vmem>>, vector<16xf32>,
        %mul3A_139 = arith.mulf %get3A_138, %get3A_7 : vector<16xf32>
        %swap3A_140 = arith.index_cast %scan3A_37 : i32 to index
        %swap3A_141 = arith.constant 224 : index
        %swap3A_142 = tpu.vector_load %arg9[%swap3A_140, %swap3A_141] {strides = array<i32>} : memref<32x1664xf32, #tpu.memory_space<vmem>>, vector<16xf32>,
        tpu.vector_store %arg9[%swap3A_140, %swap3A_141], %mul3A_139 {strides = array<i32>} : memref<32x1664xf32, #tpu.memory_space<vmem>>, vector<16xf32>,
        %get3A_143 = arith.index_cast %scan3A_37 : i32 to index
        %get3A_144 = arith.constant 240 : index
        %get3A_145 = tpu.vector_load %arg8[%get3A_143, %get3A_144] {strides = array<i32>} : memref<32x1664xf32, #tpu.memory_space<vmem>>, vector<16xf32>,
        %mul3A_146 = arith.mulf %get3A_145, %get3A_9 : vector<16xf32>
        %swap3A_147 = arith.index_cast %scan3A_37 : i32 to index
        %swap3A_148 = arith.constant 240 : index
        %swap3A_149 = tpu.vector_load %arg9[%swap3A_147, %swap3A_148] {strides = array<i32>} : memref<32x1664xf32, #tpu.memory_space<vmem>>, vector<16xf32>,
        tpu.vector_store %arg9[%swap3A_147, %swap3A_148], %mul3A_146 {strides = array<i32>} : memref<32x1664xf32, #tpu.memory_space<vmem>>, vector<16xf32>,
        %get3A_150 = arith.index_cast %scan3A_37 : i32 to index
        %get3A_151 = arith.constant 256 : index
        %get3A_152 = tpu.vector_load %arg8[%get3A_150, %get3A_151] {strides = array<i32>} : memref<32x1664xf32, #tpu.memory_space<vmem>>, vector<16xf32>,
        %mul3A_153 = arith.mulf %get3A_152, %get3A_3 : vector<16xf32>
        %swap3A_154 = arith.index_cast %scan3A_37 : i32 to index
        %swap3A_155 = arith.constant 256 : index
        %swap3A_156 = tpu.vector_load %arg9[%swap3A_154, %swap3A_155] {strides = array<i32>} : memref<32x1664xf32, #tpu.memory_space<vmem>>, vector<16xf32>,
        tpu.vector_store %arg9[%swap3A_154, %swap3A_155], %mul3A_153 {strides = array<i32>} : memref<32x1664xf32, #tpu.memory_space<vmem>>, vector<16xf32>,
        %get3A_157 = arith.index_cast %scan3A_37 : i32 to index
        %get3A_158 = arith.constant 272 : index
        %get3A_159 = tpu.vector_load %arg8[%get3A_157, %get3A_158] {strides = array<i32>} : memref<32x1664xf32, #tpu.memory_space<vmem>>, vector<16xf32>,
        %mul3A_160 = arith.mulf %get3A_159, %get3A_5 : vector<16xf32>
        %swap3A_161 = arith.index_cast %scan3A_37 : i32 to index
        %swap3A_162 = arith.constant 272 : index
        %swap3A_163 = tpu.vector_load %arg9[%swap3A_161, %swap3A_162] {strides = array<i32>} : memref<32x1664xf32, #tpu.memory_space<vmem>>, vector<16xf32>,
        tpu.vector_store %arg9[%swap3A_161, %swap3A_162], %mul3A_160 {strides = array<i32>} : memref<32x1664xf32, #tpu.memory_space<vmem>>, vector<16xf32>,
        %get3A_164 = arith.index_cast %scan3A_37 : i32 to index
        %get3A_165 = arith.constant 288 : index
        %get3A_166 = tpu.vector_load %arg8[%get3A_164, %get3A_165] {strides = array<i32>} : memref<32x1664xf32, #tpu.memory_space<vmem>>, vector<16xf32>,
        %mul3A_167 = arith.mulf %get3A_166, %get3A_7 : vector<16xf32>
        %swap3A_168 = arith.index_cast %scan3A_37 : i32 to index
        %swap3A_169 = arith.constant 288 : index
        %swap3A_170 = tpu.vector_load %arg9[%swap3A_168, %swap3A_169] {strides = array<i32>} : memref<32x1664xf32, #tpu.memory_space<vmem>>, vector<16xf32>,
        tpu.vector_store %arg9[%swap3A_168, %swap3A_169], %mul3A_167 {strides = array<i32>} : memref<32x1664xf32, #tpu.memory_space<vmem>>, vector<16xf32>,
        %get3A_171 = arith.index_cast %scan3A_37 : i32 to index
        %get3A_172 = arith.constant 304 : index
        %get3A_173 = tpu.vector_load %arg8[%get3A_171, %get3A_172] {strides = array<i32>} : memref<32x1664xf32, #tpu.memory_space<vmem>>, vector<16xf32>,
        %mul3A_174 = arith.mulf %get3A_173, %get3A_9 : vector<16xf32>
        %swap3A_175 = arith.index_cast %scan3A_37 : i32 to index
        %swap3A_176 = arith.constant 304 : index
        %swap3A_177 = tpu.vector_load %arg9[%swap3A_175, %swap3A_176] {strides = array<i32>} : memref<32x1664xf32, #tpu.memory_space<vmem>>, vector<16xf32>,
        tpu.vector_store %arg9[%swap3A_175, %swap3A_176], %mul3A_174 {strides = array<i32>} : memref<32x1664xf32, #tpu.memory_space<vmem>>, vector<16xf32>,
        %get3A_178 = arith.index_cast %scan3A_37 : i32 to index
        %get3A_179 = arith.constant 320 : index
        %get3A_180 = tpu.vector_load %arg8[%get3A_178, %get3A_179] {strides = array<i32>} : memref<32x1664xf32, #tpu.memory_space<vmem>>, vector<16xf32>,
        %mul3A_181 = arith.mulf %get3A_180, %get3A_3 : vector<16xf32>
        %swap3A_182 = arith.index_cast %scan3A_37 : i32 to index
        %swap3A_183 = arith.constant 320 : index
        %swap3A_184 = tpu.vector_load %arg9[%swap3A_182, %swap3A_183] {strides = array<i32>} : memref<32x1664xf32, #tpu.memory_space<vmem>>, vector<16xf32>,
        tpu.vector_store %arg9[%swap3A_182, %swap3A_183], %mul3A_181 {strides = array<i32>} : memref<32x1664xf32, #tpu.memory_space<vmem>>, vector<16xf32>,
        %get3A_185 = arith.index_cast %scan3A_37 : i32 to index
        %get3A_186 = arith.constant 336 : index
        %get3A_187 = tpu.vector_load %arg8[%get3A_185, %get3A_186] {strides = array<i32>} : memref<32x1664xf32, #tpu.memory_space<vmem>>, vector<16xf32>,
        %mul3A_188 = arith.mulf %get3A_187, %get3A_5 : vector<16xf32>
        %swap3A_189 = arith.index_cast %scan3A_37 : i32 to index
        %swap3A_190 = arith.constant 336 : index
        %swap3A_191 = tpu.vector_load %arg9[%swap3A_189, %swap3A_190] {strides = array<i32>} : memref<32x1664xf32, #tpu.memory_space<vmem>>, vector<16xf32>,
        tpu.vector_store %arg9[%swap3A_189, %swap3A_190], %mul3A_188 {strides = array<i32>} : memref<32x1664xf32, #tpu.memory_space<vmem>>, vector<16xf32>,
        %get3A_192 = arith.index_cast %scan3A_37 : i32 to index
        %get3A_193 = arith.constant 352 : index
        %get3A_194 = tpu.vector_load %arg8[%get3A_192, %get3A_193] {strides = array<i32>} : memref<32x1664xf32, #tpu.memory_space<vmem>>, vector<16xf32>,
        %mul3A_195 = arith.mulf %get3A_194, %get3A_7 : vector<16xf32>
        %swap3A_196 = arith.index_cast %scan3A_37 : i32 to index
        %swap3A_197 = arith.constant 352 : index
        %swap3A_198 = tpu.vector_load %arg9[%swap3A_196, %swap3A_197] {strides = array<i32>} : memref<32x1664xf32, #tpu.memory_space<vmem>>, vector<16xf32>,
        tpu.vector_store %arg9[%swap3A_196, %swap3A_197], %mul3A_195 {strides = array<i32>} : memref<32x1664xf32, #tpu.memory_space<vmem>>, vector<16xf32>,
        %get3A_199 = arith.index_cast %scan3A_37 : i32 to index
        %get3A_200 = arith.constant 368 : index
        %get3A_201 = tpu.vector_load %arg8[%get3A_199, %get3A_200] {strides = array<i32>} : memref<32x1664xf32, #tpu.memory_space<vmem>>, vector<16xf32>,
        %mul3A_202 = arith.mulf %get3A_201, %get3A_9 : vector<16xf32>
        %swap3A_203 = arith.index_cast %scan3A_37 : i32 to index
        %swap3A_204 = arith.constant 368 : index
        %swap3A_205 = tpu.vector_load %arg9[%swap3A_203, %swap3A_204] {strides = array<i32>} : memref<32x1664xf32, #tpu.memory_space<vmem>>, vector<16xf32>,
        tpu.vector_store %arg9[%swap3A_203, %swap3A_204], %mul3A_202 {strides = array<i32>} : memref<32x1664xf32, #tpu.memory_space<vmem>>, vector<16xf32>,
        %get3A_206 = arith.index_cast %scan3A_37 : i32 to index
        %get3A_207 = arith.constant 384 : index
        %get3A_208 = tpu.vector_load %arg8[%get3A_206, %get3A_207] {strides = array<i32>} : memref<32x1664xf32, #tpu.memory_space<vmem>>, vector<16xf32>,
        %mul3A_209 = arith.mulf %get3A_208, %get3A_3 : vector<16xf32>
        %swap3A_210 = arith.index_cast %scan3A_37 : i32 to index
        %swap3A_211 = arith.constant 384 : index
        %swap3A_212 = tpu.vector_load %arg9[%swap3A_210, %swap3A_211] {strides = array<i32>} : memref<32x1664xf32, #tpu.memory_space<vmem>>, vector<16xf32>,
        tpu.vector_store %arg9[%swap3A_210, %swap3A_211], %mul3A_209 {strides = array<i32>} : memref<32x1664xf32, #tpu.memory_space<vmem>>, vector<16xf32>,
        %get3A_213 = arith.index_cast %scan3A_37 : i32 to index
        %get3A_214 = arith.constant 400 : index
        %get3A_215 = tpu.vector_load %arg8[%get3A_213, %get3A_214] {strides = array<i32>} : memref<32x1664xf32, #tpu.memory_space<vmem>>, vector<16xf32>,
        %mul3A_216 = arith.mulf %get3A_215, %get3A_5 : vector<16xf32>
        %swap3A_217 = arith.index_cast %scan3A_37 : i32 to index
        %swap3A_218 = arith.constant 400 : index
        %swap3A_219 = tpu.vector_load %arg9[%swap3A_217, %swap3A_218] {strides = array<i32>} : memref<32x1664xf32, #tpu.memory_space<vmem>>, vector<16xf32>,
        tpu.vector_store %arg9[%swap3A_217, %swap3A_218], %mul3A_216 {strides = array<i32>} : memref<32x1664xf32, #tpu.memory_space<vmem>>, vector<16xf32>,
        %get3A_220 = arith.index_cast %scan3A_37 : i32 to index
        %get3A_221 = arith.constant 416 : index
        %get3A_222 = tpu.vector_load %arg8[%get3A_220, %get3A_221] {strides = array<i32>} : memref<32x1664xf32, #tpu.memory_space<vmem>>, vector<16xf32>,
        %mul3A_223 = arith.mulf %get3A_222, %get3A_7 : vector<16xf32>
        %swap3A_224 = arith.index_cast %scan3A_37 : i32 to index
        %swap3A_225 = arith.constant 416 : index
        %swap3A_226 = tpu.vector_load %arg9[%swap3A_224, %swap3A_225] {strides = array<i32>} : memref<32x1664xf32, #tpu.memory_space<vmem>>, vector<16xf32>,
        tpu.vector_store %arg9[%swap3A_224, %swap3A_225], %mul3A_223 {strides = array<i32>} : memref<32x1664xf32, #tpu.memory_space<vmem>>, vector<16xf32>,
        %get3A_227 = arith.index_cast %scan3A_37 : i32 to index
        %get3A_228 = arith.constant 432 : index
        %get3A_229 = tpu.vector_load %arg8[%get3A_227, %get3A_228] {strides = array<i32>} : memref<32x1664xf32, #tpu.memory_space<vmem>>, vector<16xf32>,
        %mul3A_230 = arith.mulf %get3A_229, %get3A_9 : vector<16xf32>
        %swap3A_231 = arith.index_cast %scan3A_37 : i32 to index
        %swap3A_232 = arith.constant 432 : index
        %swap3A_233 = tpu.vector_load %arg9[%swap3A_231, %swap3A_232] {strides = array<i32>} : memref<32x1664xf32, #tpu.memory_space<vmem>>, vector<16xf32>,
        tpu.vector_store %arg9[%swap3A_231, %swap3A_232], %mul3A_230 {strides = array<i32>} : memref<32x1664xf32, #tpu.memory_space<vmem>>, vector<16xf32>,
        %get3A_234 = arith.index_cast %scan3A_37 : i32 to index
        %get3A_235 = arith.constant 448 : index
        %get3A_236 = tpu.vector_load %arg8[%get3A_234, %get3A_235] {strides = array<i32>} : memref<32x1664xf32, #tpu.memory_space<vmem>>, vector<16xf32>,
        %mul3A_237 = arith.mulf %get3A_236, %get3A_3 : vector<16xf32>
        %swap3A_238 = arith.index_cast %scan3A_37 : i32 to index
        %swap3A_239 = arith.constant 448 : index
        %swap3A_240 = tpu.vector_load %arg9[%swap3A_238, %swap3A_239] {strides = array<i32>} : memref<32x1664xf32, #tpu.memory_space<vmem>>, vector<16xf32>,
        tpu.vector_store %arg9[%swap3A_238, %swap3A_239], %mul3A_237 {strides = array<i32>} : memref<32x1664xf32, #tpu.memory_space<vmem>>, vector<16xf32>,
        %get3A_241 = arith.index_cast %scan3A_37 : i32 to index
        %get3A_242 = arith.constant 464 : index
        %get3A_243 = tpu.vector_load %arg8[%get3A_241, %get3A_242] {strides = array<i32>} : memref<32x1664xf32, #tpu.memory_space<vmem>>, vector<16xf32>,
        %mul3A_244 = arith.mulf %get3A_243, %get3A_5 : vector<16xf32>
        %swap3A_245 = arith.index_cast %scan3A_37 : i32 to index
        %swap3A_246 = arith.constant 464 : index
        %swap3A_247 = tpu.vector_load %arg9[%swap3A_245, %swap3A_246] {strides = array<i32>} : memref<32x1664xf32, #tpu.memory_space<vmem>>, vector<16xf32>,
        tpu.vector_store %arg9[%swap3A_245, %swap3A_246], %mul3A_244 {strides = array<i32>} : memref<32x1664xf32, #tpu.memory_space<vmem>>, vector<16xf32>,
        %get3A_248 = arith.index_cast %scan3A_37 : i32 to index
        %get3A_249 = arith.constant 480 : index
        %get3A_250 = tpu.vector_load %arg8[%get3A_248, %get3A_249] {strides = array<i32>} : memref<32x1664xf32, #tpu.memory_space<vmem>>, vector<16xf32>,
        %mul3A_251 = arith.mulf %get3A_250, %get3A_7 : vector<16xf32>
        %swap3A_252 = arith.index_cast %scan3A_37 : i32 to index
        %swap3A_253 = arith.constant 480 : index
        %swap3A_254 = tpu.vector_load %arg9[%swap3A_252, %swap3A_253] {strides = array<i32>} : memref<32x1664xf32, #tpu.memory_space<vmem>>, vector<16xf32>,
        tpu.vector_store %arg9[%swap3A_252, %swap3A_253], %mul3A_251 {strides = array<i32>} : memref<32x1664xf32, #tpu.memory_space<vmem>>, vector<16xf32>,
        %get3A_255 = arith.index_cast %scan3A_37 : i32 to index
        %get3A_256 = arith.constant 496 : index
        %get3A_257 = tpu.vector_load %arg8[%get3A_255, %get3A_256] {strides = array<i32>} : memref<32x1664xf32, #tpu.memory_space<vmem>>, vector<16xf32>,
        %mul3A_258 = arith.mulf %get3A_257, %get3A_9 : vector<16xf32>
        %swap3A_259 = arith.index_cast %scan3A_37 : i32 to index
        %swap3A_260 = arith.constant 496 : index
        %swap3A_261 = tpu.vector_load %arg9[%swap3A_259, %swap3A_260] {strides = array<i32>} : memref<32x1664xf32, #tpu.memory_space<vmem>>, vector<16xf32>,
        tpu.vector_store %arg9[%swap3A_259, %swap3A_260], %mul3A_258 {strides = array<i32>} : memref<32x1664xf32, #tpu.memory_space<vmem>>, vector<16xf32>,
        %get3A_262 = arith.index_cast %scan3A_37 : i32 to index
        %get3A_263 = arith.constant 512 : index
        %get3A_264 = tpu.vector_load %arg8[%get3A_262, %get3A_263] {strides = array<i32>} : memref<32x1664xf32, #tpu.memory_space<vmem>>, vector<16xf32>,
        %mul3A_265 = arith.mulf %get3A_264, %get3A_3 : vector<16xf32>
        %swap3A_266 = arith.index_cast %scan3A_37 : i32 to index
        %swap3A_267 = arith.constant 512 : index
        %swap3A_268 = tpu.vector_load %arg9[%swap3A_266, %swap3A_267] {strides = array<i32>} : memref<32x1664xf32, #tpu.memory_space<vmem>>, vector<16xf32>,
        tpu.vector_store %arg9[%swap3A_266, %swap3A_267], %mul3A_265 {strides = array<i32>} : memref<32x1664xf32, #tpu.memory_space<vmem>>, vector<16xf32>,
        %get3A_269 = arith.index_cast %scan3A_37 : i32 to index
        %get3A_270 = arith.constant 528 : index
        %get3A_271 = tpu.vector_load %arg8[%get3A_269, %get3A_270] {strides = array<i32>} : memref<32x1664xf32, #tpu.memory_space<vmem>>, vector<16xf32>,
        %mul3A_272 = arith.mulf %get3A_271, %get3A_5 : vector<16xf32>
        %swap3A_273 = arith.index_cast %scan3A_37 : i32 to index
        %swap3A_274 = arith.constant 528 : index
        %swap3A_275 = tpu.vector_load %arg9[%swap3A_273, %swap3A_274] {strides = array<i32>} : memref<32x1664xf32, #tpu.memory_space<vmem>>, vector<16xf32>,
        tpu.vector_store %arg9[%swap3A_273, %swap3A_274], %mul3A_272 {strides = array<i32>} : memref<32x1664xf32, #tpu.memory_space<vmem>>, vector<16xf32>,
        %get3A_276 = arith.index_cast %scan3A_37 : i32 to index
        %get3A_277 = arith.constant 544 : index
        %get3A_278 = tpu.vector_load %arg8[%get3A_276, %get3A_277] {strides = array<i32>} : memref<32x1664xf32, #tpu.memory_space<vmem>>, vector<16xf32>,
        %mul3A_279 = arith.mulf %get3A_278, %get3A_7 : vector<16xf32>
        %swap3A_280 = arith.index_cast %scan3A_37 : i32 to index
        %swap3A_281 = arith.constant 544 : index
        %swap3A_282 = tpu.vector_load %arg9[%swap3A_280, %swap3A_281] {strides = array<i32>} : memref<32x1664xf32, #tpu.memory_space<vmem>>, vector<16xf32>,
        tpu.vector_store %arg9[%swap3A_280, %swap3A_281], %mul3A_279 {strides = array<i32>} : memref<32x1664xf32, #tpu.memory_space<vmem>>, vector<16xf32>,
        %get3A_283 = arith.index_cast %scan3A_37 : i32 to index
        %get3A_284 = arith.constant 560 : index
        %get3A_285 = tpu.vector_load %arg8[%get3A_283, %get3A_284] {strides = array<i32>} : memref<32x1664xf32, #tpu.memory_space<vmem>>, vector<16xf32>,
        %mul3A_286 = arith.mulf %get3A_285, %get3A_9 : vector<16xf32>
        %swap3A_287 = arith.index_cast %scan3A_37 : i32 to index
        %swap3A_288 = arith.constant 560 : index
        %swap3A_289 = tpu.vector_load %arg9[%swap3A_287, %swap3A_288] {strides = array<i32>} : memref<32x1664xf32, #tpu.memory_space<vmem>>, vector<16xf32>,
        tpu.vector_store %arg9[%swap3A_287, %swap3A_288], %mul3A_286 {strides = array<i32>} : memref<32x1664xf32, #tpu.memory_space<vmem>>, vector<16xf32>,
        %get3A_290 = arith.index_cast %scan3A_37 : i32 to index
        %get3A_291 = arith.constant 576 : index
        %get3A_292 = tpu.vector_load %arg8[%get3A_290, %get3A_291] {strides = array<i32>} : memref<32x1664xf32, #tpu.memory_space<vmem>>, vector<16xf32>,
        %mul3A_293 = arith.mulf %get3A_292, %get3A_3 : vector<16xf32>
        %swap3A_294 = arith.index_cast %scan3A_37 : i32 to index
        %swap3A_295 = arith.constant 576 : index
        %swap3A_296 = tpu.vector_load %arg9[%swap3A_294, %swap3A_295] {strides = array<i32>} : memref<32x1664xf32, #tpu.memory_space<vmem>>, vector<16xf32>,
        tpu.vector_store %arg9[%swap3A_294, %swap3A_295], %mul3A_293 {strides = array<i32>} : memref<32x1664xf32, #tpu.memory_space<vmem>>, vector<16xf32>,
        %get3A_297 = arith.index_cast %scan3A_37 : i32 to index
        %get3A_298 = arith.constant 592 : index
        %get3A_299 = tpu.vector_load %arg8[%get3A_297, %get3A_298] {strides = array<i32>} : memref<32x1664xf32, #tpu.memory_space<vmem>>, vector<16xf32>,
        %mul3A_300 = arith.mulf %get3A_299, %get3A_5 : vector<16xf32>
        %swap3A_301 = arith.index_cast %scan3A_37 : i32 to index
        %swap3A_302 = arith.constant 592 : index
        %swap3A_303 = tpu.vector_load %arg9[%swap3A_301, %swap3A_302] {strides = array<i32>} : memref<32x1664xf32, #tpu.memory_space<vmem>>, vector<16xf32>,
        tpu.vector_store %arg9[%swap3A_301, %swap3A_302], %mul3A_300 {strides = array<i32>} : memref<32x1664xf32, #tpu.memory_space<vmem>>, vector<16xf32>,
        %get3A_304 = arith.index_cast %scan3A_37 : i32 to index
        %get3A_305 = arith.constant 608 : index
        %get3A_306 = tpu.vector_load %arg8[%get3A_304, %get3A_305] {strides = array<i32>} : memref<32x1664xf32, #tpu.memory_space<vmem>>, vector<16xf32>,
        %mul3A_307 = arith.mulf %get3A_306, %get3A_7 : vector<16xf32>
        %swap3A_308 = arith.index_cast %scan3A_37 : i32 to index
        %swap3A_309 = arith.constant 608 : index
        %swap3A_310 = tpu.vector_load %arg9[%swap3A_308, %swap3A_309] {strides = array<i32>} : memref<32x1664xf32, #tpu.memory_space<vmem>>, vector<16xf32>,
        tpu.vector_store %arg9[%swap3A_308, %swap3A_309], %mul3A_307 {strides = array<i32>} : memref<32x1664xf32, #tpu.memory_space<vmem>>, vector<16xf32>,
        %get3A_311 = arith.index_cast %scan3A_37 : i32 to index
        %get3A_312 = arith.constant 624 : index
        %get3A_313 = tpu.vector_load %arg8[%get3A_311, %get3A_312] {strides = array<i32>} : memref<32x1664xf32, #tpu.memory_space<vmem>>, vector<16xf32>,
        %mul3A_314 = arith.mulf %get3A_313, %get3A_9 : vector<16xf32>
        %swap3A_315 = arith.index_cast %scan3A_37 : i32 to index
        %swap3A_316 = arith.constant 624 : index
        %swap3A_317 = tpu.vector_load %arg9[%swap3A_315, %swap3A_316] {strides = array<i32>} : memref<32x1664xf32, #tpu.memory_space<vmem>>, vector<16xf32>,
        tpu.vector_store %arg9[%swap3A_315, %swap3A_316], %mul3A_314 {strides = array<i32>} : memref<32x1664xf32, #tpu.memory_space<vmem>>, vector<16xf32>,
        %get3A_318 = arith.index_cast %scan3A_37 : i32 to index
        %get3A_319 = arith.constant 640 : index
        %get3A_320 = tpu.vector_load %arg8[%get3A_318, %get3A_319] {strides = array<i32>} : memref<32x1664xf32, #tpu.memory_space<vmem>>, vector<16xf32>,
        %mul3A_321 = arith.mulf %get3A_320, %get3A_3 : vector<16xf32>
        %swap3A_322 = arith.index_cast %scan3A_37 : i32 to index
        %swap3A_323 = arith.constant 640 : index
        %swap3A_324 = tpu.vector_load %arg9[%swap3A_322, %swap3A_323] {strides = array<i32>} : memref<32x1664xf32, #tpu.memory_space<vmem>>, vector<16xf32>,
        tpu.vector_store %arg9[%swap3A_322, %swap3A_323], %mul3A_321 {strides = array<i32>} : memref<32x1664xf32, #tpu.memory_space<vmem>>, vector<16xf32>,
        %get3A_325 = arith.index_cast %scan3A_37 : i32 to index
        %get3A_326 = arith.constant 656 : index
        %get3A_327 = tpu.vector_load %arg8[%get3A_325, %get3A_326] {strides = array<i32>} : memref<32x1664xf32, #tpu.memory_space<vmem>>, vector<16xf32>,
        %mul3A_328 = arith.mulf %get3A_327, %get3A_5 : vector<16xf32>
        %swap3A_329 = arith.index_cast %scan3A_37 : i32 to index
        %swap3A_330 = arith.constant 656 : index
        %swap3A_331 = tpu.vector_load %arg9[%swap3A_329, %swap3A_330] {strides = array<i32>} : memref<32x1664xf32, #tpu.memory_space<vmem>>, vector<16xf32>,
        tpu.vector_store %arg9[%swap3A_329, %swap3A_330], %mul3A_328 {strides = array<i32>} : memref<32x1664xf32, #tpu.memory_space<vmem>>, vector<16xf32>,
        %get3A_332 = arith.index_cast %scan3A_37 : i32 to index
        %get3A_333 = arith.constant 672 : index
        %get3A_334 = tpu.vector_load %arg8[%get3A_332, %get3A_333] {strides = array<i32>} : memref<32x1664xf32, #tpu.memory_space<vmem>>, vector<16xf32>,
        %mul3A_335 = arith.mulf %get3A_334, %get3A_7 : vector<16xf32>
        %swap3A_336 = arith.index_cast %scan3A_37 : i32 to index
        %swap3A_337 = arith.constant 672 : index
        %swap3A_338 = tpu.vector_load %arg9[%swap3A_336, %swap3A_337] {strides = array<i32>} : memref<32x1664xf32, #tpu.memory_space<vmem>>, vector<16xf32>,
        tpu.vector_store %arg9[%swap3A_336, %swap3A_337], %mul3A_335 {strides = array<i32>} : memref<32x1664xf32, #tpu.memory_space<vmem>>, vector<16xf32>,
        %get3A_339 = arith.index_cast %scan3A_37 : i32 to index
        %get3A_340 = arith.constant 688 : index
        %get3A_341 = tpu.vector_load %arg8[%get3A_339, %get3A_340] {strides = array<i32>} : memref<32x1664xf32, #tpu.memory_space<vmem>>, vector<16xf32>,
        %mul3A_342 = arith.mulf %get3A_341, %get3A_9 : vector<16xf32>
        %swap3A_343 = arith.index_cast %scan3A_37 : i32 to index
        %swap3A_344 = arith.constant 688 : index
        %swap3A_345 = tpu.vector_load %arg9[%swap3A_343, %swap3A_344] {strides = array<i32>} : memref<32x1664xf32, #tpu.memory_space<vmem>>, vector<16xf32>,
        tpu.vector_store %arg9[%swap3A_343, %swap3A_344], %mul3A_342 {strides = array<i32>} : memref<32x1664xf32, #tpu.memory_space<vmem>>, vector<16xf32>,
        %get3A_346 = arith.index_cast %scan3A_37 : i32 to index
        %get3A_347 = arith.constant 704 : index
        %get3A_348 = tpu.vector_load %arg8[%get3A_346, %get3A_347] {strides = array<i32>} : memref<32x1664xf32, #tpu.memory_space<vmem>>, vector<16xf32>,
        %mul3A_349 = arith.mulf %get3A_348, %get3A_3 : vector<16xf32>
        %swap3A_350 = arith.index_cast %scan3A_37 : i32 to index
        %swap3A_351 = arith.constant 704 : index
        %swap3A_352 = tpu.vector_load %arg9[%swap3A_350, %swap3A_351] {strides = array<i32>} : memref<32x1664xf32, #tpu.memory_space<vmem>>, vector<16xf32>,
        tpu.vector_store %arg9[%swap3A_350, %swap3A_351], %mul3A_349 {strides = array<i32>} : memref<32x1664xf32, #tpu.memory_space<vmem>>, vector<16xf32>,
        %get3A_353 = arith.index_cast %scan3A_37 : i32 to index
        %get3A_354 = arith.constant 720 : index
        %get3A_355 = tpu.vector_load %arg8[%get3A_353, %get3A_354] {strides = array<i32>} : memref<32x1664xf32, #tpu.memory_space<vmem>>, vector<16xf32>,
        %mul3A_356 = arith.mulf %get3A_355, %get3A_5 : vector<16xf32>
        %swap3A_357 = arith.index_cast %scan3A_37 : i32 to index
        %swap3A_358 = arith.constant 720 : index
        %swap3A_359 = tpu.vector_load %arg9[%swap3A_357, %swap3A_358] {strides = array<i32>} : memref<32x1664xf32, #tpu.memory_space<vmem>>, vector<16xf32>,
        tpu.vector_store %arg9[%swap3A_357, %swap3A_358], %mul3A_356 {strides = array<i32>} : memref<32x1664xf32, #tpu.memory_space<vmem>>, vector<16xf32>,
        %get3A_360 = arith.index_cast %scan3A_37 : i32 to index
        %get3A_361 = arith.constant 736 : index
        %get3A_362 = tpu.vector_load %arg8[%get3A_360, %get3A_361] {strides = array<i32>} : memref<32x1664xf32, #tpu.memory_space<vmem>>, vector<16xf32>,
        %mul3A_363 = arith.mulf %get3A_362, %get3A_7 : vector<16xf32>
        %swap3A_364 = arith.index_cast %scan3A_37 : i32 to index
        %swap3A_365 = arith.constant 736 : index
        %swap3A_366 = tpu.vector_load %arg9[%swap3A_364, %swap3A_365] {strides = array<i32>} : memref<32x1664xf32, #tpu.memory_space<vmem>>, vector<16xf32>,
        tpu.vector_store %arg9[%swap3A_364, %swap3A_365], %mul3A_363 {strides = array<i32>} : memref<32x1664xf32, #tpu.memory_space<vmem>>, vector<16xf32>,
        %get3A_367 = arith.index_cast %scan3A_37 : i32 to index
        %get3A_368 = arith.constant 752 : index
        %get3A_369 = tpu.vector_load %arg8[%get3A_367, %get3A_368] {strides = array<i32>} : memref<32x1664xf32, #tpu.memory_space<vmem>>, vector<16xf32>,
        %mul3A_370 = arith.mulf %get3A_369, %get3A_9 : vector<16xf32>
        %swap3A_371 = arith.index_cast %scan3A_37 : i32 to index
        %swap3A_372 = arith.constant 752 : index
        %swap3A_373 = tpu.vector_load %arg9[%swap3A_371, %swap3A_372] {strides = array<i32>} : memref<32x1664xf32, #tpu.memory_space<vmem>>, vector<16xf32>,
        tpu.vector_store %arg9[%swap3A_371, %swap3A_372], %mul3A_370 {strides = array<i32>} : memref<32x1664xf32, #tpu.memory_space<vmem>>, vector<16xf32>,
        %get3A_374 = arith.index_cast %scan3A_37 : i32 to index
        %get3A_375 = arith.constant 768 : index
        %get3A_376 = tpu.vector_load %arg8[%get3A_374, %get3A_375] {strides = array<i32>} : memref<32x1664xf32, #tpu.memory_space<vmem>>, vector<16xf32>,
        %mul3A_377 = arith.mulf %get3A_376, %get3A_3 : vector<16xf32>
        %swap3A_378 = arith.index_cast %scan3A_37 : i32 to index
        %swap3A_379 = arith.constant 768 : index
        %swap3A_380 = tpu.vector_load %arg9[%swap3A_378, %swap3A_379] {strides = array<i32>} : memref<32x1664xf32, #tpu.memory_space<vmem>>, vector<16xf32>,
        tpu.vector_store %arg9[%swap3A_378, %swap3A_379], %mul3A_377 {strides = array<i32>} : memref<32x1664xf32, #tpu.memory_space<vmem>>, vector<16xf32>,
        %get3A_381 = arith.index_cast %scan3A_37 : i32 to index
        %get3A_382 = arith.constant 784 : index
        %get3A_383 = tpu.vector_load %arg8[%get3A_381, %get3A_382] {strides = array<i32>} : memref<32x1664xf32, #tpu.memory_space<vmem>>, vector<16xf32>,
        %mul3A_384 = arith.mulf %get3A_383, %get3A_5 : vector<16xf32>
        %swap3A_385 = arith.index_cast %scan3A_37 : i32 to index
        %swap3A_386 = arith.constant 784 : index
        %swap3A_387 = tpu.vector_load %arg9[%swap3A_385, %swap3A_386] {strides = array<i32>} : memref<32x1664xf32, #tpu.memory_space<vmem>>, vector<16xf32>,
        tpu.vector_store %arg9[%swap3A_385, %swap3A_386], %mul3A_384 {strides = array<i32>} : memref<32x1664xf32, #tpu.memory_space<vmem>>, vector<16xf32>,
        %get3A_388 = arith.index_cast %scan3A_37 : i32 to index
        %get3A_389 = arith.constant 800 : index
        %get3A_390 = tpu.vector_load %arg8[%get3A_388, %get3A_389] {strides = array<i32>} : memref<32x1664xf32, #tpu.memory_space<vmem>>, vector<16xf32>,
        %mul3A_391 = arith.mulf %get3A_390, %get3A_7 : vector<16xf32>
        %swap3A_392 = arith.index_cast %scan3A_37 : i32 to index
        %swap3A_393 = arith.constant 800 : index
        %swap3A_394 = tpu.vector_load %arg9[%swap3A_392, %swap3A_393] {strides = array<i32>} : memref<32x1664xf32, #tpu.memory_space<vmem>>, vector<16xf32>,
        tpu.vector_store %arg9[%swap3A_392, %swap3A_393], %mul3A_391 {strides = array<i32>} : memref<32x1664xf32, #tpu.memory_space<vmem>>, vector<16xf32>,
        %get3A_395 = arith.index_cast %scan3A_37 : i32 to index
        %get3A_396 = arith.constant 816 : index
        %get3A_397 = tpu.vector_load %arg8[%get3A_395, %get3A_396] {strides = array<i32>} : memref<32x1664xf32, #tpu.memory_space<vmem>>, vector<16xf32>,
        %mul3A_398 = arith.mulf %get3A_397, %get3A_9 : vector<16xf32>
        %swap3A_399 = arith.index_cast %scan3A_37 : i32 to index
        %swap3A_400 = arith.constant 816 : index
        %swap3A_401 = tpu.vector_load %arg9[%swap3A_399, %swap3A_400] {strides = array<i32>} : memref<32x1664xf32, #tpu.memory_space<vmem>>, vector<16xf32>,
        tpu.vector_store %arg9[%swap3A_399, %swap3A_400], %mul3A_398 {strides = array<i32>} : memref<32x1664xf32, #tpu.memory_space<vmem>>, vector<16xf32>,
        %get3A_402 = arith.index_cast %scan3A_37 : i32 to index
        %get3A_403 = arith.constant 832 : index
        %get3A_404 = tpu.vector_load %arg8[%get3A_402, %get3A_403] {strides = array<i32>} : memref<32x1664xf32, #tpu.memory_space<vmem>>, vector<16xf32>,
        %mul3A_405 = arith.mulf %get3A_404, %get3A_3 : vector<16xf32>
        %swap3A_406 = arith.index_cast %scan3A_37 : i32 to index
        %swap3A_407 = arith.constant 832 : index
        %swap3A_408 = tpu.vector_load %arg9[%swap3A_406, %swap3A_407] {strides = array<i32>} : memref<32x1664xf32, #tpu.memory_space<vmem>>, vector<16xf32>,
        tpu.vector_store %arg9[%swap3A_406, %swap3A_407], %mul3A_405 {strides = array<i32>} : memref<32x1664xf32, #tpu.memory_space<vmem>>, vector<16xf32>,
        %get3A_409 = arith.index_cast %scan3A_37 : i32 to index
        %get3A_410 = arith.constant 848 : index
        %get3A_411 = tpu.vector_load %arg8[%get3A_409, %get3A_410] {strides = array<i32>} : memref<32x1664xf32, #tpu.memory_space<vmem>>, vector<16xf32>,
        %mul3A_412 = arith.mulf %get3A_411, %get3A_5 : vector<16xf32>
        %swap3A_413 = arith.index_cast %scan3A_37 : i32 to index
        %swap3A_414 = arith.constant 848 : index
        %swap3A_415 = tpu.vector_load %arg9[%swap3A_413, %swap3A_414] {strides = array<i32>} : memref<32x1664xf32, #tpu.memory_space<vmem>>, vector<16xf32>,
        tpu.vector_store %arg9[%swap3A_413, %swap3A_414], %mul3A_412 {strides = array<i32>} : memref<32x1664xf32, #tpu.memory_space<vmem>>, vector<16xf32>,
        %get3A_416 = arith.index_cast %scan3A_37 : i32 to index
        %get3A_417 = arith.constant 864 : index
        %get3A_418 = tpu.vector_load %arg8[%get3A_416, %get3A_417] {strides = array<i32>} : memref<32x1664xf32, #tpu.memory_space<vmem>>, vector<16xf32>,
        %mul3A_419 = arith.mulf %get3A_418, %get3A_7 : vector<16xf32>
        %swap3A_420 = arith.index_cast %scan3A_37 : i32 to index
        %swap3A_421 = arith.constant 864 : index
        %swap3A_422 = tpu.vector_load %arg9[%swap3A_420, %swap3A_421] {strides = array<i32>} : memref<32x1664xf32, #tpu.memory_space<vmem>>, vector<16xf32>,
        tpu.vector_store %arg9[%swap3A_420, %swap3A_421], %mul3A_419 {strides = array<i32>} : memref<32x1664xf32, #tpu.memory_space<vmem>>, vector<16xf32>,
        %get3A_423 = arith.index_cast %scan3A_37 : i32 to index
        %get3A_424 = arith.constant 880 : index
        %get3A_425 = tpu.vector_load %arg8[%get3A_423, %get3A_424] {strides = array<i32>} : memref<32x1664xf32, #tpu.memory_space<vmem>>, vector<16xf32>,
        %mul3A_426 = arith.mulf %get3A_425, %get3A_9 : vector<16xf32>
        %swap3A_427 = arith.index_cast %scan3A_37 : i32 to index
        %swap3A_428 = arith.constant 880 : index
        %swap3A_429 = tpu.vector_load %arg9[%swap3A_427, %swap3A_428] {strides = array<i32>} : memref<32x1664xf32, #tpu.memory_space<vmem>>, vector<16xf32>,
        tpu.vector_store %arg9[%swap3A_427, %swap3A_428], %mul3A_426 {strides = array<i32>} : memref<32x1664xf32, #tpu.memory_space<vmem>>, vector<16xf32>,
        %get3A_430 = arith.index_cast %scan3A_37 : i32 to index
        %get3A_431 = arith.constant 896 : index
        %get3A_432 = tpu.vector_load %arg8[%get3A_430, %get3A_431] {strides = array<i32>} : memref<32x1664xf32, #tpu.memory_space<vmem>>, vector<16xf32>,
        %mul3A_433 = arith.mulf %get3A_432, %get3A_3 : vector<16xf32>
        %swap3A_434 = arith.index_cast %scan3A_37 : i32 to index
        %swap3A_435 = arith.constant 896 : index
        %swap3A_436 = tpu.vector_load %arg9[%swap3A_434, %swap3A_435] {strides = array<i32>} : memref<32x1664xf32, #tpu.memory_space<vmem>>, vector<16xf32>,
        tpu.vector_store %arg9[%swap3A_434, %swap3A_435], %mul3A_433 {strides = array<i32>} : memref<32x1664xf32, #tpu.memory_space<vmem>>, vector<16xf32>,
        %get3A_437 = arith.index_cast %scan3A_37 : i32 to index
        %get3A_438 = arith.constant 912 : index
        %get3A_439 = tpu.vector_load %arg8[%get3A_437, %get3A_438] {strides = array<i32>} : memref<32x1664xf32, #tpu.memory_space<vmem>>, vector<16xf32>,
        %mul3A_440 = arith.mulf %get3A_439, %get3A_5 : vector<16xf32>
        %swap3A_441 = arith.index_cast %scan3A_37 : i32 to index
        %swap3A_442 = arith.constant 912 : index
        %swap3A_443 = tpu.vector_load %arg9[%swap3A_441, %swap3A_442] {strides = array<i32>} : memref<32x1664xf32, #tpu.memory_space<vmem>>, vector<16xf32>,
        tpu.vector_store %arg9[%swap3A_441, %swap3A_442], %mul3A_440 {strides = array<i32>} : memref<32x1664xf32, #tpu.memory_space<vmem>>, vector<16xf32>,
        %get3A_444 = arith.index_cast %scan3A_37 : i32 to index
        %get3A_445 = arith.constant 928 : index
        %get3A_446 = tpu.vector_load %arg8[%get3A_444, %get3A_445] {strides = array<i32>} : memref<32x1664xf32, #tpu.memory_space<vmem>>, vector<16xf32>,
        %mul3A_447 = arith.mulf %get3A_446, %get3A_7 : vector<16xf32>
        %swap3A_448 = arith.index_cast %scan3A_37 : i32 to index
        %swap3A_449 = arith.constant 928 : index
        %swap3A_450 = tpu.vector_load %arg9[%swap3A_448, %swap3A_449] {strides = array<i32>} : memref<32x1664xf32, #tpu.memory_space<vmem>>, vector<16xf32>,
        tpu.vector_store %arg9[%swap3A_448, %swap3A_449], %mul3A_447 {strides = array<i32>} : memref<32x1664xf32, #tpu.memory_space<vmem>>, vector<16xf32>,
        %get3A_451 = arith.index_cast %scan3A_37 : i32 to index
        %get3A_452 = arith.constant 944 : index
        %get3A_453 = tpu.vector_load %arg8[%get3A_451, %get3A_452] {strides = array<i32>} : memref<32x1664xf32, #tpu.memory_space<vmem>>, vector<16xf32>,
        %mul3A_454 = arith.mulf %get3A_453, %get3A_9 : vector<16xf32>
        %swap3A_455 = arith.index_cast %scan3A_37 : i32 to index
        %swap3A_456 = arith.constant 944 : index
        %swap3A_457 = tpu.vector_load %arg9[%swap3A_455, %swap3A_456] {strides = array<i32>} : memref<32x1664xf32, #tpu.memory_space<vmem>>, vector<16xf32>,
        tpu.vector_store %arg9[%swap3A_455, %swap3A_456], %mul3A_454 {strides = array<i32>} : memref<32x1664xf32, #tpu.memory_space<vmem>>, vector<16xf32>,
        %get3A_458 = arith.index_cast %scan3A_37 : i32 to index
        %get3A_459 = arith.constant 960 : index
        %get3A_460 = tpu.vector_load %arg8[%get3A_458, %get3A_459] {strides = array<i32>} : memref<32x1664xf32, #tpu.memory_space<vmem>>, vector<16xf32>,
        %mul3A_461 = arith.mulf %get3A_460, %get3A_3 : vector<16xf32>
        %swap3A_462 = arith.index_cast %scan3A_37 : i32 to index
        %swap3A_463 = arith.constant 960 : index
        %swap3A_464 = tpu.vector_load %arg9[%swap3A_462, %swap3A_463] {strides = array<i32>} : memref<32x1664xf32, #tpu.memory_space<vmem>>, vector<16xf32>,
        tpu.vector_store %arg9[%swap3A_462, %swap3A_463], %mul3A_461 {strides = array<i32>} : memref<32x1664xf32, #tpu.memory_space<vmem>>, vector<16xf32>,
        %get3A_465 = arith.index_cast %scan3A_37 : i32 to index
        %get3A_466 = arith.constant 976 : index
        %get3A_467 = tpu.vector_load %arg8[%get3A_465, %get3A_466] {strides = array<i32>} : memref<32x1664xf32, #tpu.memory_space<vmem>>, vector<16xf32>,
        %mul3A_468 = arith.mulf %get3A_467, %get3A_5 : vector<16xf32>
        %swap3A_469 = arith.index_cast %scan3A_37 : i32 to index
        %swap3A_470 = arith.constant 976 : index
        %swap3A_471 = tpu.vector_load %arg9[%swap3A_469, %swap3A_470] {strides = array<i32>} : memref<32x1664xf32, #tpu.memory_space<vmem>>, vector<16xf32>,
        tpu.vector_store %arg9[%swap3A_469, %swap3A_470], %mul3A_468 {strides = array<i32>} : memref<32x1664xf32, #tpu.memory_space<vmem>>, vector<16xf32>,
        %get3A_472 = arith.index_cast %scan3A_37 : i32 to index
        %get3A_473 = arith.constant 992 : index
        %get3A_474 = tpu.vector_load %arg8[%get3A_472, %get3A_473] {strides = array<i32>} : memref<32x1664xf32, #tpu.memory_space<vmem>>, vector<16xf32>,
        %mul3A_475 = arith.mulf %get3A_474, %get3A_7 : vector<16xf32>
        %swap3A_476 = arith.index_cast %scan3A_37 : i32 to index
        %swap3A_477 = arith.constant 992 : index
        %swap3A_478 = tpu.vector_load %arg9[%swap3A_476, %swap3A_477] {strides = array<i32>} : memref<32x1664xf32, #tpu.memory_space<vmem>>, vector<16xf32>,
        tpu.vector_store %arg9[%swap3A_476, %swap3A_477], %mul3A_475 {strides = array<i32>} : memref<32x1664xf32, #tpu.memory_space<vmem>>, vector<16xf32>,
        %get3A_479 = arith.index_cast %scan3A_37 : i32 to index
        %get3A_480 = arith.constant 1008 : index
        %get3A_481 = tpu.vector_load %arg8[%get3A_479, %get3A_480] {strides = array<i32>} : memref<32x1664xf32, #tpu.memory_space<vmem>>, vector<16xf32>,
        %mul3A_482 = arith.mulf %get3A_481, %get3A_9 : vector<16xf32>
        %swap3A_483 = arith.index_cast %scan3A_37 : i32 to index
        %swap3A_484 = arith.constant 1008 : index
        %swap3A_485 = tpu.vector_load %arg9[%swap3A_483, %swap3A_484] {strides = array<i32>} : memref<32x1664xf32, #tpu.memory_space<vmem>>, vector<16xf32>,
        tpu.vector_store %arg9[%swap3A_483, %swap3A_484], %mul3A_482 {strides = array<i32>} : memref<32x1664xf32, #tpu.memory_space<vmem>>, vector<16xf32>,
        %get3A_486 = arith.index_cast %scan3A_37 : i32 to index
        %get3A_487 = arith.constant 1024 : index
        %get3A_488 = tpu.vector_load %arg8[%get3A_486, %get3A_487] {strides = array<i32>} : memref<32x1664xf32, #tpu.memory_space<vmem>>, vector<16xf32>,
        %mul3A_489 = arith.mulf %get3A_488, %get3A_3 : vector<16xf32>
        %swap3A_490 = arith.index_cast %scan3A_37 : i32 to index
        %swap3A_491 = arith.constant 1024 : index
        %swap3A_492 = tpu.vector_load %arg9[%swap3A_490, %swap3A_491] {strides = array<i32>} : memref<32x1664xf32, #tpu.memory_space<vmem>>, vector<16xf32>,
        tpu.vector_store %arg9[%swap3A_490, %swap3A_491], %mul3A_489 {strides = array<i32>} : memref<32x1664xf32, #tpu.memory_space<vmem>>, vector<16xf32>,
        %get3A_493 = arith.index_cast %scan3A_37 : i32 to index
        %get3A_494 = arith.constant 1040 : index
        %get3A_495 = tpu.vector_load %arg8[%get3A_493, %get3A_494] {strides = array<i32>} : memref<32x1664xf32, #tpu.memory_space<vmem>>, vector<16xf32>,
        %mul3A_496 = arith.mulf %get3A_495, %get3A_5 : vector<16xf32>
        %swap3A_497 = arith.index_cast %scan3A_37 : i32 to index
        %swap3A_498 = arith.constant 1040 : index
        %swap3A_499 = tpu.vector_load %arg9[%swap3A_497, %swap3A_498] {strides = array<i32>} : memref<32x1664xf32, #tpu.memory_space<vmem>>, vector<16xf32>,
        tpu.vector_store %arg9[%swap3A_497, %swap3A_498], %mul3A_496 {strides = array<i32>} : memref<32x1664xf32, #tpu.memory_space<vmem>>, vector<16xf32>,
        %get3A_500 = arith.index_cast %scan3A_37 : i32 to index
        %get3A_501 = arith.constant 1056 : index
        %get3A_502 = tpu.vector_load %arg8[%get3A_500, %get3A_501] {strides = array<i32>} : memref<32x1664xf32, #tpu.memory_space<vmem>>, vector<16xf32>,
        %mul3A_503 = arith.mulf %get3A_502, %get3A_7 : vector<16xf32>
        %swap3A_504 = arith.index_cast %scan3A_37 : i32 to index
        %swap3A_505 = arith.constant 1056 : index
        %swap3A_506 = tpu.vector_load %arg9[%swap3A_504, %swap3A_505] {strides = array<i32>} : memref<32x1664xf32, #tpu.memory_space<vmem>>, vector<16xf32>,
        tpu.vector_store %arg9[%swap3A_504, %swap3A_505], %mul3A_503 {strides = array<i32>} : memref<32x1664xf32, #tpu.memory_space<vmem>>, vector<16xf32>,
        %get3A_507 = arith.index_cast %scan3A_37 : i32 to index
        %get3A_508 = arith.constant 1072 : index
        %get3A_509 = tpu.vector_load %arg8[%get3A_507, %get3A_508] {strides = array<i32>} : memref<32x1664xf32, #tpu.memory_space<vmem>>, vector<16xf32>,
        %mul3A_510 = arith.mulf %get3A_509, %get3A_9 : vector<16xf32>
        %swap3A_511 = arith.index_cast %scan3A_37 : i32 to index
        %swap3A_512 = arith.constant 1072 : index
        %swap3A_513 = tpu.vector_load %arg9[%swap3A_511, %swap3A_512] {strides = array<i32>} : memref<32x1664xf32, #tpu.memory_space<vmem>>, vector<16xf32>,
        tpu.vector_store %arg9[%swap3A_511, %swap3A_512], %mul3A_510 {strides = array<i32>} : memref<32x1664xf32, #tpu.memory_space<vmem>>, vector<16xf32>,
        %get3A_514 = arith.index_cast %scan3A_37 : i32 to index
        %get3A_515 = arith.constant 1088 : index
        %get3A_516 = tpu.vector_load %arg8[%get3A_514, %get3A_515] {strides = array<i32>} : memref<32x1664xf32, #tpu.memory_space<vmem>>, vector<16xf32>,
        %mul3A_517 = arith.mulf %get3A_516, %get3A_3 : vector<16xf32>
        %swap3A_518 = arith.index_cast %scan3A_37 : i32 to index
        %swap3A_519 = arith.constant 1088 : index
        %swap3A_520 = tpu.vector_load %arg9[%swap3A_518, %swap3A_519] {strides = array<i32>} : memref<32x1664xf32, #tpu.memory_space<vmem>>, vector<16xf32>,
        tpu.vector_store %arg9[%swap3A_518, %swap3A_519], %mul3A_517 {strides = array<i32>} : memref<32x1664xf32, #tpu.memory_space<vmem>>, vector<16xf32>,
        %get3A_521 = arith.index_cast %scan3A_37 : i32 to index
        %get3A_522 = arith.constant 1104 : index
        %get3A_523 = tpu.vector_load %arg8[%get3A_521, %get3A_522] {strides = array<i32>} : memref<32x1664xf32, #tpu.memory_space<vmem>>, vector<16xf32>,
        %mul3A_524 = arith.mulf %get3A_523, %get3A_5 : vector<16xf32>
        %swap3A_525 = arith.index_cast %scan3A_37 : i32 to index
        %swap3A_526 = arith.constant 1104 : index
        %swap3A_527 = tpu.vector_load %arg9[%swap3A_525, %swap3A_526] {strides = array<i32>} : memref<32x1664xf32, #tpu.memory_space<vmem>>, vector<16xf32>,
        tpu.vector_store %arg9[%swap3A_525, %swap3A_526], %mul3A_524 {strides = array<i32>} : memref<32x1664xf32, #tpu.memory_space<vmem>>, vector<16xf32>,
        %get3A_528 = arith.index_cast %scan3A_37 : i32 to index
        %get3A_529 = arith.constant 1120 : index
        %get3A_530 = tpu.vector_load %arg8[%get3A_528, %get3A_529] {strides = array<i32>} : memref<32x1664xf32, #tpu.memory_space<vmem>>, vector<16xf32>,
        %mul3A_531 = arith.mulf %get3A_530, %get3A_7 : vector<16xf32>
        %swap3A_532 = arith.index_cast %scan3A_37 : i32 to index
        %swap3A_533 = arith.constant 1120 : index
        %swap3A_534 = tpu.vector_load %arg9[%swap3A_532, %swap3A_533] {strides = array<i32>} : memref<32x1664xf32, #tpu.memory_space<vmem>>, vector<16xf32>,
        tpu.vector_store %arg9[%swap3A_532, %swap3A_533], %mul3A_531 {strides = array<i32>} : memref<32x1664xf32, #tpu.memory_space<vmem>>, vector<16xf32>,
        %get3A_535 = arith.index_cast %scan3A_37 : i32 to index
        %get3A_536 = arith.constant 1136 : index
        %get3A_537 = tpu.vector_load %arg8[%get3A_535, %get3A_536] {strides = array<i32>} : memref<32x1664xf32, #tpu.memory_space<vmem>>, vector<16xf32>,
        %mul3A_538 = arith.mulf %get3A_537, %get3A_9 : vector<16xf32>
        %swap3A_539 = arith.index_cast %scan3A_37 : i32 to index
        %swap3A_540 = arith.constant 1136 : index
        %swap3A_541 = tpu.vector_load %arg9[%swap3A_539, %swap3A_540] {strides = array<i32>} : memref<32x1664xf32, #tpu.memory_space<vmem>>, vector<16xf32>,
        tpu.vector_store %arg9[%swap3A_539, %swap3A_540], %mul3A_538 {strides = array<i32>} : memref<32x1664xf32, #tpu.memory_space<vmem>>, vector<16xf32>,
        %get3A_542 = arith.index_cast %scan3A_37 : i32 to index
        %get3A_543 = arith.constant 1152 : index
        %get3A_544 = tpu.vector_load %arg8[%get3A_542, %get3A_543] {strides = array<i32>} : memref<32x1664xf32, #tpu.memory_space<vmem>>, vector<16xf32>,
        %mul3A_545 = arith.mulf %get3A_544, %get3A_3 : vector<16xf32>
        %swap3A_546 = arith.index_cast %scan3A_37 : i32 to index
        %swap3A_547 = arith.constant 1152 : index
        %swap3A_548 = tpu.vector_load %arg9[%swap3A_546, %swap3A_547] {strides = array<i32>} : memref<32x1664xf32, #tpu.memory_space<vmem>>, vector<16xf32>,
        tpu.vector_store %arg9[%swap3A_546, %swap3A_547], %mul3A_545 {strides = array<i32>} : memref<32x1664xf32, #tpu.memory_space<vmem>>, vector<16xf32>,
        %get3A_549 = arith.index_cast %scan3A_37 : i32 to index
        %get3A_550 = arith.constant 1168 : index
        %get3A_551 = tpu.vector_load %arg8[%get3A_549, %get3A_550] {strides = array<i32>} : memref<32x1664xf32, #tpu.memory_space<vmem>>, vector<16xf32>,
        %mul3A_552 = arith.mulf %get3A_551, %get3A_5 : vector<16xf32>
        %swap3A_553 = arith.index_cast %scan3A_37 : i32 to index
        %swap3A_554 = arith.constant 1168 : index
        %swap3A_555 = tpu.vector_load %arg9[%swap3A_553, %swap3A_554] {strides = array<i32>} : memref<32x1664xf32, #tpu.memory_space<vmem>>, vector<16xf32>,
        tpu.vector_store %arg9[%swap3A_553, %swap3A_554], %mul3A_552 {strides = array<i32>} : memref<32x1664xf32, #tpu.memory_space<vmem>>, vector<16xf32>,
        %get3A_556 = arith.index_cast %scan3A_37 : i32 to index
        %get3A_557 = arith.constant 1184 : index
        %get3A_558 = tpu.vector_load %arg8[%get3A_556, %get3A_557] {strides = array<i32>} : memref<32x1664xf32, #tpu.memory_space<vmem>>, vector<16xf32>,
        %mul3A_559 = arith.mulf %get3A_558, %get3A_7 : vector<16xf32>
        %swap3A_560 = arith.index_cast %scan3A_37 : i32 to index
        %swap3A_561 = arith.constant 1184 : index
        %swap3A_562 = tpu.vector_load %arg9[%swap3A_560, %swap3A_561] {strides = array<i32>} : memref<32x1664xf32, #tpu.memory_space<vmem>>, vector<16xf32>,
        tpu.vector_store %arg9[%swap3A_560, %swap3A_561], %mul3A_559 {strides = array<i32>} : memref<32x1664xf32, #tpu.memory_space<vmem>>, vector<16xf32>,
        %get3A_563 = arith.index_cast %scan3A_37 : i32 to index
        %get3A_564 = arith.constant 1200 : index
        %get3A_565 = tpu.vector_load %arg8[%get3A_563, %get3A_564] {strides = array<i32>} : memref<32x1664xf32, #tpu.memory_space<vmem>>, vector<16xf32>,
        %mul3A_566 = arith.mulf %get3A_565, %get3A_9 : vector<16xf32>
        %swap3A_567 = arith.index_cast %scan3A_37 : i32 to index
        %swap3A_568 = arith.constant 1200 : index
        %swap3A_569 = tpu.vector_load %arg9[%swap3A_567, %swap3A_568] {strides = array<i32>} : memref<32x1664xf32, #tpu.memory_space<vmem>>, vector<16xf32>,
        tpu.vector_store %arg9[%swap3A_567, %swap3A_568], %mul3A_566 {strides = array<i32>} : memref<32x1664xf32, #tpu.memory_space<vmem>>, vector<16xf32>,
        %get3A_570 = arith.index_cast %scan3A_37 : i32 to index
        %get3A_571 = arith.constant 1216 : index
        %get3A_572 = tpu.vector_load %arg8[%get3A_570, %get3A_571] {strides = array<i32>} : memref<32x1664xf32, #tpu.memory_space<vmem>>, vector<16xf32>,
        %mul3A_573 = arith.mulf %get3A_572, %get3A_3 : vector<16xf32>
        %swap3A_574 = arith.index_cast %scan3A_37 : i32 to index
        %swap3A_575 = arith.constant 1216 : index
        %swap3A_576 = tpu.vector_load %arg9[%swap3A_574, %swap3A_575] {strides = array<i32>} : memref<32x1664xf32, #tpu.memory_space<vmem>>, vector<16xf32>,
        tpu.vector_store %arg9[%swap3A_574, %swap3A_575], %mul3A_573 {strides = array<i32>} : memref<32x1664xf32, #tpu.memory_space<vmem>>, vector<16xf32>,
        %get3A_577 = arith.index_cast %scan3A_37 : i32 to index
        %get3A_578 = arith.constant 1232 : index
        %get3A_579 = tpu.vector_load %arg8[%get3A_577, %get3A_578] {strides = array<i32>} : memref<32x1664xf32, #tpu.memory_space<vmem>>, vector<16xf32>,
        %mul3A_580 = arith.mulf %get3A_579, %get3A_5 : vector<16xf32>
        %swap3A_581 = arith.index_cast %scan3A_37 : i32 to index
        %swap3A_582 = arith.constant 1232 : index
        %swap3A_583 = tpu.vector_load %arg9[%swap3A_581, %swap3A_582] {strides = array<i32>} : memref<32x1664xf32, #tpu.memory_space<vmem>>, vector<16xf32>,
        tpu.vector_store %arg9[%swap3A_581, %swap3A_582], %mul3A_580 {strides = array<i32>} : memref<32x1664xf32, #tpu.memory_space<vmem>>, vector<16xf32>,
        %get3A_584 = arith.index_cast %scan3A_37 : i32 to index
        %get3A_585 = arith.constant 1248 : index
        %get3A_586 = tpu.vector_load %arg8[%get3A_584, %get3A_585] {strides = array<i32>} : memref<32x1664xf32, #tpu.memory_space<vmem>>, vector<16xf32>,
        %mul3A_587 = arith.mulf %get3A_586, %get3A_7 : vector<16xf32>
        %swap3A_588 = arith.index_cast %scan3A_37 : i32 to index
        %swap3A_589 = arith.constant 1248 : index
        %swap3A_590 = tpu.vector_load %arg9[%swap3A_588, %swap3A_589] {strides = array<i32>} : memref<32x1664xf32, #tpu.memory_space<vmem>>, vector<16xf32>,
        tpu.vector_store %arg9[%swap3A_588, %swap3A_589], %mul3A_587 {strides = array<i32>} : memref<32x1664xf32, #tpu.memory_space<vmem>>, vector<16xf32>,
        %get3A_591 = arith.index_cast %scan3A_37 : i32 to index
        %get3A_592 = arith.constant 1264 : index
        %get3A_593 = tpu.vector_load %arg8[%get3A_591, %get3A_592] {strides = array<i32>} : memref<32x1664xf32, #tpu.memory_space<vmem>>, vector<16xf32>,
        %mul3A_594 = arith.mulf %get3A_593, %get3A_9 : vector<16xf32>
        %swap3A_595 = arith.index_cast %scan3A_37 : i32 to index
        %swap3A_596 = arith.constant 1264 : index
        %swap3A_597 = tpu.vector_load %arg9[%swap3A_595, %swap3A_596] {strides = array<i32>} : memref<32x1664xf32, #tpu.memory_space<vmem>>, vector<16xf32>,
        tpu.vector_store %arg9[%swap3A_595, %swap3A_596], %mul3A_594 {strides = array<i32>} : memref<32x1664xf32, #tpu.memory_space<vmem>>, vector<16xf32>,
        %get3A_598 = arith.index_cast %scan3A_37 : i32 to index
        %get3A_599 = arith.constant 1280 : index
        %get3A_600 = tpu.vector_load %arg8[%get3A_598, %get3A_599] {strides = array<i32>} : memref<32x1664xf32, #tpu.memory_space<vmem>>, vector<16xf32>,
        %mul3A_601 = arith.mulf %get3A_600, %get3A_3 : vector<16xf32>
        %swap3A_602 = arith.index_cast %scan3A_37 : i32 to index
        %swap3A_603 = arith.constant 1280 : index
        %swap3A_604 = tpu.vector_load %arg9[%swap3A_602, %swap3A_603] {strides = array<i32>} : memref<32x1664xf32, #tpu.memory_space<vmem>>, vector<16xf32>,
        tpu.vector_store %arg9[%swap3A_602, %swap3A_603], %mul3A_601 {strides = array<i32>} : memref<32x1664xf32, #tpu.memory_space<vmem>>, vector<16xf32>,
        %get3A_605 = arith.index_cast %scan3A_37 : i32 to index
        %get3A_606 = arith.constant 1296 : index
        %get3A_607 = tpu.vector_load %arg8[%get3A_605, %get3A_606] {strides = array<i32>} : memref<32x1664xf32, #tpu.memory_space<vmem>>, vector<16xf32>,
        %mul3A_608 = arith.mulf %get3A_607, %get3A_5 : vector<16xf32>
        %swap3A_609 = arith.index_cast %scan3A_37 : i32 to index
        %swap3A_610 = arith.constant 1296 : index
        %swap3A_611 = tpu.vector_load %arg9[%swap3A_609, %swap3A_610] {strides = array<i32>} : memref<32x1664xf32, #tpu.memory_space<vmem>>, vector<16xf32>,
        tpu.vector_store %arg9[%swap3A_609, %swap3A_610], %mul3A_608 {strides = array<i32>} : memref<32x1664xf32, #tpu.memory_space<vmem>>, vector<16xf32>,
        %get3A_612 = arith.index_cast %scan3A_37 : i32 to index
        %get3A_613 = arith.constant 1312 : index
        %get3A_614 = tpu.vector_load %arg8[%get3A_612, %get3A_613] {strides = array<i32>} : memref<32x1664xf32, #tpu.memory_space<vmem>>, vector<16xf32>,
        %mul3A_615 = arith.mulf %get3A_614, %get3A_7 : vector<16xf32>
        %swap3A_616 = arith.index_cast %scan3A_37 : i32 to index
        %swap3A_617 = arith.constant 1312 : index
        %swap3A_618 = tpu.vector_load %arg9[%swap3A_616, %swap3A_617] {strides = array<i32>} : memref<32x1664xf32, #tpu.memory_space<vmem>>, vector<16xf32>,
        tpu.vector_store %arg9[%swap3A_616, %swap3A_617], %mul3A_615 {strides = array<i32>} : memref<32x1664xf32, #tpu.memory_space<vmem>>, vector<16xf32>,
        %get3A_619 = arith.index_cast %scan3A_37 : i32 to index
        %get3A_620 = arith.constant 1328 : index
        %get3A_621 = tpu.vector_load %arg8[%get3A_619, %get3A_620] {strides = array<i32>} : memref<32x1664xf32, #tpu.memory_space<vmem>>, vector<16xf32>,
        %mul3A_622 = arith.mulf %get3A_621, %get3A_9 : vector<16xf32>
        %swap3A_623 = arith.index_cast %scan3A_37 : i32 to index
        %swap3A_624 = arith.constant 1328 : index
        %swap3A_625 = tpu.vector_load %arg9[%swap3A_623, %swap3A_624] {strides = array<i32>} : memref<32x1664xf32, #tpu.memory_space<vmem>>, vector<16xf32>,
        tpu.vector_store %arg9[%swap3A_623, %swap3A_624], %mul3A_622 {strides = array<i32>} : memref<32x1664xf32, #tpu.memory_space<vmem>>, vector<16xf32>,
        %get3A_626 = arith.index_cast %scan3A_37 : i32 to index
        %get3A_627 = arith.constant 1344 : index
        %get3A_628 = tpu.vector_load %arg8[%get3A_626, %get3A_627] {strides = array<i32>} : memref<32x1664xf32, #tpu.memory_space<vmem>>, vector<16xf32>,
        %mul3A_629 = arith.mulf %get3A_628, %get3A_3 : vector<16xf32>
        %swap3A_630 = arith.index_cast %scan3A_37 : i32 to index
        %swap3A_631 = arith.constant 1344 : index
        %swap3A_632 = tpu.vector_load %arg9[%swap3A_630, %swap3A_631] {strides = array<i32>} : memref<32x1664xf32, #tpu.memory_space<vmem>>, vector<16xf32>,
        tpu.vector_store %arg9[%swap3A_630, %swap3A_631], %mul3A_629 {strides = array<i32>} : memref<32x1664xf32, #tpu.memory_space<vmem>>, vector<16xf32>,
        %get3A_633 = arith.index_cast %scan3A_37 : i32 to index
        %get3A_634 = arith.constant 1360 : index
        %get3A_635 = tpu.vector_load %arg8[%get3A_633, %get3A_634] {strides = array<i32>} : memref<32x1664xf32, #tpu.memory_space<vmem>>, vector<16xf32>,
        %mul3A_636 = arith.mulf %get3A_635, %get3A_5 : vector<16xf32>
        %swap3A_637 = arith.index_cast %scan3A_37 : i32 to index
        %swap3A_638 = arith.constant 1360 : index
        %swap3A_639 = tpu.vector_load %arg9[%swap3A_637, %swap3A_638] {strides = array<i32>} : memref<32x1664xf32, #tpu.memory_space<vmem>>, vector<16xf32>,
        tpu.vector_store %arg9[%swap3A_637, %swap3A_638], %mul3A_636 {strides = array<i32>} : memref<32x1664xf32, #tpu.memory_space<vmem>>, vector<16xf32>,
        %get3A_640 = arith.index_cast %scan3A_37 : i32 to index
        %get3A_641 = arith.constant 1376 : index
        %get3A_642 = tpu.vector_load %arg8[%get3A_640, %get3A_641] {strides = array<i32>} : memref<32x1664xf32, #tpu.memory_space<vmem>>, vector<16xf32>,
        %mul3A_643 = arith.mulf %get3A_642, %get3A_7 : vector<16xf32>
        %swap3A_644 = arith.index_cast %scan3A_37 : i32 to index
        %swap3A_645 = arith.constant 1376 : index
        %swap3A_646 = tpu.vector_load %arg9[%swap3A_644, %swap3A_645] {strides = array<i32>} : memref<32x1664xf32, #tpu.memory_space<vmem>>, vector<16xf32>,
        tpu.vector_store %arg9[%swap3A_644, %swap3A_645], %mul3A_643 {strides = array<i32>} : memref<32x1664xf32, #tpu.memory_space<vmem>>, vector<16xf32>,
        %get3A_647 = arith.index_cast %scan3A_37 : i32 to index
        %get3A_648 = arith.constant 1392 : index
        %get3A_649 = tpu.vector_load %arg8[%get3A_647, %get3A_648] {strides = array<i32>} : memref<32x1664xf32, #tpu.memory_space<vmem>>, vector<16xf32>,
        %mul3A_650 = arith.mulf %get3A_649, %get3A_9 : vector<16xf32>
        %swap3A_651 = arith.index_cast %scan3A_37 : i32 to index
        %swap3A_652 = arith.constant 1392 : index
        %swap3A_653 = tpu.vector_load %arg9[%swap3A_651, %swap3A_652] {strides = array<i32>} : memref<32x1664xf32, #tpu.memory_space<vmem>>, vector<16xf32>,
        tpu.vector_store %arg9[%swap3A_651, %swap3A_652], %mul3A_650 {strides = array<i32>} : memref<32x1664xf32, #tpu.memory_space<vmem>>, vector<16xf32>,
        %get3A_654 = arith.index_cast %scan3A_37 : i32 to index
        %get3A_655 = arith.constant 1408 : index
        %get3A_656 = tpu.vector_load %arg8[%get3A_654, %get3A_655] {strides = array<i32>} : memref<32x1664xf32, #tpu.memory_space<vmem>>, vector<16xf32>,
        %mul3A_657 = arith.mulf %get3A_656, %get3A_3 : vector<16xf32>
        %swap3A_658 = arith.index_cast %scan3A_37 : i32 to index
        %swap3A_659 = arith.constant 1408 : index
        %swap3A_660 = tpu.vector_load %arg9[%swap3A_658, %swap3A_659] {strides = array<i32>} : memref<32x1664xf32, #tpu.memory_space<vmem>>, vector<16xf32>,
        tpu.vector_store %arg9[%swap3A_658, %swap3A_659], %mul3A_657 {strides = array<i32>} : memref<32x1664xf32, #tpu.memory_space<vmem>>, vector<16xf32>,
        %get3A_661 = arith.index_cast %scan3A_37 : i32 to index
        %get3A_662 = arith.constant 1424 : index
        %get3A_663 = tpu.vector_load %arg8[%get3A_661, %get3A_662] {strides = array<i32>} : memref<32x1664xf32, #tpu.memory_space<vmem>>, vector<16xf32>,
        %mul3A_664 = arith.mulf %get3A_663, %get3A_5 : vector<16xf32>
        %swap3A_665 = arith.index_cast %scan3A_37 : i32 to index
        %swap3A_666 = arith.constant 1424 : index
        %swap3A_667 = tpu.vector_load %arg9[%swap3A_665, %swap3A_666] {strides = array<i32>} : memref<32x1664xf32, #tpu.memory_space<vmem>>, vector<16xf32>,
        tpu.vector_store %arg9[%swap3A_665, %swap3A_666], %mul3A_664 {strides = array<i32>} : memref<32x1664xf32, #tpu.memory_space<vmem>>, vector<16xf32>,
        %get3A_668 = arith.index_cast %scan3A_37 : i32 to index
        %get3A_669 = arith.constant 1440 : index
        %get3A_670 = tpu.vector_load %arg8[%get3A_668, %get3A_669] {strides = array<i32>} : memref<32x1664xf32, #tpu.memory_space<vmem>>, vector<16xf32>,
        %mul3A_671 = arith.mulf %get3A_670, %get3A_7 : vector<16xf32>
        %swap3A_672 = arith.index_cast %scan3A_37 : i32 to index
        %swap3A_673 = arith.constant 1440 : index
        %swap3A_674 = tpu.vector_load %arg9[%swap3A_672, %swap3A_673] {strides = array<i32>} : memref<32x1664xf32, #tpu.memory_space<vmem>>, vector<16xf32>,
        tpu.vector_store %arg9[%swap3A_672, %swap3A_673], %mul3A_671 {strides = array<i32>} : memref<32x1664xf32, #tpu.memory_space<vmem>>, vector<16xf32>,
        %get3A_675 = arith.index_cast %scan3A_37 : i32 to index
        %get3A_676 = arith.constant 1456 : index
        %get3A_677 = tpu.vector_load %arg8[%get3A_675, %get3A_676] {strides = array<i32>} : memref<32x1664xf32, #tpu.memory_space<vmem>>, vector<16xf32>,
        %mul3A_678 = arith.mulf %get3A_677, %get3A_9 : vector<16xf32>
        %swap3A_679 = arith.index_cast %scan3A_37 : i32 to index
        %swap3A_680 = arith.constant 1456 : index
        %swap3A_681 = tpu.vector_load %arg9[%swap3A_679, %swap3A_680] {strides = array<i32>} : memref<32x1664xf32, #tpu.memory_space<vmem>>, vector<16xf32>,
        tpu.vector_store %arg9[%swap3A_679, %swap3A_680], %mul3A_678 {strides = array<i32>} : memref<32x1664xf32, #tpu.memory_space<vmem>>, vector<16xf32>,
        %get3A_682 = arith.index_cast %scan3A_37 : i32 to index
        %get3A_683 = arith.constant 1472 : index
        %get3A_684 = tpu.vector_load %arg8[%get3A_682, %get3A_683] {strides = array<i32>} : memref<32x1664xf32, #tpu.memory_space<vmem>>, vector<16xf32>,
        %mul3A_685 = arith.mulf %get3A_684, %get3A_3 : vector<16xf32>
        %swap3A_686 = arith.index_cast %scan3A_37 : i32 to index
        %swap3A_687 = arith.constant 1472 : index
        %swap3A_688 = tpu.vector_load %arg9[%swap3A_686, %swap3A_687] {strides = array<i32>} : memref<32x1664xf32, #tpu.memory_space<vmem>>, vector<16xf32>,
        tpu.vector_store %arg9[%swap3A_686, %swap3A_687], %mul3A_685 {strides = array<i32>} : memref<32x1664xf32, #tpu.memory_space<vmem>>, vector<16xf32>,
        %get3A_689 = arith.index_cast %scan3A_37 : i32 to index
        %get3A_690 = arith.constant 1488 : index
        %get3A_691 = tpu.vector_load %arg8[%get3A_689, %get3A_690] {strides = array<i32>} : memref<32x1664xf32, #tpu.memory_space<vmem>>, vector<16xf32>,
        %mul3A_692 = arith.mulf %get3A_691, %get3A_5 : vector<16xf32>
        %swap3A_693 = arith.index_cast %scan3A_37 : i32 to index
        %swap3A_694 = arith.constant 1488 : index
        %swap3A_695 = tpu.vector_load %arg9[%swap3A_693, %swap3A_694] {strides = array<i32>} : memref<32x1664xf32, #tpu.memory_space<vmem>>, vector<16xf32>,
        tpu.vector_store %arg9[%swap3A_693, %swap3A_694], %mul3A_692 {strides = array<i32>} : memref<32x1664xf32, #tpu.memory_space<vmem>>, vector<16xf32>,
        %get3A_696 = arith.index_cast %scan3A_37 : i32 to index
        %get3A_697 = arith.constant 1504 : index
        %get3A_698 = tpu.vector_load %arg8[%get3A_696, %get3A_697] {strides = array<i32>} : memref<32x1664xf32, #tpu.memory_space<vmem>>, vector<16xf32>,
        %mul3A_699 = arith.mulf %get3A_698, %get3A_7 : vector<16xf32>
        %swap3A_700 = arith.index_cast %scan3A_37 : i32 to index
        %swap3A_701 = arith.constant 1504 : index
        %swap3A_702 = tpu.vector_load %arg9[%swap3A_700, %swap3A_701] {strides = array<i32>} : memref<32x1664xf32, #tpu.memory_space<vmem>>, vector<16xf32>,
        tpu.vector_store %arg9[%swap3A_700, %swap3A_701], %mul3A_699 {strides = array<i32>} : memref<32x1664xf32, #tpu.memory_space<vmem>>, vector<16xf32>,
        %get3A_703 = arith.index_cast %scan3A_37 : i32 to index
        %get3A_704 = arith.constant 1520 : index
        %get3A_705 = tpu.vector_load %arg8[%get3A_703, %get3A_704] {strides = array<i32>} : memref<32x1664xf32, #tpu.memory_space<vmem>>, vector<16xf32>,
        %mul3A_706 = arith.mulf %get3A_705, %get3A_9 : vector<16xf32>
        %swap3A_707 = arith.index_cast %scan3A_37 : i32 to index
        %swap3A_708 = arith.constant 1520 : index
        %swap3A_709 = tpu.vector_load %arg9[%swap3A_707, %swap3A_708] {strides = array<i32>} : memref<32x1664xf32, #tpu.memory_space<vmem>>, vector<16xf32>,
        tpu.vector_store %arg9[%swap3A_707, %swap3A_708], %mul3A_706 {strides = array<i32>} : memref<32x1664xf32, #tpu.memory_space<vmem>>, vector<16xf32>,
        %get3A_710 = arith.index_cast %scan3A_37 : i32 to index
        %get3A_711 = arith.constant 1536 : index
        %get3A_712 = tpu.vector_load %arg8[%get3A_710, %get3A_711] {strides = array<i32>} : memref<32x1664xf32, #tpu.memory_space<vmem>>, vector<16xf32>,
        %mul3A_713 = arith.mulf %get3A_712, %get3A_3 : vector<16xf32>
        %swap3A_714 = arith.index_cast %scan3A_37 : i32 to index
        %swap3A_715 = arith.constant 1536 : index
        %swap3A_716 = tpu.vector_load %arg9[%swap3A_714, %swap3A_715] {strides = array<i32>} : memref<32x1664xf32, #tpu.memory_space<vmem>>, vector<16xf32>,
        tpu.vector_store %arg9[%swap3A_714, %swap3A_715], %mul3A_713 {strides = array<i32>} : memref<32x1664xf32, #tpu.memory_space<vmem>>, vector<16xf32>,
        %get3A_717 = arith.index_cast %scan3A_37 : i32 to index
        %get3A_718 = arith.constant 1552 : index
        %get3A_719 = tpu.vector_load %arg8[%get3A_717, %get3A_718] {strides = array<i32>} : memref<32x1664xf32, #tpu.memory_space<vmem>>, vector<16xf32>,
        %mul3A_720 = arith.mulf %get3A_719, %get3A_5 : vector<16xf32>
        %swap3A_721 = arith.index_cast %scan3A_37 : i32 to index
        %swap3A_722 = arith.constant 1552 : index
        %swap3A_723 = tpu.vector_load %arg9[%swap3A_721, %swap3A_722] {strides = array<i32>} : memref<32x1664xf32, #tpu.memory_space<vmem>>, vector<16xf32>,
        tpu.vector_store %arg9[%swap3A_721, %swap3A_722], %mul3A_720 {strides = array<i32>} : memref<32x1664xf32, #tpu.memory_space<vmem>>, vector<16xf32>,
        %get3A_724 = arith.index_cast %scan3A_37 : i32 to index
        %get3A_725 = arith.constant 1568 : index
        %get3A_726 = tpu.vector_load %arg8[%get3A_724, %get3A_725] {strides = array<i32>} : memref<32x1664xf32, #tpu.memory_space<vmem>>, vector<16xf32>,
        %mul3A_727 = arith.mulf %get3A_726, %get3A_7 : vector<16xf32>
        %swap3A_728 = arith.index_cast %scan3A_37 : i32 to index
        %swap3A_729 = arith.constant 1568 : index
        %swap3A_730 = tpu.vector_load %arg9[%swap3A_728, %swap3A_729] {strides = array<i32>} : memref<32x1664xf32, #tpu.memory_space<vmem>>, vector<16xf32>,
        tpu.vector_store %arg9[%swap3A_728, %swap3A_729], %mul3A_727 {strides = array<i32>} : memref<32x1664xf32, #tpu.memory_space<vmem>>, vector<16xf32>,
        %get3A_731 = arith.index_cast %scan3A_37 : i32 to index
        %get3A_732 = arith.constant 1584 : index
        %get3A_733 = tpu.vector_load %arg8[%get3A_731, %get3A_732] {strides = array<i32>} : memref<32x1664xf32, #tpu.memory_space<vmem>>, vector<16xf32>,
        %mul3A_734 = arith.mulf %get3A_733, %get3A_9 : vector<16xf32>
        %swap3A_735 = arith.index_cast %scan3A_37 : i32 to index
        %swap3A_736 = arith.constant 1584 : index
        %swap3A_737 = tpu.vector_load %arg9[%swap3A_735, %swap3A_736] {strides = array<i32>} : memref<32x1664xf32, #tpu.memory_space<vmem>>, vector<16xf32>,
        tpu.vector_store %arg9[%swap3A_735, %swap3A_736], %mul3A_734 {strides = array<i32>} : memref<32x1664xf32, #tpu.memory_space<vmem>>, vector<16xf32>,
        %get3A_738 = arith.index_cast %scan3A_37 : i32 to index
        %get3A_739 = arith.constant 1600 : index
        %get3A_740 = tpu.vector_load %arg8[%get3A_738, %get3A_739] {strides = array<i32>} : memref<32x1664xf32, #tpu.memory_space<vmem>>, vector<16xf32>,
        %mul3A_741 = arith.mulf %get3A_740, %get3A_3 : vector<16xf32>
        %swap3A_742 = arith.index_cast %scan3A_37 : i32 to index
        %swap3A_743 = arith.constant 1600 : index
        %swap3A_744 = tpu.vector_load %arg9[%swap3A_742, %swap3A_743] {strides = array<i32>} : memref<32x1664xf32, #tpu.memory_space<vmem>>, vector<16xf32>,
        tpu.vector_store %arg9[%swap3A_742, %swap3A_743], %mul3A_741 {strides = array<i32>} : memref<32x1664xf32, #tpu.memory_space<vmem>>, vector<16xf32>,
        %get3A_745 = arith.index_cast %scan3A_37 : i32 to index
        %get3A_746 = arith.constant 1616 : index
        %get3A_747 = tpu.vector_load %arg8[%get3A_745, %get3A_746] {strides = array<i32>} : memref<32x1664xf32, #tpu.memory_space<vmem>>, vector<16xf32>,
        %mul3A_748 = arith.mulf %get3A_747, %get3A_5 : vector<16xf32>
        %swap3A_749 = arith.index_cast %scan3A_37 : i32 to index
        %swap3A_750 = arith.constant 1616 : index
        %swap3A_751 = tpu.vector_load %arg9[%swap3A_749, %swap3A_750] {strides = array<i32>} : memref<32x1664xf32, #tpu.memory_space<vmem>>, vector<16xf32>,
        tpu.vector_store %arg9[%swap3A_749, %swap3A_750], %mul3A_748 {strides = array<i32>} : memref<32x1664xf32, #tpu.memory_space<vmem>>, vector<16xf32>,
        %get3A_752 = arith.index_cast %scan3A_37 : i32 to index
        %get3A_753 = arith.constant 1632 : index
        %get3A_754 = tpu.vector_load %arg8[%get3A_752, %get3A_753] {strides = array<i32>} : memref<32x1664xf32, #tpu.memory_space<vmem>>, vector<16xf32>,
        %mul3A_755 = arith.mulf %get3A_754, %get3A_7 : vector<16xf32>
        %swap3A_756 = arith.index_cast %scan3A_37 : i32 to index
        %swap3A_757 = arith.constant 1632 : index
        %swap3A_758 = tpu.vector_load %arg9[%swap3A_756, %swap3A_757] {strides = array<i32>} : memref<32x1664xf32, #tpu.memory_space<vmem>>, vector<16xf32>,
        tpu.vector_store %arg9[%swap3A_756, %swap3A_757], %mul3A_755 {strides = array<i32>} : memref<32x1664xf32, #tpu.memory_space<vmem>>, vector<16xf32>,
        %get3A_759 = arith.index_cast %scan3A_37 : i32 to index
        %get3A_760 = arith.constant 1648 : index
        %get3A_761 = tpu.vector_load %arg8[%get3A_759, %get3A_760] {strides = array<i32>} : memref<32x1664xf32, #tpu.memory_space<vmem>>, vector<16xf32>,
        %mul3A_762 = arith.mulf %get3A_761, %get3A_9 : vector<16xf32>
        %swap3A_763 = arith.index_cast %scan3A_37 : i32 to index
        %swap3A_764 = arith.constant 1648 : index
        %swap3A_765 = tpu.vector_load %arg9[%swap3A_763, %swap3A_764] {strides = array<i32>} : memref<32x1664xf32, #tpu.memory_space<vmem>>, vector<16xf32>,
        tpu.vector_store %arg9[%swap3A_763, %swap3A_764], %mul3A_762 {strides = array<i32>} : memref<32x1664xf32, #tpu.memory_space<vmem>>, vector<16xf32>,
        %scan3A_766 = arith.constant 0 : i32
        scf.yield %scan3A_766 : i32
      }
      %scan3A_28 = arith.constant 32 : i32
      %scan3A_29 = arith.constant 0 : i32
      %scan3A_30 = arith.constant 0 : i32
      %scan3A_31 = arith.constant 2 : i32
      %scan3A_32 = arith.addi %scan3A_30, %scan3A_31 : i32
      %scan3A_33 = arith.constant 1 : i32
      %scan3A_34 = scf.for %scan3A_37 = %scan3A_30 to %scan3A_32 step %scan3A_33 iter_args(%scan3A_38 = %scan3A_29) -> (i32)  : i32 {
        %scan3A_39 = arith.constant 0 : i32
        %scan3A_40 = arith.constant 16 : i32
        %scan3A_41 = arith.addi %scan3A_39, %scan3A_40 : i32
        %scan3A_42 = arith.constant 1 : i32
        %scan3A_43 = scf.for %scan3A_52 = %scan3A_39 to %scan3A_41 step %scan3A_42 iter_args(%scan3A_53 = %broadcast_in_dim3A_10) -> (vector<16xf32>)  : i32 {
          %mul3A_54 = arith.constant 16 : i32
          %mul3A_55 = arith.muli %scan3A_37, %mul3A_54 : i32
          %add3A_56 = arith.addi %mul3A_55, %scan3A_52 : i32
          %broadcast_in_dim3A_57 = vector.broadcast %add3A_56 : i32 to vector<16xi32>
          %scan3A_58 = arith.constant 0 : i32
          %scan3A_59 = arith.constant 7 : i32
          %scan3A_60 = arith.addi %scan3A_58, %scan3A_59 : i32
          %scan3A_61 = arith.constant 1 : i32
          %scan3A_62 = scf.for %scan3A_91 = %scan3A_58 to %scan3A_60 step %scan3A_61 iter_args(%scan3A_92 = %broadcast_in_dim3A_10) -> (vector<16xf32>)  : i32 {
            %mul3A_93 = arith.constant 16 : i32
            %mul3A_94 = arith.muli %scan3A_91, %mul3A_93 : i32
            %multiple_of3A_95 = tpu.assume_multiple %mul3A_94, 16 : i32
            %get3A_96 = arith.index_cast %multiple_of3A_95 : i32 to index
            %get3A_97 = tpu.vector_load %arg12[%get3A_96] {strides = array<i32>} : memref<112xi32, #tpu.memory_space<vmem>>, vector<16xi32>,
            %get3A_98 = arith.index_cast %multiple_of3A_95 : i32 to index
            %get3A_99 = tpu.vector_load %arg13[%get3A_98] {strides = array<i32>} : memref<112xi32, #tpu.memory_space<vmem>>, vector<16xi32>,
            %get3A_100 = arith.index_cast %add3A_56 : i32 to index
            %get3A_101 = arith.index_cast %multiple_of3A_95 : i32 to index
            %get3A_102 = tpu.vector_load %arg10[%get3A_100, %get3A_101] {strides = array<i32>} : memref<32x112xf32, #tpu.memory_space<vmem>>, vector<16xf32>,
            %add3A_103 = arith.constant 0 : i32
            %add3A_104 = vector.broadcast %add3A_103 : i32 to vector<16xi32>
            %add3A_105 = arith.addi %get3A_97, %add3A_104 : vector<16xi32>
            %gather3A_106 = tpu.vector_load_idx %arg9[%broadcast_in_dim3A_57, %add3A_105] : memref<32x1664xf32, #tpu.memory_space<vmem>>[vector<16xi32>, vector<16xi32>], vector<16xf32>,
            %add3A_107 = arith.constant 0 : i32
            %add3A_108 = vector.broadcast %add3A_107 : i32 to vector<16xi32>
            %add3A_109 = arith.addi %get3A_99, %add3A_108 : vector<16xi32>
            %gather3A_110 = tpu.vector_load_idx %arg8[%broadcast_in_dim3A_57, %add3A_109] : memref<32x1664xf32, #tpu.memory_space<vmem>>[vector<16xi32>, vector<16xi32>], vector<16xf32>,
            %mul3A_111 = arith.mulf %gather3A_106, %gather3A_110 : vector<16xf32>
            %add3A_112 = arith.addf %broadcast_in_dim3A_10, %mul3A_111 : vector<16xf32>
            %add3A_113 = arith.constant 1 : i32
            %add3A_114 = vector.broadcast %add3A_113 : i32 to vector<16xi32>
            %add3A_115 = arith.addi %get3A_97, %add3A_114 : vector<16xi32>
            %gather3A_116 = tpu.vector_load_idx %arg9[%broadcast_in_dim3A_57, %add3A_115] : memref<32x1664xf32, #tpu.memory_space<vmem>>[vector<16xi32>, vector<16xi32>], vector<16xf32>,
            %add3A_117 = arith.constant 1 : i32
            %add3A_118 = vector.broadcast %add3A_117 : i32 to vector<16xi32>
            %add3A_119 = arith.addi %get3A_99, %add3A_118 : vector<16xi32>
            %gather3A_120 = tpu.vector_load_idx %arg8[%broadcast_in_dim3A_57, %add3A_119] : memref<32x1664xf32, #tpu.memory_space<vmem>>[vector<16xi32>, vector<16xi32>], vector<16xf32>,
            %mul3A_121 = arith.mulf %gather3A_116, %gather3A_120 : vector<16xf32>
            %add3A_122 = arith.addf %broadcast_in_dim3A_10, %mul3A_121 : vector<16xf32>
            %add3A_123 = arith.constant 2 : i32
            %add3A_124 = vector.broadcast %add3A_123 : i32 to vector<16xi32>
            %add3A_125 = arith.addi %get3A_97, %add3A_124 : vector<16xi32>
            %gather3A_126 = tpu.vector_load_idx %arg9[%broadcast_in_dim3A_57, %add3A_125] : memref<32x1664xf32, #tpu.memory_space<vmem>>[vector<16xi32>, vector<16xi32>], vector<16xf32>,
            %add3A_127 = arith.constant 2 : i32
            %add3A_128 = vector.broadcast %add3A_127 : i32 to vector<16xi32>
            %add3A_129 = arith.addi %get3A_99, %add3A_128 : vector<16xi32>
            %gather3A_130 = tpu.vector_load_idx %arg8[%broadcast_in_dim3A_57, %add3A_129] : memref<32x1664xf32, #tpu.memory_space<vmem>>[vector<16xi32>, vector<16xi32>], vector<16xf32>,
            %mul3A_131 = arith.mulf %gather3A_126, %gather3A_130 : vector<16xf32>
            %add3A_132 = arith.addf %broadcast_in_dim3A_10, %mul3A_131 : vector<16xf32>
            %add3A_133 = arith.constant 3 : i32
            %add3A_134 = vector.broadcast %add3A_133 : i32 to vector<16xi32>
            %add3A_135 = arith.addi %get3A_97, %add3A_134 : vector<16xi32>
            %gather3A_136 = tpu.vector_load_idx %arg9[%broadcast_in_dim3A_57, %add3A_135] : memref<32x1664xf32, #tpu.memory_space<vmem>>[vector<16xi32>, vector<16xi32>], vector<16xf32>,
            %add3A_137 = arith.constant 3 : i32
            %add3A_138 = vector.broadcast %add3A_137 : i32 to vector<16xi32>
            %add3A_139 = arith.addi %get3A_99, %add3A_138 : vector<16xi32>
            %gather3A_140 = tpu.vector_load_idx %arg8[%broadcast_in_dim3A_57, %add3A_139] : memref<32x1664xf32, #tpu.memory_space<vmem>>[vector<16xi32>, vector<16xi32>], vector<16xf32>,
            %mul3A_141 = arith.mulf %gather3A_136, %gather3A_140 : vector<16xf32>
            %add3A_142 = arith.addf %broadcast_in_dim3A_10, %mul3A_141 : vector<16xf32>
            %add3A_143 = arith.constant 4 : i32
            %add3A_144 = vector.broadcast %add3A_143 : i32 to vector<16xi32>
            %add3A_145 = arith.addi %get3A_97, %add3A_144 : vector<16xi32>
            %gather3A_146 = tpu.vector_load_idx %arg9[%broadcast_in_dim3A_57, %add3A_145] : memref<32x1664xf32, #tpu.memory_space<vmem>>[vector<16xi32>, vector<16xi32>], vector<16xf32>,
            %add3A_147 = arith.constant 4 : i32
            %add3A_148 = vector.broadcast %add3A_147 : i32 to vector<16xi32>
            %add3A_149 = arith.addi %get3A_99, %add3A_148 : vector<16xi32>
            %gather3A_150 = tpu.vector_load_idx %arg8[%broadcast_in_dim3A_57, %add3A_149] : memref<32x1664xf32, #tpu.memory_space<vmem>>[vector<16xi32>, vector<16xi32>], vector<16xf32>,
            %mul3A_151 = arith.mulf %gather3A_146, %gather3A_150 : vector<16xf32>
            %add3A_152 = arith.addf %add3A_112, %mul3A_151 : vector<16xf32>
            %add3A_153 = arith.constant 5 : i32
            %add3A_154 = vector.broadcast %add3A_153 : i32 to vector<16xi32>
            %add3A_155 = arith.addi %get3A_97, %add3A_154 : vector<16xi32>
            %gather3A_156 = tpu.vector_load_idx %arg9[%broadcast_in_dim3A_57, %add3A_155] : memref<32x1664xf32, #tpu.memory_space<vmem>>[vector<16xi32>, vector<16xi32>], vector<16xf32>,
            %add3A_157 = arith.constant 5 : i32
            %add3A_158 = vector.broadcast %add3A_157 : i32 to vector<16xi32>
            %add3A_159 = arith.addi %get3A_99, %add3A_158 : vector<16xi32>
            %gather3A_160 = tpu.vector_load_idx %arg8[%broadcast_in_dim3A_57, %add3A_159] : memref<32x1664xf32, #tpu.memory_space<vmem>>[vector<16xi32>, vector<16xi32>], vector<16xf32>,
            %mul3A_161 = arith.mulf %gather3A_156, %gather3A_160 : vector<16xf32>
            %add3A_162 = arith.addf %add3A_122, %mul3A_161 : vector<16xf32>
            %add3A_163 = arith.constant 6 : i32
            %add3A_164 = vector.broadcast %add3A_163 : i32 to vector<16xi32>
            %add3A_165 = arith.addi %get3A_97, %add3A_164 : vector<16xi32>
            %gather3A_166 = tpu.vector_load_idx %arg9[%broadcast_in_dim3A_57, %add3A_165] : memref<32x1664xf32, #tpu.memory_space<vmem>>[vector<16xi32>, vector<16xi32>], vector<16xf32>,
            %add3A_167 = arith.constant 6 : i32
            %add3A_168 = vector.broadcast %add3A_167 : i32 to vector<16xi32>
            %add3A_169 = arith.addi %get3A_99, %add3A_168 : vector<16xi32>
            %gather3A_170 = tpu.vector_load_idx %arg8[%broadcast_in_dim3A_57, %add3A_169] : memref<32x1664xf32, #tpu.memory_space<vmem>>[vector<16xi32>, vector<16xi32>], vector<16xf32>,
            %mul3A_171 = arith.mulf %gather3A_166, %gather3A_170 : vector<16xf32>
            %add3A_172 = arith.addf %add3A_132, %mul3A_171 : vector<16xf32>
            %add3A_173 = arith.constant 7 : i32
            %add3A_174 = vector.broadcast %add3A_173 : i32 to vector<16xi32>
            %add3A_175 = arith.addi %get3A_97, %add3A_174 : vector<16xi32>
            %gather3A_176 = tpu.vector_load_idx %arg9[%broadcast_in_dim3A_57, %add3A_175] : memref<32x1664xf32, #tpu.memory_space<vmem>>[vector<16xi32>, vector<16xi32>], vector<16xf32>,
            %add3A_177 = arith.constant 7 : i32
            %add3A_178 = vector.broadcast %add3A_177 : i32 to vector<16xi32>
            %add3A_179 = arith.addi %get3A_99, %add3A_178 : vector<16xi32>
            %gather3A_180 = tpu.vector_load_idx %arg8[%broadcast_in_dim3A_57, %add3A_179] : memref<32x1664xf32, #tpu.memory_space<vmem>>[vector<16xi32>, vector<16xi32>], vector<16xf32>,
            %mul3A_181 = arith.mulf %gather3A_176, %gather3A_180 : vector<16xf32>
            %add3A_182 = arith.addf %add3A_142, %mul3A_181 : vector<16xf32>
            %add3A_183 = arith.constant 8 : i32
            %add3A_184 = vector.broadcast %add3A_183 : i32 to vector<16xi32>
            %add3A_185 = arith.addi %get3A_97, %add3A_184 : vector<16xi32>
            %gather3A_186 = tpu.vector_load_idx %arg9[%broadcast_in_dim3A_57, %add3A_185] : memref<32x1664xf32, #tpu.memory_space<vmem>>[vector<16xi32>, vector<16xi32>], vector<16xf32>,
            %add3A_187 = arith.constant 8 : i32
            %add3A_188 = vector.broadcast %add3A_187 : i32 to vector<16xi32>
            %add3A_189 = arith.addi %get3A_99, %add3A_188 : vector<16xi32>
            %gather3A_190 = tpu.vector_load_idx %arg8[%broadcast_in_dim3A_57, %add3A_189] : memref<32x1664xf32, #tpu.memory_space<vmem>>[vector<16xi32>, vector<16xi32>], vector<16xf32>,
            %mul3A_191 = arith.mulf %gather3A_186, %gather3A_190 : vector<16xf32>
            %add3A_192 = arith.addf %add3A_152, %mul3A_191 : vector<16xf32>
            %add3A_193 = arith.constant 9 : i32
            %add3A_194 = vector.broadcast %add3A_193 : i32 to vector<16xi32>
            %add3A_195 = arith.addi %get3A_97, %add3A_194 : vector<16xi32>
            %gather3A_196 = tpu.vector_load_idx %arg9[%broadcast_in_dim3A_57, %add3A_195] : memref<32x1664xf32, #tpu.memory_space<vmem>>[vector<16xi32>, vector<16xi32>], vector<16xf32>,
            %add3A_197 = arith.constant 9 : i32
            %add3A_198 = vector.broadcast %add3A_197 : i32 to vector<16xi32>
            %add3A_199 = arith.addi %get3A_99, %add3A_198 : vector<16xi32>
            %gather3A_200 = tpu.vector_load_idx %arg8[%broadcast_in_dim3A_57, %add3A_199] : memref<32x1664xf32, #tpu.memory_space<vmem>>[vector<16xi32>, vector<16xi32>], vector<16xf32>,
            %mul3A_201 = arith.mulf %gather3A_196, %gather3A_200 : vector<16xf32>
            %add3A_202 = arith.addf %add3A_162, %mul3A_201 : vector<16xf32>
            %add3A_203 = arith.constant 10 : i32
            %add3A_204 = vector.broadcast %add3A_203 : i32 to vector<16xi32>
            %add3A_205 = arith.addi %get3A_97, %add3A_204 : vector<16xi32>
            %gather3A_206 = tpu.vector_load_idx %arg9[%broadcast_in_dim3A_57, %add3A_205] : memref<32x1664xf32, #tpu.memory_space<vmem>>[vector<16xi32>, vector<16xi32>], vector<16xf32>,
            %add3A_207 = arith.constant 10 : i32
            %add3A_208 = vector.broadcast %add3A_207 : i32 to vector<16xi32>
            %add3A_209 = arith.addi %get3A_99, %add3A_208 : vector<16xi32>
            %gather3A_210 = tpu.vector_load_idx %arg8[%broadcast_in_dim3A_57, %add3A_209] : memref<32x1664xf32, #tpu.memory_space<vmem>>[vector<16xi32>, vector<16xi32>], vector<16xf32>,
            %mul3A_211 = arith.mulf %gather3A_206, %gather3A_210 : vector<16xf32>
            %add3A_212 = arith.addf %add3A_172, %mul3A_211 : vector<16xf32>
            %add3A_213 = arith.constant 11 : i32
            %add3A_214 = vector.broadcast %add3A_213 : i32 to vector<16xi32>
            %add3A_215 = arith.addi %get3A_97, %add3A_214 : vector<16xi32>
            %gather3A_216 = tpu.vector_load_idx %arg9[%broadcast_in_dim3A_57, %add3A_215] : memref<32x1664xf32, #tpu.memory_space<vmem>>[vector<16xi32>, vector<16xi32>], vector<16xf32>,
            %add3A_217 = arith.constant 11 : i32
            %add3A_218 = vector.broadcast %add3A_217 : i32 to vector<16xi32>
            %add3A_219 = arith.addi %get3A_99, %add3A_218 : vector<16xi32>
            %gather3A_220 = tpu.vector_load_idx %arg8[%broadcast_in_dim3A_57, %add3A_219] : memref<32x1664xf32, #tpu.memory_space<vmem>>[vector<16xi32>, vector<16xi32>], vector<16xf32>,
            %mul3A_221 = arith.mulf %gather3A_216, %gather3A_220 : vector<16xf32>
            %add3A_222 = arith.addf %add3A_182, %mul3A_221 : vector<16xf32>
            %add3A_223 = arith.constant 12 : i32
            %add3A_224 = vector.broadcast %add3A_223 : i32 to vector<16xi32>
            %add3A_225 = arith.addi %get3A_97, %add3A_224 : vector<16xi32>
            %gather3A_226 = tpu.vector_load_idx %arg9[%broadcast_in_dim3A_57, %add3A_225] : memref<32x1664xf32, #tpu.memory_space<vmem>>[vector<16xi32>, vector<16xi32>], vector<16xf32>,
            %add3A_227 = arith.constant 12 : i32
            %add3A_228 = vector.broadcast %add3A_227 : i32 to vector<16xi32>
            %add3A_229 = arith.addi %get3A_99, %add3A_228 : vector<16xi32>
            %gather3A_230 = tpu.vector_load_idx %arg8[%broadcast_in_dim3A_57, %add3A_229] : memref<32x1664xf32, #tpu.memory_space<vmem>>[vector<16xi32>, vector<16xi32>], vector<16xf32>,
            %mul3A_231 = arith.mulf %gather3A_226, %gather3A_230 : vector<16xf32>
            %add3A_232 = arith.addf %add3A_192, %mul3A_231 : vector<16xf32>
            %add3A_233 = arith.constant 13 : i32
            %add3A_234 = vector.broadcast %add3A_233 : i32 to vector<16xi32>
            %add3A_235 = arith.addi %get3A_97, %add3A_234 : vector<16xi32>
            %gather3A_236 = tpu.vector_load_idx %arg9[%broadcast_in_dim3A_57, %add3A_235] : memref<32x1664xf32, #tpu.memory_space<vmem>>[vector<16xi32>, vector<16xi32>], vector<16xf32>,
            %add3A_237 = arith.constant 13 : i32
            %add3A_238 = vector.broadcast %add3A_237 : i32 to vector<16xi32>
            %add3A_239 = arith.addi %get3A_99, %add3A_238 : vector<16xi32>
            %gather3A_240 = tpu.vector_load_idx %arg8[%broadcast_in_dim3A_57, %add3A_239] : memref<32x1664xf32, #tpu.memory_space<vmem>>[vector<16xi32>, vector<16xi32>], vector<16xf32>,
            %mul3A_241 = arith.mulf %gather3A_236, %gather3A_240 : vector<16xf32>
            %add3A_242 = arith.addf %add3A_202, %mul3A_241 : vector<16xf32>
            %add3A_243 = arith.constant 14 : i32
            %add3A_244 = vector.broadcast %add3A_243 : i32 to vector<16xi32>
            %add3A_245 = arith.addi %get3A_97, %add3A_244 : vector<16xi32>
            %gather3A_246 = tpu.vector_load_idx %arg9[%broadcast_in_dim3A_57, %add3A_245] : memref<32x1664xf32, #tpu.memory_space<vmem>>[vector<16xi32>, vector<16xi32>], vector<16xf32>,
            %add3A_247 = arith.constant 14 : i32
            %add3A_248 = vector.broadcast %add3A_247 : i32 to vector<16xi32>
            %add3A_249 = arith.addi %get3A_99, %add3A_248 : vector<16xi32>
            %gather3A_250 = tpu.vector_load_idx %arg8[%broadcast_in_dim3A_57, %add3A_249] : memref<32x1664xf32, #tpu.memory_space<vmem>>[vector<16xi32>, vector<16xi32>], vector<16xf32>,
            %mul3A_251 = arith.mulf %gather3A_246, %gather3A_250 : vector<16xf32>
            %add3A_252 = arith.addf %add3A_212, %mul3A_251 : vector<16xf32>
            %add3A_253 = arith.constant 15 : i32
            %add3A_254 = vector.broadcast %add3A_253 : i32 to vector<16xi32>
            %add3A_255 = arith.addi %get3A_97, %add3A_254 : vector<16xi32>
            %gather3A_256 = tpu.vector_load_idx %arg9[%broadcast_in_dim3A_57, %add3A_255] : memref<32x1664xf32, #tpu.memory_space<vmem>>[vector<16xi32>, vector<16xi32>], vector<16xf32>,
            %add3A_257 = arith.constant 15 : i32
            %add3A_258 = vector.broadcast %add3A_257 : i32 to vector<16xi32>
            %add3A_259 = arith.addi %get3A_99, %add3A_258 : vector<16xi32>
            %gather3A_260 = tpu.vector_load_idx %arg8[%broadcast_in_dim3A_57, %add3A_259] : memref<32x1664xf32, #tpu.memory_space<vmem>>[vector<16xi32>, vector<16xi32>], vector<16xf32>,
            %mul3A_261 = arith.mulf %gather3A_256, %gather3A_260 : vector<16xf32>
            %add3A_262 = arith.addf %add3A_222, %mul3A_261 : vector<16xf32>
            %add3A_263 = arith.constant 16 : i32
            %add3A_264 = vector.broadcast %add3A_263 : i32 to vector<16xi32>
            %add3A_265 = arith.addi %get3A_97, %add3A_264 : vector<16xi32>
            %gather3A_266 = tpu.vector_load_idx %arg9[%broadcast_in_dim3A_57, %add3A_265] : memref<32x1664xf32, #tpu.memory_space<vmem>>[vector<16xi32>, vector<16xi32>], vector<16xf32>,
            %add3A_267 = arith.constant 16 : i32
            %add3A_268 = vector.broadcast %add3A_267 : i32 to vector<16xi32>
            %add3A_269 = arith.addi %get3A_99, %add3A_268 : vector<16xi32>
            %gather3A_270 = tpu.vector_load_idx %arg8[%broadcast_in_dim3A_57, %add3A_269] : memref<32x1664xf32, #tpu.memory_space<vmem>>[vector<16xi32>, vector<16xi32>], vector<16xf32>,
            %mul3A_271 = arith.mulf %gather3A_266, %gather3A_270 : vector<16xf32>
            %add3A_272 = arith.addf %add3A_232, %mul3A_271 : vector<16xf32>
            %add3A_273 = arith.constant 17 : i32
            %add3A_274 = vector.broadcast %add3A_273 : i32 to vector<16xi32>
            %add3A_275 = arith.addi %get3A_97, %add3A_274 : vector<16xi32>
            %gather3A_276 = tpu.vector_load_idx %arg9[%broadcast_in_dim3A_57, %add3A_275] : memref<32x1664xf32, #tpu.memory_space<vmem>>[vector<16xi32>, vector<16xi32>], vector<16xf32>,
            %add3A_277 = arith.constant 17 : i32
            %add3A_278 = vector.broadcast %add3A_277 : i32 to vector<16xi32>
            %add3A_279 = arith.addi %get3A_99, %add3A_278 : vector<16xi32>
            %gather3A_280 = tpu.vector_load_idx %arg8[%broadcast_in_dim3A_57, %add3A_279] : memref<32x1664xf32, #tpu.memory_space<vmem>>[vector<16xi32>, vector<16xi32>], vector<16xf32>,
            %mul3A_281 = arith.mulf %gather3A_276, %gather3A_280 : vector<16xf32>
            %add3A_282 = arith.addf %add3A_242, %mul3A_281 : vector<16xf32>
            %add3A_283 = arith.constant 18 : i32
            %add3A_284 = vector.broadcast %add3A_283 : i32 to vector<16xi32>
            %add3A_285 = arith.addi %get3A_97, %add3A_284 : vector<16xi32>
            %gather3A_286 = tpu.vector_load_idx %arg9[%broadcast_in_dim3A_57, %add3A_285] : memref<32x1664xf32, #tpu.memory_space<vmem>>[vector<16xi32>, vector<16xi32>], vector<16xf32>,
            %add3A_287 = arith.constant 18 : i32
            %add3A_288 = vector.broadcast %add3A_287 : i32 to vector<16xi32>
            %add3A_289 = arith.addi %get3A_99, %add3A_288 : vector<16xi32>
            %gather3A_290 = tpu.vector_load_idx %arg8[%broadcast_in_dim3A_57, %add3A_289] : memref<32x1664xf32, #tpu.memory_space<vmem>>[vector<16xi32>, vector<16xi32>], vector<16xf32>,
            %mul3A_291 = arith.mulf %gather3A_286, %gather3A_290 : vector<16xf32>
            %add3A_292 = arith.addf %add3A_252, %mul3A_291 : vector<16xf32>
            %add3A_293 = arith.constant 19 : i32
            %add3A_294 = vector.broadcast %add3A_293 : i32 to vector<16xi32>
            %add3A_295 = arith.addi %get3A_97, %add3A_294 : vector<16xi32>
            %gather3A_296 = tpu.vector_load_idx %arg9[%broadcast_in_dim3A_57, %add3A_295] : memref<32x1664xf32, #tpu.memory_space<vmem>>[vector<16xi32>, vector<16xi32>], vector<16xf32>,
            %add3A_297 = arith.constant 19 : i32
            %add3A_298 = vector.broadcast %add3A_297 : i32 to vector<16xi32>
            %add3A_299 = arith.addi %get3A_99, %add3A_298 : vector<16xi32>
            %gather3A_300 = tpu.vector_load_idx %arg8[%broadcast_in_dim3A_57, %add3A_299] : memref<32x1664xf32, #tpu.memory_space<vmem>>[vector<16xi32>, vector<16xi32>], vector<16xf32>,
            %mul3A_301 = arith.mulf %gather3A_296, %gather3A_300 : vector<16xf32>
            %add3A_302 = arith.addf %add3A_262, %mul3A_301 : vector<16xf32>
            %add3A_303 = arith.constant 20 : i32
            %add3A_304 = vector.broadcast %add3A_303 : i32 to vector<16xi32>
            %add3A_305 = arith.addi %get3A_97, %add3A_304 : vector<16xi32>
            %gather3A_306 = tpu.vector_load_idx %arg9[%broadcast_in_dim3A_57, %add3A_305] : memref<32x1664xf32, #tpu.memory_space<vmem>>[vector<16xi32>, vector<16xi32>], vector<16xf32>,
            %add3A_307 = arith.constant 20 : i32
            %add3A_308 = vector.broadcast %add3A_307 : i32 to vector<16xi32>
            %add3A_309 = arith.addi %get3A_99, %add3A_308 : vector<16xi32>
            %gather3A_310 = tpu.vector_load_idx %arg8[%broadcast_in_dim3A_57, %add3A_309] : memref<32x1664xf32, #tpu.memory_space<vmem>>[vector<16xi32>, vector<16xi32>], vector<16xf32>,
            %mul3A_311 = arith.mulf %gather3A_306, %gather3A_310 : vector<16xf32>
            %add3A_312 = arith.addf %add3A_272, %mul3A_311 : vector<16xf32>
            %add3A_313 = arith.constant 21 : i32
            %add3A_314 = vector.broadcast %add3A_313 : i32 to vector<16xi32>
            %add3A_315 = arith.addi %get3A_97, %add3A_314 : vector<16xi32>
            %gather3A_316 = tpu.vector_load_idx %arg9[%broadcast_in_dim3A_57, %add3A_315] : memref<32x1664xf32, #tpu.memory_space<vmem>>[vector<16xi32>, vector<16xi32>], vector<16xf32>,
            %add3A_317 = arith.constant 21 : i32
            %add3A_318 = vector.broadcast %add3A_317 : i32 to vector<16xi32>
            %add3A_319 = arith.addi %get3A_99, %add3A_318 : vector<16xi32>
            %gather3A_320 = tpu.vector_load_idx %arg8[%broadcast_in_dim3A_57, %add3A_319] : memref<32x1664xf32, #tpu.memory_space<vmem>>[vector<16xi32>, vector<16xi32>], vector<16xf32>,
            %mul3A_321 = arith.mulf %gather3A_316, %gather3A_320 : vector<16xf32>
            %add3A_322 = arith.addf %add3A_282, %mul3A_321 : vector<16xf32>
            %add3A_323 = arith.constant 22 : i32
            %add3A_324 = vector.broadcast %add3A_323 : i32 to vector<16xi32>
            %add3A_325 = arith.addi %get3A_97, %add3A_324 : vector<16xi32>
            %gather3A_326 = tpu.vector_load_idx %arg9[%broadcast_in_dim3A_57, %add3A_325] : memref<32x1664xf32, #tpu.memory_space<vmem>>[vector<16xi32>, vector<16xi32>], vector<16xf32>,
            %add3A_327 = arith.constant 22 : i32
            %add3A_328 = vector.broadcast %add3A_327 : i32 to vector<16xi32>
            %add3A_329 = arith.addi %get3A_99, %add3A_328 : vector<16xi32>
            %gather3A_330 = tpu.vector_load_idx %arg8[%broadcast_in_dim3A_57, %add3A_329] : memref<32x1664xf32, #tpu.memory_space<vmem>>[vector<16xi32>, vector<16xi32>], vector<16xf32>,
            %mul3A_331 = arith.mulf %gather3A_326, %gather3A_330 : vector<16xf32>
            %add3A_332 = arith.addf %add3A_292, %mul3A_331 : vector<16xf32>
            %add3A_333 = arith.constant 23 : i32
            %add3A_334 = vector.broadcast %add3A_333 : i32 to vector<16xi32>
            %add3A_335 = arith.addi %get3A_97, %add3A_334 : vector<16xi32>
            %gather3A_336 = tpu.vector_load_idx %arg9[%broadcast_in_dim3A_57, %add3A_335] : memref<32x1664xf32, #tpu.memory_space<vmem>>[vector<16xi32>, vector<16xi32>], vector<16xf32>,
            %add3A_337 = arith.constant 23 : i32
            %add3A_338 = vector.broadcast %add3A_337 : i32 to vector<16xi32>
            %add3A_339 = arith.addi %get3A_99, %add3A_338 : vector<16xi32>
            %gather3A_340 = tpu.vector_load_idx %arg8[%broadcast_in_dim3A_57, %add3A_339] : memref<32x1664xf32, #tpu.memory_space<vmem>>[vector<16xi32>, vector<16xi32>], vector<16xf32>,
            %mul3A_341 = arith.mulf %gather3A_336, %gather3A_340 : vector<16xf32>
            %add3A_342 = arith.addf %add3A_302, %mul3A_341 : vector<16xf32>
            %add3A_343 = arith.constant 24 : i32
            %add3A_344 = vector.broadcast %add3A_343 : i32 to vector<16xi32>
            %add3A_345 = arith.addi %get3A_97, %add3A_344 : vector<16xi32>
            %gather3A_346 = tpu.vector_load_idx %arg9[%broadcast_in_dim3A_57, %add3A_345] : memref<32x1664xf32, #tpu.memory_space<vmem>>[vector<16xi32>, vector<16xi32>], vector<16xf32>,
            %add3A_347 = arith.constant 24 : i32
            %add3A_348 = vector.broadcast %add3A_347 : i32 to vector<16xi32>
            %add3A_349 = arith.addi %get3A_99, %add3A_348 : vector<16xi32>
            %gather3A_350 = tpu.vector_load_idx %arg8[%broadcast_in_dim3A_57, %add3A_349] : memref<32x1664xf32, #tpu.memory_space<vmem>>[vector<16xi32>, vector<16xi32>], vector<16xf32>,
            %mul3A_351 = arith.mulf %gather3A_346, %gather3A_350 : vector<16xf32>
            %add3A_352 = arith.addf %add3A_312, %mul3A_351 : vector<16xf32>
            %add3A_353 = arith.constant 25 : i32
            %add3A_354 = vector.broadcast %add3A_353 : i32 to vector<16xi32>
            %add3A_355 = arith.addi %get3A_97, %add3A_354 : vector<16xi32>
            %gather3A_356 = tpu.vector_load_idx %arg9[%broadcast_in_dim3A_57, %add3A_355] : memref<32x1664xf32, #tpu.memory_space<vmem>>[vector<16xi32>, vector<16xi32>], vector<16xf32>,
            %add3A_357 = arith.constant 25 : i32
            %add3A_358 = vector.broadcast %add3A_357 : i32 to vector<16xi32>
            %add3A_359 = arith.addi %get3A_99, %add3A_358 : vector<16xi32>
            %gather3A_360 = tpu.vector_load_idx %arg8[%broadcast_in_dim3A_57, %add3A_359] : memref<32x1664xf32, #tpu.memory_space<vmem>>[vector<16xi32>, vector<16xi32>], vector<16xf32>,
            %mul3A_361 = arith.mulf %gather3A_356, %gather3A_360 : vector<16xf32>
            %add3A_362 = arith.addf %add3A_322, %mul3A_361 : vector<16xf32>
            %add3A_363 = arith.constant 26 : i32
            %add3A_364 = vector.broadcast %add3A_363 : i32 to vector<16xi32>
            %add3A_365 = arith.addi %get3A_97, %add3A_364 : vector<16xi32>
            %gather3A_366 = tpu.vector_load_idx %arg9[%broadcast_in_dim3A_57, %add3A_365] : memref<32x1664xf32, #tpu.memory_space<vmem>>[vector<16xi32>, vector<16xi32>], vector<16xf32>,
            %add3A_367 = arith.constant 26 : i32
            %add3A_368 = vector.broadcast %add3A_367 : i32 to vector<16xi32>
            %add3A_369 = arith.addi %get3A_99, %add3A_368 : vector<16xi32>
            %gather3A_370 = tpu.vector_load_idx %arg8[%broadcast_in_dim3A_57, %add3A_369] : memref<32x1664xf32, #tpu.memory_space<vmem>>[vector<16xi32>, vector<16xi32>], vector<16xf32>,
            %mul3A_371 = arith.mulf %gather3A_366, %gather3A_370 : vector<16xf32>
            %add3A_372 = arith.addf %add3A_332, %mul3A_371 : vector<16xf32>
            %add3A_373 = arith.constant 27 : i32
            %add3A_374 = vector.broadcast %add3A_373 : i32 to vector<16xi32>
            %add3A_375 = arith.addi %get3A_97, %add3A_374 : vector<16xi32>
            %gather3A_376 = tpu.vector_load_idx %arg9[%broadcast_in_dim3A_57, %add3A_375] : memref<32x1664xf32, #tpu.memory_space<vmem>>[vector<16xi32>, vector<16xi32>], vector<16xf32>,
            %add3A_377 = arith.constant 27 : i32
            %add3A_378 = vector.broadcast %add3A_377 : i32 to vector<16xi32>
            %add3A_379 = arith.addi %get3A_99, %add3A_378 : vector<16xi32>
            %gather3A_380 = tpu.vector_load_idx %arg8[%broadcast_in_dim3A_57, %add3A_379] : memref<32x1664xf32, #tpu.memory_space<vmem>>[vector<16xi32>, vector<16xi32>], vector<16xf32>,
            %mul3A_381 = arith.mulf %gather3A_376, %gather3A_380 : vector<16xf32>
            %add3A_382 = arith.addf %add3A_342, %mul3A_381 : vector<16xf32>
            %add3A_383 = arith.constant 28 : i32
            %add3A_384 = vector.broadcast %add3A_383 : i32 to vector<16xi32>
            %add3A_385 = arith.addi %get3A_97, %add3A_384 : vector<16xi32>
            %gather3A_386 = tpu.vector_load_idx %arg9[%broadcast_in_dim3A_57, %add3A_385] : memref<32x1664xf32, #tpu.memory_space<vmem>>[vector<16xi32>, vector<16xi32>], vector<16xf32>,
            %add3A_387 = arith.constant 28 : i32
            %add3A_388 = vector.broadcast %add3A_387 : i32 to vector<16xi32>
            %add3A_389 = arith.addi %get3A_99, %add3A_388 : vector<16xi32>
            %gather3A_390 = tpu.vector_load_idx %arg8[%broadcast_in_dim3A_57, %add3A_389] : memref<32x1664xf32, #tpu.memory_space<vmem>>[vector<16xi32>, vector<16xi32>], vector<16xf32>,
            %mul3A_391 = arith.mulf %gather3A_386, %gather3A_390 : vector<16xf32>
            %add3A_392 = arith.addf %add3A_352, %mul3A_391 : vector<16xf32>
            %add3A_393 = arith.constant 29 : i32
            %add3A_394 = vector.broadcast %add3A_393 : i32 to vector<16xi32>
            %add3A_395 = arith.addi %get3A_97, %add3A_394 : vector<16xi32>
            %gather3A_396 = tpu.vector_load_idx %arg9[%broadcast_in_dim3A_57, %add3A_395] : memref<32x1664xf32, #tpu.memory_space<vmem>>[vector<16xi32>, vector<16xi32>], vector<16xf32>,
            %add3A_397 = arith.constant 29 : i32
            %add3A_398 = vector.broadcast %add3A_397 : i32 to vector<16xi32>
            %add3A_399 = arith.addi %get3A_99, %add3A_398 : vector<16xi32>
            %gather3A_400 = tpu.vector_load_idx %arg8[%broadcast_in_dim3A_57, %add3A_399] : memref<32x1664xf32, #tpu.memory_space<vmem>>[vector<16xi32>, vector<16xi32>], vector<16xf32>,
            %mul3A_401 = arith.mulf %gather3A_396, %gather3A_400 : vector<16xf32>
            %add3A_402 = arith.addf %add3A_362, %mul3A_401 : vector<16xf32>
            %add3A_403 = arith.constant 30 : i32
            %add3A_404 = vector.broadcast %add3A_403 : i32 to vector<16xi32>
            %add3A_405 = arith.addi %get3A_97, %add3A_404 : vector<16xi32>
            %gather3A_406 = tpu.vector_load_idx %arg9[%broadcast_in_dim3A_57, %add3A_405] : memref<32x1664xf32, #tpu.memory_space<vmem>>[vector<16xi32>, vector<16xi32>], vector<16xf32>,
            %add3A_407 = arith.constant 30 : i32
            %add3A_408 = vector.broadcast %add3A_407 : i32 to vector<16xi32>
            %add3A_409 = arith.addi %get3A_99, %add3A_408 : vector<16xi32>
            %gather3A_410 = tpu.vector_load_idx %arg8[%broadcast_in_dim3A_57, %add3A_409] : memref<32x1664xf32, #tpu.memory_space<vmem>>[vector<16xi32>, vector<16xi32>], vector<16xf32>,
            %mul3A_411 = arith.mulf %gather3A_406, %gather3A_410 : vector<16xf32>
            %add3A_412 = arith.addf %add3A_372, %mul3A_411 : vector<16xf32>
            %add3A_413 = arith.constant 31 : i32
            %add3A_414 = vector.broadcast %add3A_413 : i32 to vector<16xi32>
            %add3A_415 = arith.addi %get3A_97, %add3A_414 : vector<16xi32>
            %gather3A_416 = tpu.vector_load_idx %arg9[%broadcast_in_dim3A_57, %add3A_415] : memref<32x1664xf32, #tpu.memory_space<vmem>>[vector<16xi32>, vector<16xi32>], vector<16xf32>,
            %add3A_417 = arith.constant 31 : i32
            %add3A_418 = vector.broadcast %add3A_417 : i32 to vector<16xi32>
            %add3A_419 = arith.addi %get3A_99, %add3A_418 : vector<16xi32>
            %gather3A_420 = tpu.vector_load_idx %arg8[%broadcast_in_dim3A_57, %add3A_419] : memref<32x1664xf32, #tpu.memory_space<vmem>>[vector<16xi32>, vector<16xi32>], vector<16xf32>,
            %mul3A_421 = arith.mulf %gather3A_416, %gather3A_420 : vector<16xf32>
            %add3A_422 = arith.addf %add3A_382, %mul3A_421 : vector<16xf32>
            %add3A_423 = arith.constant 32 : i32
            %add3A_424 = vector.broadcast %add3A_423 : i32 to vector<16xi32>
            %add3A_425 = arith.addi %get3A_97, %add3A_424 : vector<16xi32>
            %gather3A_426 = tpu.vector_load_idx %arg9[%broadcast_in_dim3A_57, %add3A_425] : memref<32x1664xf32, #tpu.memory_space<vmem>>[vector<16xi32>, vector<16xi32>], vector<16xf32>,
            %add3A_427 = arith.constant 32 : i32
            %add3A_428 = vector.broadcast %add3A_427 : i32 to vector<16xi32>
            %add3A_429 = arith.addi %get3A_99, %add3A_428 : vector<16xi32>
            %gather3A_430 = tpu.vector_load_idx %arg8[%broadcast_in_dim3A_57, %add3A_429] : memref<32x1664xf32, #tpu.memory_space<vmem>>[vector<16xi32>, vector<16xi32>], vector<16xf32>,
            %mul3A_431 = arith.mulf %gather3A_426, %gather3A_430 : vector<16xf32>
            %add3A_432 = arith.addf %add3A_392, %mul3A_431 : vector<16xf32>
            %add3A_433 = arith.constant 33 : i32
            %add3A_434 = vector.broadcast %add3A_433 : i32 to vector<16xi32>
            %add3A_435 = arith.addi %get3A_97, %add3A_434 : vector<16xi32>
            %gather3A_436 = tpu.vector_load_idx %arg9[%broadcast_in_dim3A_57, %add3A_435] : memref<32x1664xf32, #tpu.memory_space<vmem>>[vector<16xi32>, vector<16xi32>], vector<16xf32>,
            %add3A_437 = arith.constant 33 : i32
            %add3A_438 = vector.broadcast %add3A_437 : i32 to vector<16xi32>
            %add3A_439 = arith.addi %get3A_99, %add3A_438 : vector<16xi32>
            %gather3A_440 = tpu.vector_load_idx %arg8[%broadcast_in_dim3A_57, %add3A_439] : memref<32x1664xf32, #tpu.memory_space<vmem>>[vector<16xi32>, vector<16xi32>], vector<16xf32>,
            %mul3A_441 = arith.mulf %gather3A_436, %gather3A_440 : vector<16xf32>
            %add3A_442 = arith.addf %add3A_402, %mul3A_441 : vector<16xf32>
            %add3A_443 = arith.constant 34 : i32
            %add3A_444 = vector.broadcast %add3A_443 : i32 to vector<16xi32>
            %add3A_445 = arith.addi %get3A_97, %add3A_444 : vector<16xi32>
            %gather3A_446 = tpu.vector_load_idx %arg9[%broadcast_in_dim3A_57, %add3A_445] : memref<32x1664xf32, #tpu.memory_space<vmem>>[vector<16xi32>, vector<16xi32>], vector<16xf32>,
            %add3A_447 = arith.constant 34 : i32
            %add3A_448 = vector.broadcast %add3A_447 : i32 to vector<16xi32>
            %add3A_449 = arith.addi %get3A_99, %add3A_448 : vector<16xi32>
            %gather3A_450 = tpu.vector_load_idx %arg8[%broadcast_in_dim3A_57, %add3A_449] : memref<32x1664xf32, #tpu.memory_space<vmem>>[vector<16xi32>, vector<16xi32>], vector<16xf32>,
            %mul3A_451 = arith.mulf %gather3A_446, %gather3A_450 : vector<16xf32>
            %add3A_452 = arith.addf %add3A_412, %mul3A_451 : vector<16xf32>
            %add3A_453 = arith.constant 35 : i32
            %add3A_454 = vector.broadcast %add3A_453 : i32 to vector<16xi32>
            %add3A_455 = arith.addi %get3A_97, %add3A_454 : vector<16xi32>
            %gather3A_456 = tpu.vector_load_idx %arg9[%broadcast_in_dim3A_57, %add3A_455] : memref<32x1664xf32, #tpu.memory_space<vmem>>[vector<16xi32>, vector<16xi32>], vector<16xf32>,
            %add3A_457 = arith.constant 35 : i32
            %add3A_458 = vector.broadcast %add3A_457 : i32 to vector<16xi32>
            %add3A_459 = arith.addi %get3A_99, %add3A_458 : vector<16xi32>
            %gather3A_460 = tpu.vector_load_idx %arg8[%broadcast_in_dim3A_57, %add3A_459] : memref<32x1664xf32, #tpu.memory_space<vmem>>[vector<16xi32>, vector<16xi32>], vector<16xf32>,
            %mul3A_461 = arith.mulf %gather3A_456, %gather3A_460 : vector<16xf32>
            %add3A_462 = arith.addf %add3A_422, %mul3A_461 : vector<16xf32>
            %add3A_463 = arith.constant 36 : i32
            %add3A_464 = vector.broadcast %add3A_463 : i32 to vector<16xi32>
            %add3A_465 = arith.addi %get3A_97, %add3A_464 : vector<16xi32>
            %gather3A_466 = tpu.vector_load_idx %arg9[%broadcast_in_dim3A_57, %add3A_465] : memref<32x1664xf32, #tpu.memory_space<vmem>>[vector<16xi32>, vector<16xi32>], vector<16xf32>,
            %add3A_467 = arith.constant 36 : i32
            %add3A_468 = vector.broadcast %add3A_467 : i32 to vector<16xi32>
            %add3A_469 = arith.addi %get3A_99, %add3A_468 : vector<16xi32>
            %gather3A_470 = tpu.vector_load_idx %arg8[%broadcast_in_dim3A_57, %add3A_469] : memref<32x1664xf32, #tpu.memory_space<vmem>>[vector<16xi32>, vector<16xi32>], vector<16xf32>,
            %mul3A_471 = arith.mulf %gather3A_466, %gather3A_470 : vector<16xf32>
            %add3A_472 = arith.addf %add3A_432, %mul3A_471 : vector<16xf32>
            %add3A_473 = arith.constant 37 : i32
            %add3A_474 = vector.broadcast %add3A_473 : i32 to vector<16xi32>
            %add3A_475 = arith.addi %get3A_97, %add3A_474 : vector<16xi32>
            %gather3A_476 = tpu.vector_load_idx %arg9[%broadcast_in_dim3A_57, %add3A_475] : memref<32x1664xf32, #tpu.memory_space<vmem>>[vector<16xi32>, vector<16xi32>], vector<16xf32>,
            %add3A_477 = arith.constant 37 : i32
            %add3A_478 = vector.broadcast %add3A_477 : i32 to vector<16xi32>
            %add3A_479 = arith.addi %get3A_99, %add3A_478 : vector<16xi32>
            %gather3A_480 = tpu.vector_load_idx %arg8[%broadcast_in_dim3A_57, %add3A_479] : memref<32x1664xf32, #tpu.memory_space<vmem>>[vector<16xi32>, vector<16xi32>], vector<16xf32>,
            %mul3A_481 = arith.mulf %gather3A_476, %gather3A_480 : vector<16xf32>
            %add3A_482 = arith.addf %add3A_442, %mul3A_481 : vector<16xf32>
            %add3A_483 = arith.constant 38 : i32
            %add3A_484 = vector.broadcast %add3A_483 : i32 to vector<16xi32>
            %add3A_485 = arith.addi %get3A_97, %add3A_484 : vector<16xi32>
            %gather3A_486 = tpu.vector_load_idx %arg9[%broadcast_in_dim3A_57, %add3A_485] : memref<32x1664xf32, #tpu.memory_space<vmem>>[vector<16xi32>, vector<16xi32>], vector<16xf32>,
            %add3A_487 = arith.constant 38 : i32
            %add3A_488 = vector.broadcast %add3A_487 : i32 to vector<16xi32>
            %add3A_489 = arith.addi %get3A_99, %add3A_488 : vector<16xi32>
            %gather3A_490 = tpu.vector_load_idx %arg8[%broadcast_in_dim3A_57, %add3A_489] : memref<32x1664xf32, #tpu.memory_space<vmem>>[vector<16xi32>, vector<16xi32>], vector<16xf32>,
            %mul3A_491 = arith.mulf %gather3A_486, %gather3A_490 : vector<16xf32>
            %add3A_492 = arith.addf %add3A_452, %mul3A_491 : vector<16xf32>
            %add3A_493 = arith.constant 39 : i32
            %add3A_494 = vector.broadcast %add3A_493 : i32 to vector<16xi32>
            %add3A_495 = arith.addi %get3A_97, %add3A_494 : vector<16xi32>
            %gather3A_496 = tpu.vector_load_idx %arg9[%broadcast_in_dim3A_57, %add3A_495] : memref<32x1664xf32, #tpu.memory_space<vmem>>[vector<16xi32>, vector<16xi32>], vector<16xf32>,
            %add3A_497 = arith.constant 39 : i32
            %add3A_498 = vector.broadcast %add3A_497 : i32 to vector<16xi32>
            %add3A_499 = arith.addi %get3A_99, %add3A_498 : vector<16xi32>
            %gather3A_500 = tpu.vector_load_idx %arg8[%broadcast_in_dim3A_57, %add3A_499] : memref<32x1664xf32, #tpu.memory_space<vmem>>[vector<16xi32>, vector<16xi32>], vector<16xf32>,
            %mul3A_501 = arith.mulf %gather3A_496, %gather3A_500 : vector<16xf32>
            %add3A_502 = arith.addf %add3A_462, %mul3A_501 : vector<16xf32>
            %add3A_503 = arith.constant 40 : i32
            %add3A_504 = vector.broadcast %add3A_503 : i32 to vector<16xi32>
            %add3A_505 = arith.addi %get3A_97, %add3A_504 : vector<16xi32>
            %gather3A_506 = tpu.vector_load_idx %arg9[%broadcast_in_dim3A_57, %add3A_505] : memref<32x1664xf32, #tpu.memory_space<vmem>>[vector<16xi32>, vector<16xi32>], vector<16xf32>,
            %add3A_507 = arith.constant 40 : i32
            %add3A_508 = vector.broadcast %add3A_507 : i32 to vector<16xi32>
            %add3A_509 = arith.addi %get3A_99, %add3A_508 : vector<16xi32>
            %gather3A_510 = tpu.vector_load_idx %arg8[%broadcast_in_dim3A_57, %add3A_509] : memref<32x1664xf32, #tpu.memory_space<vmem>>[vector<16xi32>, vector<16xi32>], vector<16xf32>,
            %mul3A_511 = arith.mulf %gather3A_506, %gather3A_510 : vector<16xf32>
            %add3A_512 = arith.addf %add3A_472, %mul3A_511 : vector<16xf32>
            %add3A_513 = arith.constant 41 : i32
            %add3A_514 = vector.broadcast %add3A_513 : i32 to vector<16xi32>
            %add3A_515 = arith.addi %get3A_97, %add3A_514 : vector<16xi32>
            %gather3A_516 = tpu.vector_load_idx %arg9[%broadcast_in_dim3A_57, %add3A_515] : memref<32x1664xf32, #tpu.memory_space<vmem>>[vector<16xi32>, vector<16xi32>], vector<16xf32>,
            %add3A_517 = arith.constant 41 : i32
            %add3A_518 = vector.broadcast %add3A_517 : i32 to vector<16xi32>
            %add3A_519 = arith.addi %get3A_99, %add3A_518 : vector<16xi32>
            %gather3A_520 = tpu.vector_load_idx %arg8[%broadcast_in_dim3A_57, %add3A_519] : memref<32x1664xf32, #tpu.memory_space<vmem>>[vector<16xi32>, vector<16xi32>], vector<16xf32>,
            %mul3A_521 = arith.mulf %gather3A_516, %gather3A_520 : vector<16xf32>
            %add3A_522 = arith.addf %add3A_482, %mul3A_521 : vector<16xf32>
            %add3A_523 = arith.constant 42 : i32
            %add3A_524 = vector.broadcast %add3A_523 : i32 to vector<16xi32>
            %add3A_525 = arith.addi %get3A_97, %add3A_524 : vector<16xi32>
            %gather3A_526 = tpu.vector_load_idx %arg9[%broadcast_in_dim3A_57, %add3A_525] : memref<32x1664xf32, #tpu.memory_space<vmem>>[vector<16xi32>, vector<16xi32>], vector<16xf32>,
            %add3A_527 = arith.constant 42 : i32
            %add3A_528 = vector.broadcast %add3A_527 : i32 to vector<16xi32>
            %add3A_529 = arith.addi %get3A_99, %add3A_528 : vector<16xi32>
            %gather3A_530 = tpu.vector_load_idx %arg8[%broadcast_in_dim3A_57, %add3A_529] : memref<32x1664xf32, #tpu.memory_space<vmem>>[vector<16xi32>, vector<16xi32>], vector<16xf32>,
            %mul3A_531 = arith.mulf %gather3A_526, %gather3A_530 : vector<16xf32>
            %add3A_532 = arith.addf %add3A_492, %mul3A_531 : vector<16xf32>
            %add3A_533 = arith.constant 43 : i32
            %add3A_534 = vector.broadcast %add3A_533 : i32 to vector<16xi32>
            %add3A_535 = arith.addi %get3A_97, %add3A_534 : vector<16xi32>
            %gather3A_536 = tpu.vector_load_idx %arg9[%broadcast_in_dim3A_57, %add3A_535] : memref<32x1664xf32, #tpu.memory_space<vmem>>[vector<16xi32>, vector<16xi32>], vector<16xf32>,
            %add3A_537 = arith.constant 43 : i32
            %add3A_538 = vector.broadcast %add3A_537 : i32 to vector<16xi32>
            %add3A_539 = arith.addi %get3A_99, %add3A_538 : vector<16xi32>
            %gather3A_540 = tpu.vector_load_idx %arg8[%broadcast_in_dim3A_57, %add3A_539] : memref<32x1664xf32, #tpu.memory_space<vmem>>[vector<16xi32>, vector<16xi32>], vector<16xf32>,
            %mul3A_541 = arith.mulf %gather3A_536, %gather3A_540 : vector<16xf32>
            %add3A_542 = arith.addf %add3A_502, %mul3A_541 : vector<16xf32>
            %add3A_543 = arith.constant 44 : i32
            %add3A_544 = vector.broadcast %add3A_543 : i32 to vector<16xi32>
            %add3A_545 = arith.addi %get3A_97, %add3A_544 : vector<16xi32>
            %gather3A_546 = tpu.vector_load_idx %arg9[%broadcast_in_dim3A_57, %add3A_545] : memref<32x1664xf32, #tpu.memory_space<vmem>>[vector<16xi32>, vector<16xi32>], vector<16xf32>,
            %add3A_547 = arith.constant 44 : i32
            %add3A_548 = vector.broadcast %add3A_547 : i32 to vector<16xi32>
            %add3A_549 = arith.addi %get3A_99, %add3A_548 : vector<16xi32>
            %gather3A_550 = tpu.vector_load_idx %arg8[%broadcast_in_dim3A_57, %add3A_549] : memref<32x1664xf32, #tpu.memory_space<vmem>>[vector<16xi32>, vector<16xi32>], vector<16xf32>,
            %mul3A_551 = arith.mulf %gather3A_546, %gather3A_550 : vector<16xf32>
            %add3A_552 = arith.addf %add3A_512, %mul3A_551 : vector<16xf32>
            %add3A_553 = arith.constant 45 : i32
            %add3A_554 = vector.broadcast %add3A_553 : i32 to vector<16xi32>
            %add3A_555 = arith.addi %get3A_97, %add3A_554 : vector<16xi32>
            %gather3A_556 = tpu.vector_load_idx %arg9[%broadcast_in_dim3A_57, %add3A_555] : memref<32x1664xf32, #tpu.memory_space<vmem>>[vector<16xi32>, vector<16xi32>], vector<16xf32>,
            %add3A_557 = arith.constant 45 : i32
            %add3A_558 = vector.broadcast %add3A_557 : i32 to vector<16xi32>
            %add3A_559 = arith.addi %get3A_99, %add3A_558 : vector<16xi32>
            %gather3A_560 = tpu.vector_load_idx %arg8[%broadcast_in_dim3A_57, %add3A_559] : memref<32x1664xf32, #tpu.memory_space<vmem>>[vector<16xi32>, vector<16xi32>], vector<16xf32>,
            %mul3A_561 = arith.mulf %gather3A_556, %gather3A_560 : vector<16xf32>
            %add3A_562 = arith.addf %add3A_522, %mul3A_561 : vector<16xf32>
            %add3A_563 = arith.constant 46 : i32
            %add3A_564 = vector.broadcast %add3A_563 : i32 to vector<16xi32>
            %add3A_565 = arith.addi %get3A_97, %add3A_564 : vector<16xi32>
            %gather3A_566 = tpu.vector_load_idx %arg9[%broadcast_in_dim3A_57, %add3A_565] : memref<32x1664xf32, #tpu.memory_space<vmem>>[vector<16xi32>, vector<16xi32>], vector<16xf32>,
            %add3A_567 = arith.constant 46 : i32
            %add3A_568 = vector.broadcast %add3A_567 : i32 to vector<16xi32>
            %add3A_569 = arith.addi %get3A_99, %add3A_568 : vector<16xi32>
            %gather3A_570 = tpu.vector_load_idx %arg8[%broadcast_in_dim3A_57, %add3A_569] : memref<32x1664xf32, #tpu.memory_space<vmem>>[vector<16xi32>, vector<16xi32>], vector<16xf32>,
            %mul3A_571 = arith.mulf %gather3A_566, %gather3A_570 : vector<16xf32>
            %add3A_572 = arith.addf %add3A_532, %mul3A_571 : vector<16xf32>
            %add3A_573 = arith.constant 47 : i32
            %add3A_574 = vector.broadcast %add3A_573 : i32 to vector<16xi32>
            %add3A_575 = arith.addi %get3A_97, %add3A_574 : vector<16xi32>
            %gather3A_576 = tpu.vector_load_idx %arg9[%broadcast_in_dim3A_57, %add3A_575] : memref<32x1664xf32, #tpu.memory_space<vmem>>[vector<16xi32>, vector<16xi32>], vector<16xf32>,
            %add3A_577 = arith.constant 47 : i32
            %add3A_578 = vector.broadcast %add3A_577 : i32 to vector<16xi32>
            %add3A_579 = arith.addi %get3A_99, %add3A_578 : vector<16xi32>
            %gather3A_580 = tpu.vector_load_idx %arg8[%broadcast_in_dim3A_57, %add3A_579] : memref<32x1664xf32, #tpu.memory_space<vmem>>[vector<16xi32>, vector<16xi32>], vector<16xf32>,
            %mul3A_581 = arith.mulf %gather3A_576, %gather3A_580 : vector<16xf32>
            %add3A_582 = arith.addf %add3A_542, %mul3A_581 : vector<16xf32>
            %add3A_583 = arith.constant 48 : i32
            %add3A_584 = vector.broadcast %add3A_583 : i32 to vector<16xi32>
            %add3A_585 = arith.addi %get3A_97, %add3A_584 : vector<16xi32>
            %gather3A_586 = tpu.vector_load_idx %arg9[%broadcast_in_dim3A_57, %add3A_585] : memref<32x1664xf32, #tpu.memory_space<vmem>>[vector<16xi32>, vector<16xi32>], vector<16xf32>,
            %add3A_587 = arith.constant 48 : i32
            %add3A_588 = vector.broadcast %add3A_587 : i32 to vector<16xi32>
            %add3A_589 = arith.addi %get3A_99, %add3A_588 : vector<16xi32>
            %gather3A_590 = tpu.vector_load_idx %arg8[%broadcast_in_dim3A_57, %add3A_589] : memref<32x1664xf32, #tpu.memory_space<vmem>>[vector<16xi32>, vector<16xi32>], vector<16xf32>,
            %mul3A_591 = arith.mulf %gather3A_586, %gather3A_590 : vector<16xf32>
            %add3A_592 = arith.addf %add3A_552, %mul3A_591 : vector<16xf32>
            %add3A_593 = arith.constant 49 : i32
            %add3A_594 = vector.broadcast %add3A_593 : i32 to vector<16xi32>
            %add3A_595 = arith.addi %get3A_97, %add3A_594 : vector<16xi32>
            %gather3A_596 = tpu.vector_load_idx %arg9[%broadcast_in_dim3A_57, %add3A_595] : memref<32x1664xf32, #tpu.memory_space<vmem>>[vector<16xi32>, vector<16xi32>], vector<16xf32>,
            %add3A_597 = arith.constant 49 : i32
            %add3A_598 = vector.broadcast %add3A_597 : i32 to vector<16xi32>
            %add3A_599 = arith.addi %get3A_99, %add3A_598 : vector<16xi32>
            %gather3A_600 = tpu.vector_load_idx %arg8[%broadcast_in_dim3A_57, %add3A_599] : memref<32x1664xf32, #tpu.memory_space<vmem>>[vector<16xi32>, vector<16xi32>], vector<16xf32>,
            %mul3A_601 = arith.mulf %gather3A_596, %gather3A_600 : vector<16xf32>
            %add3A_602 = arith.addf %add3A_562, %mul3A_601 : vector<16xf32>
            %add3A_603 = arith.constant 50 : i32
            %add3A_604 = vector.broadcast %add3A_603 : i32 to vector<16xi32>
            %add3A_605 = arith.addi %get3A_97, %add3A_604 : vector<16xi32>
            %gather3A_606 = tpu.vector_load_idx %arg9[%broadcast_in_dim3A_57, %add3A_605] : memref<32x1664xf32, #tpu.memory_space<vmem>>[vector<16xi32>, vector<16xi32>], vector<16xf32>,
            %add3A_607 = arith.constant 50 : i32
            %add3A_608 = vector.broadcast %add3A_607 : i32 to vector<16xi32>
            %add3A_609 = arith.addi %get3A_99, %add3A_608 : vector<16xi32>
            %gather3A_610 = tpu.vector_load_idx %arg8[%broadcast_in_dim3A_57, %add3A_609] : memref<32x1664xf32, #tpu.memory_space<vmem>>[vector<16xi32>, vector<16xi32>], vector<16xf32>,
            %mul3A_611 = arith.mulf %gather3A_606, %gather3A_610 : vector<16xf32>
            %add3A_612 = arith.addf %add3A_572, %mul3A_611 : vector<16xf32>
            %add3A_613 = arith.constant 51 : i32
            %add3A_614 = vector.broadcast %add3A_613 : i32 to vector<16xi32>
            %add3A_615 = arith.addi %get3A_97, %add3A_614 : vector<16xi32>
            %gather3A_616 = tpu.vector_load_idx %arg9[%broadcast_in_dim3A_57, %add3A_615] : memref<32x1664xf32, #tpu.memory_space<vmem>>[vector<16xi32>, vector<16xi32>], vector<16xf32>,
            %add3A_617 = arith.constant 51 : i32
            %add3A_618 = vector.broadcast %add3A_617 : i32 to vector<16xi32>
            %add3A_619 = arith.addi %get3A_99, %add3A_618 : vector<16xi32>
            %gather3A_620 = tpu.vector_load_idx %arg8[%broadcast_in_dim3A_57, %add3A_619] : memref<32x1664xf32, #tpu.memory_space<vmem>>[vector<16xi32>, vector<16xi32>], vector<16xf32>,
            %mul3A_621 = arith.mulf %gather3A_616, %gather3A_620 : vector<16xf32>
            %add3A_622 = arith.addf %add3A_582, %mul3A_621 : vector<16xf32>
            %add3A_623 = arith.constant 52 : i32
            %add3A_624 = vector.broadcast %add3A_623 : i32 to vector<16xi32>
            %add3A_625 = arith.addi %get3A_97, %add3A_624 : vector<16xi32>
            %gather3A_626 = tpu.vector_load_idx %arg9[%broadcast_in_dim3A_57, %add3A_625] : memref<32x1664xf32, #tpu.memory_space<vmem>>[vector<16xi32>, vector<16xi32>], vector<16xf32>,
            %add3A_627 = arith.constant 52 : i32
            %add3A_628 = vector.broadcast %add3A_627 : i32 to vector<16xi32>
            %add3A_629 = arith.addi %get3A_99, %add3A_628 : vector<16xi32>
            %gather3A_630 = tpu.vector_load_idx %arg8[%broadcast_in_dim3A_57, %add3A_629] : memref<32x1664xf32, #tpu.memory_space<vmem>>[vector<16xi32>, vector<16xi32>], vector<16xf32>,
            %mul3A_631 = arith.mulf %gather3A_626, %gather3A_630 : vector<16xf32>
            %add3A_632 = arith.addf %add3A_592, %mul3A_631 : vector<16xf32>
            %add3A_633 = arith.constant 53 : i32
            %add3A_634 = vector.broadcast %add3A_633 : i32 to vector<16xi32>
            %add3A_635 = arith.addi %get3A_97, %add3A_634 : vector<16xi32>
            %gather3A_636 = tpu.vector_load_idx %arg9[%broadcast_in_dim3A_57, %add3A_635] : memref<32x1664xf32, #tpu.memory_space<vmem>>[vector<16xi32>, vector<16xi32>], vector<16xf32>,
            %add3A_637 = arith.constant 53 : i32
            %add3A_638 = vector.broadcast %add3A_637 : i32 to vector<16xi32>
            %add3A_639 = arith.addi %get3A_99, %add3A_638 : vector<16xi32>
            %gather3A_640 = tpu.vector_load_idx %arg8[%broadcast_in_dim3A_57, %add3A_639] : memref<32x1664xf32, #tpu.memory_space<vmem>>[vector<16xi32>, vector<16xi32>], vector<16xf32>,
            %mul3A_641 = arith.mulf %gather3A_636, %gather3A_640 : vector<16xf32>
            %add3A_642 = arith.addf %add3A_602, %mul3A_641 : vector<16xf32>
            %add3A_643 = arith.constant 54 : i32
            %add3A_644 = vector.broadcast %add3A_643 : i32 to vector<16xi32>
            %add3A_645 = arith.addi %get3A_97, %add3A_644 : vector<16xi32>
            %gather3A_646 = tpu.vector_load_idx %arg9[%broadcast_in_dim3A_57, %add3A_645] : memref<32x1664xf32, #tpu.memory_space<vmem>>[vector<16xi32>, vector<16xi32>], vector<16xf32>,
            %add3A_647 = arith.constant 54 : i32
            %add3A_648 = vector.broadcast %add3A_647 : i32 to vector<16xi32>
            %add3A_649 = arith.addi %get3A_99, %add3A_648 : vector<16xi32>
            %gather3A_650 = tpu.vector_load_idx %arg8[%broadcast_in_dim3A_57, %add3A_649] : memref<32x1664xf32, #tpu.memory_space<vmem>>[vector<16xi32>, vector<16xi32>], vector<16xf32>,
            %mul3A_651 = arith.mulf %gather3A_646, %gather3A_650 : vector<16xf32>
            %add3A_652 = arith.addf %add3A_612, %mul3A_651 : vector<16xf32>
            %add3A_653 = arith.constant 55 : i32
            %add3A_654 = vector.broadcast %add3A_653 : i32 to vector<16xi32>
            %add3A_655 = arith.addi %get3A_97, %add3A_654 : vector<16xi32>
            %gather3A_656 = tpu.vector_load_idx %arg9[%broadcast_in_dim3A_57, %add3A_655] : memref<32x1664xf32, #tpu.memory_space<vmem>>[vector<16xi32>, vector<16xi32>], vector<16xf32>,
            %add3A_657 = arith.constant 55 : i32
            %add3A_658 = vector.broadcast %add3A_657 : i32 to vector<16xi32>
            %add3A_659 = arith.addi %get3A_99, %add3A_658 : vector<16xi32>
            %gather3A_660 = tpu.vector_load_idx %arg8[%broadcast_in_dim3A_57, %add3A_659] : memref<32x1664xf32, #tpu.memory_space<vmem>>[vector<16xi32>, vector<16xi32>], vector<16xf32>,
            %mul3A_661 = arith.mulf %gather3A_656, %gather3A_660 : vector<16xf32>
            %add3A_662 = arith.addf %add3A_622, %mul3A_661 : vector<16xf32>
            %add3A_663 = arith.constant 56 : i32
            %add3A_664 = vector.broadcast %add3A_663 : i32 to vector<16xi32>
            %add3A_665 = arith.addi %get3A_97, %add3A_664 : vector<16xi32>
            %gather3A_666 = tpu.vector_load_idx %arg9[%broadcast_in_dim3A_57, %add3A_665] : memref<32x1664xf32, #tpu.memory_space<vmem>>[vector<16xi32>, vector<16xi32>], vector<16xf32>,
            %add3A_667 = arith.constant 56 : i32
            %add3A_668 = vector.broadcast %add3A_667 : i32 to vector<16xi32>
            %add3A_669 = arith.addi %get3A_99, %add3A_668 : vector<16xi32>
            %gather3A_670 = tpu.vector_load_idx %arg8[%broadcast_in_dim3A_57, %add3A_669] : memref<32x1664xf32, #tpu.memory_space<vmem>>[vector<16xi32>, vector<16xi32>], vector<16xf32>,
            %mul3A_671 = arith.mulf %gather3A_666, %gather3A_670 : vector<16xf32>
            %add3A_672 = arith.addf %add3A_632, %mul3A_671 : vector<16xf32>
            %add3A_673 = arith.constant 57 : i32
            %add3A_674 = vector.broadcast %add3A_673 : i32 to vector<16xi32>
            %add3A_675 = arith.addi %get3A_97, %add3A_674 : vector<16xi32>
            %gather3A_676 = tpu.vector_load_idx %arg9[%broadcast_in_dim3A_57, %add3A_675] : memref<32x1664xf32, #tpu.memory_space<vmem>>[vector<16xi32>, vector<16xi32>], vector<16xf32>,
            %add3A_677 = arith.constant 57 : i32
            %add3A_678 = vector.broadcast %add3A_677 : i32 to vector<16xi32>
            %add3A_679 = arith.addi %get3A_99, %add3A_678 : vector<16xi32>
            %gather3A_680 = tpu.vector_load_idx %arg8[%broadcast_in_dim3A_57, %add3A_679] : memref<32x1664xf32, #tpu.memory_space<vmem>>[vector<16xi32>, vector<16xi32>], vector<16xf32>,
            %mul3A_681 = arith.mulf %gather3A_676, %gather3A_680 : vector<16xf32>
            %add3A_682 = arith.addf %add3A_642, %mul3A_681 : vector<16xf32>
            %add3A_683 = arith.constant 58 : i32
            %add3A_684 = vector.broadcast %add3A_683 : i32 to vector<16xi32>
            %add3A_685 = arith.addi %get3A_97, %add3A_684 : vector<16xi32>
            %gather3A_686 = tpu.vector_load_idx %arg9[%broadcast_in_dim3A_57, %add3A_685] : memref<32x1664xf32, #tpu.memory_space<vmem>>[vector<16xi32>, vector<16xi32>], vector<16xf32>,
            %add3A_687 = arith.constant 58 : i32
            %add3A_688 = vector.broadcast %add3A_687 : i32 to vector<16xi32>
            %add3A_689 = arith.addi %get3A_99, %add3A_688 : vector<16xi32>
            %gather3A_690 = tpu.vector_load_idx %arg8[%broadcast_in_dim3A_57, %add3A_689] : memref<32x1664xf32, #tpu.memory_space<vmem>>[vector<16xi32>, vector<16xi32>], vector<16xf32>,
            %mul3A_691 = arith.mulf %gather3A_686, %gather3A_690 : vector<16xf32>
            %add3A_692 = arith.addf %add3A_652, %mul3A_691 : vector<16xf32>
            %add3A_693 = arith.constant 59 : i32
            %add3A_694 = vector.broadcast %add3A_693 : i32 to vector<16xi32>
            %add3A_695 = arith.addi %get3A_97, %add3A_694 : vector<16xi32>
            %gather3A_696 = tpu.vector_load_idx %arg9[%broadcast_in_dim3A_57, %add3A_695] : memref<32x1664xf32, #tpu.memory_space<vmem>>[vector<16xi32>, vector<16xi32>], vector<16xf32>,
            %add3A_697 = arith.constant 59 : i32
            %add3A_698 = vector.broadcast %add3A_697 : i32 to vector<16xi32>
            %add3A_699 = arith.addi %get3A_99, %add3A_698 : vector<16xi32>
            %gather3A_700 = tpu.vector_load_idx %arg8[%broadcast_in_dim3A_57, %add3A_699] : memref<32x1664xf32, #tpu.memory_space<vmem>>[vector<16xi32>, vector<16xi32>], vector<16xf32>,
            %mul3A_701 = arith.mulf %gather3A_696, %gather3A_700 : vector<16xf32>
            %add3A_702 = arith.addf %add3A_662, %mul3A_701 : vector<16xf32>
            %add3A_703 = arith.constant 60 : i32
            %add3A_704 = vector.broadcast %add3A_703 : i32 to vector<16xi32>
            %add3A_705 = arith.addi %get3A_97, %add3A_704 : vector<16xi32>
            %gather3A_706 = tpu.vector_load_idx %arg9[%broadcast_in_dim3A_57, %add3A_705] : memref<32x1664xf32, #tpu.memory_space<vmem>>[vector<16xi32>, vector<16xi32>], vector<16xf32>,
            %add3A_707 = arith.constant 60 : i32
            %add3A_708 = vector.broadcast %add3A_707 : i32 to vector<16xi32>
            %add3A_709 = arith.addi %get3A_99, %add3A_708 : vector<16xi32>
            %gather3A_710 = tpu.vector_load_idx %arg8[%broadcast_in_dim3A_57, %add3A_709] : memref<32x1664xf32, #tpu.memory_space<vmem>>[vector<16xi32>, vector<16xi32>], vector<16xf32>,
            %mul3A_711 = arith.mulf %gather3A_706, %gather3A_710 : vector<16xf32>
            %add3A_712 = arith.addf %add3A_672, %mul3A_711 : vector<16xf32>
            %add3A_713 = arith.constant 61 : i32
            %add3A_714 = vector.broadcast %add3A_713 : i32 to vector<16xi32>
            %add3A_715 = arith.addi %get3A_97, %add3A_714 : vector<16xi32>
            %gather3A_716 = tpu.vector_load_idx %arg9[%broadcast_in_dim3A_57, %add3A_715] : memref<32x1664xf32, #tpu.memory_space<vmem>>[vector<16xi32>, vector<16xi32>], vector<16xf32>,
            %add3A_717 = arith.constant 61 : i32
            %add3A_718 = vector.broadcast %add3A_717 : i32 to vector<16xi32>
            %add3A_719 = arith.addi %get3A_99, %add3A_718 : vector<16xi32>
            %gather3A_720 = tpu.vector_load_idx %arg8[%broadcast_in_dim3A_57, %add3A_719] : memref<32x1664xf32, #tpu.memory_space<vmem>>[vector<16xi32>, vector<16xi32>], vector<16xf32>,
            %mul3A_721 = arith.mulf %gather3A_716, %gather3A_720 : vector<16xf32>
            %add3A_722 = arith.addf %add3A_682, %mul3A_721 : vector<16xf32>
            %add3A_723 = arith.constant 62 : i32
            %add3A_724 = vector.broadcast %add3A_723 : i32 to vector<16xi32>
            %add3A_725 = arith.addi %get3A_97, %add3A_724 : vector<16xi32>
            %gather3A_726 = tpu.vector_load_idx %arg9[%broadcast_in_dim3A_57, %add3A_725] : memref<32x1664xf32, #tpu.memory_space<vmem>>[vector<16xi32>, vector<16xi32>], vector<16xf32>,
            %add3A_727 = arith.constant 62 : i32
            %add3A_728 = vector.broadcast %add3A_727 : i32 to vector<16xi32>
            %add3A_729 = arith.addi %get3A_99, %add3A_728 : vector<16xi32>
            %gather3A_730 = tpu.vector_load_idx %arg8[%broadcast_in_dim3A_57, %add3A_729] : memref<32x1664xf32, #tpu.memory_space<vmem>>[vector<16xi32>, vector<16xi32>], vector<16xf32>,
            %mul3A_731 = arith.mulf %gather3A_726, %gather3A_730 : vector<16xf32>
            %add3A_732 = arith.addf %add3A_692, %mul3A_731 : vector<16xf32>
            %add3A_733 = arith.constant 63 : i32
            %add3A_734 = vector.broadcast %add3A_733 : i32 to vector<16xi32>
            %add3A_735 = arith.addi %get3A_97, %add3A_734 : vector<16xi32>
            %gather3A_736 = tpu.vector_load_idx %arg9[%broadcast_in_dim3A_57, %add3A_735] : memref<32x1664xf32, #tpu.memory_space<vmem>>[vector<16xi32>, vector<16xi32>], vector<16xf32>,
            %add3A_737 = arith.constant 63 : i32
            %add3A_738 = vector.broadcast %add3A_737 : i32 to vector<16xi32>
            %add3A_739 = arith.addi %get3A_99, %add3A_738 : vector<16xi32>
            %gather3A_740 = tpu.vector_load_idx %arg8[%broadcast_in_dim3A_57, %add3A_739] : memref<32x1664xf32, #tpu.memory_space<vmem>>[vector<16xi32>, vector<16xi32>], vector<16xf32>,
            %mul3A_741 = arith.mulf %gather3A_736, %gather3A_740 : vector<16xf32>
            %add3A_742 = arith.addf %add3A_702, %mul3A_741 : vector<16xf32>
            %add3A_743 = arith.addf %add3A_712, %add3A_722 : vector<16xf32>
            %add3A_744 = arith.addf %add3A_732, %add3A_742 : vector<16xf32>
            %add3A_745 = arith.addf %add3A_743, %add3A_744 : vector<16xf32>
            %mul3A_746 = arith.mulf %get3A_102, %add3A_745 : vector<16xf32>
            %add3A_747 = arith.addf %scan3A_92, %mul3A_746 : vector<16xf32>
            scf.yield %add3A_747 : vector<16xf32>
          }
          %scan3A_63 = arith.constant 7 : i32
          %iota3A_64 = tpu.iota {dimensions = array<i32: 0>} : vector<16xi32>
          %xor3A = arith.constant 8 : i32
          %xor3A_65 = vector.broadcast %xor3A : i32 to vector<16xi32>
          %xor3A_66 = arith.xori %iota3A_64, %xor3A_65 : vector<16xi32>
          %reshape3A = vector.shape_cast %xor3A_66 : vector<16xi32> to vector<16x1xi32>
          %gather3A = vector.shape_cast %reshape3A : vector<16x1xi32> to vector<16xi32>
          %gather3A_67 = tpu.dynamic_gather %scan3A_62[%gather3A] in [0] : vector<16xf32>, vector<16xi32> -> vector<16xf32>
          %add3A_68 = arith.addf %scan3A_62, %gather3A_67 : vector<16xf32>
          %xor3A_69 = arith.constant 4 : i32
          %xor3A_70 = vector.broadcast %xor3A_69 : i32 to vector<16xi32>
          %xor3A_71 = arith.xori %iota3A_64, %xor3A_70 : vector<16xi32>
          %reshape3A_72 = vector.shape_cast %xor3A_71 : vector<16xi32> to vector<16x1xi32>
          %gather3A_73 = vector.shape_cast %reshape3A_72 : vector<16x1xi32> to vector<16xi32>
          %gather3A_74 = tpu.dynamic_gather %add3A_68[%gather3A_73] in [0] : vector<16xf32>, vector<16xi32> -> vector<16xf32>
          %add3A_75 = arith.addf %add3A_68, %gather3A_74 : vector<16xf32>
          %xor3A_76 = arith.constant 2 : i32
          %xor3A_77 = vector.broadcast %xor3A_76 : i32 to vector<16xi32>
          %xor3A_78 = arith.xori %iota3A_64, %xor3A_77 : vector<16xi32>
          %reshape3A_79 = vector.shape_cast %xor3A_78 : vector<16xi32> to vector<16x1xi32>
          %gather3A_80 = vector.shape_cast %reshape3A_79 : vector<16x1xi32> to vector<16xi32>
          %gather3A_81 = tpu.dynamic_gather %add3A_75[%gather3A_80] in [0] : vector<16xf32>, vector<16xi32> -> vector<16xf32>
          %add3A_82 = arith.addf %add3A_75, %gather3A_81 : vector<16xf32>
          %xor3A_83 = arith.constant 1 : i32
          %xor3A_84 = vector.broadcast %xor3A_83 : i32 to vector<16xi32>
          %xor3A_85 = arith.xori %iota3A_64, %xor3A_84 : vector<16xi32>
          %reshape3A_86 = vector.shape_cast %xor3A_85 : vector<16xi32> to vector<16x1xi32>
          %gather3A_87 = vector.shape_cast %reshape3A_86 : vector<16x1xi32> to vector<16xi32>
          %gather3A_88 = tpu.dynamic_gather %add3A_82[%gather3A_87] in [0] : vector<16xf32>, vector<16xi32> -> vector<16xf32>
          %add3A_89 = arith.addf %add3A_82, %gather3A_88 : vector<16xf32>
          %eq3A = vector.broadcast %scan3A_52 : i32 to vector<16xi32>
          %eq3A_90 = arith.cmpi eq, %iota3A, %eq3A : vector<16xi32>
          %select_n3A = arith.select %eq3A_90, %add3A_89, %scan3A_53 : vector<16xi1>, vector<16xf32>
          scf.yield %select_n3A : vector<16xf32>
        }
        %scan3A_44 = arith.constant 16 : i32
        %mul3A_45 = arith.constant 32 : i32
        %mul3A_46 = arith.muli %scan3A_17, %mul3A_45 : i32
        %mul3A_47 = arith.constant 16 : i32
        %mul3A_48 = arith.muli %scan3A_37, %mul3A_47 : i32
        %add3A_49 = arith.addi %mul3A_46, %mul3A_48 : i32
        %multiple_of3A = tpu.assume_multiple %add3A_49, 16 : i32
        %swap3A = arith.index_cast %multiple_of3A : i32 to index
        %swap3A_50 = tpu.vector_load %arg11[%swap3A] {strides = array<i32>} : memref<512xf32, #tpu.memory_space<vmem>>, vector<16xf32>,
        tpu.vector_store %arg11[%swap3A], %scan3A_43 {strides = array<i32>} : memref<512xf32, #tpu.memory_space<vmem>>, vector<16xf32>,
        %scan3A_51 = arith.constant 0 : i32
        scf.yield %scan3A_51 : i32
      }
      %scan3A_35 = arith.constant 2 : i32
      %scan3A_36 = arith.constant 0 : i32
      scf.yield %scan3A_36 : i32
    }
    %scan3A_16 = arith.constant 16 : i32
    "tpu.region"() ({
      %run_scoped3A = tpu.sem_alloc : memref<!tpu.dma_semaphore, #tpu.memory_space<semaphore_mem>>
      %dma_start3A = tpu.memref_slice %arg7[%mul3A_2] : memref<16384xf32, #tpu.memory_space<hbm>> -> memref<512xf32, #tpu.memory_space<hbm>>
      %dma_start3A_17 = tpu.memref_slice %arg7[%mul3A_2] : memref<16384xf32, #tpu.memory_space<hbm>> -> memref<512xf32, #tpu.memory_space<hbm>>
      tpu.enqueue_dma source(%arg11 : memref<512xf32, #tpu.memory_space<vmem>>) target(%dma_start3A_17 : memref<512xf32, #tpu.memory_space<hbm>>) target_semaphore(%run_scoped3A : memref<!tpu.dma_semaphore, #tpu.memory_space<semaphore_mem>>)
      %dma_wait3A = tpu.memref_slice %arg7[%mul3A_2] : memref<16384xf32, #tpu.memory_space<hbm>> -> memref<512xf32, #tpu.memory_space<hbm>>
      %dma_wait3A_18 = tpu.memref_slice %arg7[%mul3A_2] : memref<16384xf32, #tpu.memory_space<hbm>> -> memref<512xf32, #tpu.memory_space<hbm>>
      tpu.wait_dma2 semaphore(%run_scoped3A : memref<!tpu.dma_semaphore, #tpu.memory_space<semaphore_mem>>) src(%arg11 : memref<512xf32, #tpu.memory_space<vmem>>) dst(%dma_wait3A_18 : memref<512xf32, #tpu.memory_space<hbm>>)
      tpu.yield
    }) : () -> ()
    return
  }
}

</mosaic_0001>

<sc_bundles>
// kernel: kernel.3.cloned.1.call-start
scs
__scs_entry_jumppad:
0x0: {  	(pc) =	sbr.rel $0x88, $3  }
0x1: {  	(tag) =	ssettag $0x0;
	lr =	simm.s32 $0x1  }
0x2: {  	[smem:$0x3F9C] =	sst lr;
	_ =	strace $0xD0000000  }
0x3: {  	_ = 	snop  }
0x4: {  	_ = 	snop  }
0x5: {  	_ = 	snop  }
0x6: {  	_ = 	snop  }
0x7: {  	_ = 	snop  }
__scs_overlays_trampoline_lowered:
0x8: {  	[smem:$0x3FAB] =	sst s0  }
0x9: {  	[smem:$0x3FAC] =	sst s1  }
0xa: {  	[smem:$0x3FAD] =	sst s2  }
0xb: {  	[smem:$0x3FAE] =	sst s3  }
0xc: {  	[smem:$0x3FAF] =	sst s4  }
0xd: {  	[smem:$0x3FB0] =	sst s5  }
0xe: {  	[smem:$0x3FB1] =	sst s6  }
0xf: {  	[smem:$0x3FB2] =	sst s7  }
0x10: {  	[smem:$0x3FB3] =	sst s8  }
0x11: {  	[smem:$0x3FB4] =	sst s9;
	s0 =	simm.s32 @!p0 $0x0  }
0x12: {  	s1 =	sld [smem:$0x3F9A];
	s0 =	simm.s32 @p0 $0x1  }
0x13: {  	[smem:$0x3FB5] =	sst s0;
	s0 =	simm.s32 @!p1 $0x0  }
0x14: {  	s2 =	sld [smem:$0x3F99];
	s0 =	simm.s32 @p1 $0x1  }
0x15: {  	[smem:$0x3FB6] =	sst s0;
	s0 =	simm.s32 @!p2 $0x0  }
0x16: {  	s3 =	sld [smem:$0x3FDB];
	s0 =	simm.s32 @p2 $0x1  }
0x17: {  	s4 =	simm.s32 $0x1BF5;
	[smem:$0x3FB8] =	sst s0  }
0x18: {  	s0 =	sld [smem:$0x3F9B];
	_ =	swait.ge [sflag:s4], $0x0  }
0x19: {  	s7 =	sld [smem:$0x3F9C]  }
0x1a: {  	s8 =	sadd.s32 $0xFFFFE003, lr  }
0x1b: {  	s9 =	sadd.s32 $0xFFFFFEF7, lr;
	s5 =	simm.s32 $0xFFFFFFFF;
	p2 =	slt.u32 s8, $0xFFFFF086  }
0x1c: {  	p1 =	slt.u32 s9, $0xF7A;
	s5 =	simm.s32 @!p2 $0x0  }
0x1d: {  	s5 =	simm.s32 @p1 $0x1;
	p0 =	seq.s32 s7, s2  }
0x1e: {  	s7 =	smul.u32 @!p0 $0xF7A, s2;
	p2 =	seq.s32 @!p0 s5, $0x0  }
0x1f: {  	s9 =	smul.u32 $0xF7A, s1;
	s8 =	simm.s32 @!p0 $0x1BF5;
	p2 =	por !p2, p0  }
0x20: {  	[sflag:s8] =	ssyncset.s32 @!p0 $0xFFFFF086;
	s6 =	sadd.s32 @!p0 s3, s7;
	s7 =	simm.s32 @!p0 $0x108  }
0x21: {  	s3 =	sadd.s32 s3, s9;
	s6 =	sadd.s32 @!p0 $0x88, s6;
	s7 =	simm.s32 @p2 $0x1082  }
0x22: {  	[simem:s7], [sflag:s8] =	dma.local @!p0 [hbm:s6], $0xF7A  }
0x23: {  	s9 =	sor.u32 $0xD0000000, s2;
	s6 =	simm.s32 $0x108;
	_ =	swait.ge @!p0 [sflag:s8], $0x0  }
0x24: {  	s3 =	sadd.s32 $0x88, s3;
	s6 =	simm.s32 @!p1 $0x1082;
	[sflag:s4] =	ssyncset.s32 $0xFFFFF086  }
0x25: {  	[simem:s6], [sflag:s4] =	dma.local [hbm:s3], $0xF7A  }
0x26: {  	[smem:$0x3F9C] =	sst s1;
	(tag) =	ssettag s2;
	_ =	strace s9  }
0x27: {  	s1 =	sld [smem:$0x3FAC]  }
0x28: {  	s2 =	sld [smem:$0x3FAD]  }
0x29: {  	s4 =	sld [smem:$0x3FAF]  }
0x2a: {  	p0 =	seq.s32 s5, $0x0;
	s5 =	sld [smem:$0x3FB0]  }
0x2b: {  	s6 =	sld [smem:$0x3FB1]  }
0x2c: {  	s7 =	sld [smem:$0x3FB2]  }
0x2d: {  	s3 =	simm.s32 $0x108;
	s8 =	sld [smem:$0x3FB3]  }
0x2e: {  	s3 =	simm.s32 @!p0 $0x1082;
	s9 =	sld [smem:$0x3FB4]  }
0x2f: {  	lr =	sadd.s32 s0, s3;
	s0 =	sld [smem:$0x3FAB]  }
0x30: {  	s3 =	sld [smem:$0x3FAE]  }
0x31: {  	[smem:$0x3FB7] =	sst s10  }
0x32: {  	s10 =	sld [smem:$0x3FB5];
	_ =	sdelay $0x3  }
0x33: {  	p0 =	seq.s32 s10, $0x1;
	s10 =	sld [smem:$0x3FB7];
	_ =	sdelay $0x3  }
0x34: {  	[smem:$0x3FB7] =	sst s10  }
0x35: {  	s10 =	sld [smem:$0x3FB6];
	_ =	sdelay $0x3  }
0x36: {  	p1 =	seq.s32 s10, $0x1;
	s10 =	sld [smem:$0x3FB7];
	_ =	sdelay $0x3  }
0x37: {  	[smem:$0x3FB7] =	sst s10  }
0x38: {  	s10 =	sld [smem:$0x3FB8]  }
0x39: {  	_ = 	snop;
	(pc) =	sbr.ind lr, $3  }
0x3a: {  	_ = 	snop  }
0x3b: {  	_ = 	snop  }
0x3c: {  	p2 =	seq.s32 s10, $0x1;
	s10 =	sld [smem:$0x3FB7]  }
0x3d: {  	_ =	shalt  }
0x3e: {  	_ =	shalt  }
0x3f: {  	_ =	shalt  }
0x40: {  	_ =	shalt  }
0x41: {  	_ =	shalt  }
0x42: {  	_ =	shalt  }
0x43: {  	_ =	shalt  }
0x44: {  	_ =	shalt  }
0x45: {  	_ =	shalt  }
0x46: {  	_ =	shalt  }
0x47: {  	_ =	shalt  }
0x48: {  	_ =	shalt  }
0x49: {  	_ =	shalt  }
0x4a: {  	_ =	shalt  }
0x4b: {  	_ =	shalt  }
0x4c: {  	_ =	shalt  }
0x4d: {  	_ =	shalt  }
0x4e: {  	_ =	shalt  }
0x4f: {  	_ =	shalt  }
0x50: {  	_ =	shalt  }
0x51: {  	_ =	shalt  }
0x52: {  	_ =	shalt  }
0x53: {  	_ =	shalt  }
0x54: {  	_ =	shalt  }
0x55: {  	_ =	shalt  }
0x56: {  	_ =	shalt  }
0x57: {  	_ =	shalt  }
0x58: {  	_ =	shalt  }
0x59: {  	_ =	shalt  }
0x5a: {  	_ =	shalt  }
0x5b: {  	_ =	shalt  }
0x5c: {  	_ =	shalt  }
0x5d: {  	_ =	shalt  }
0x5e: {  	_ =	shalt  }
0x5f: {  	_ =	shalt  }
0x60: {  	_ =	shalt  }
0x61: {  	_ =	shalt  }
0x62: {  	_ =	shalt  }
0x63: {  	_ =	shalt  }
0x64: {  	_ =	shalt  }
0x65: {  	_ =	shalt  }
0x66: {  	_ =	shalt  }
0x67: {  	_ =	shalt  }
0x68: {  	_ =	shalt  }
0x69: {  	_ =	shalt  }
0x6a: {  	_ =	shalt  }
0x6b: {  	_ =	shalt  }
0x6c: {  	_ =	shalt  }
0x6d: {  	_ =	shalt  }
0x6e: {  	_ =	shalt  }
0x6f: {  	_ =	shalt  }
0x70: {  	_ =	shalt  }
0x71: {  	_ =	shalt  }
0x72: {  	_ =	shalt  }
0x73: {  	_ =	shalt  }
0x74: {  	_ =	shalt  }
0x75: {  	_ =	shalt  }
0x76: {  	_ =	shalt  }
0x77: {  	_ =	shalt  }
0x78: {  	_ =	shalt  }
0x79: {  	_ =	shalt  }
0x7a: {  	_ =	shalt  }
0x7b: {  	_ =	shalt  }
0x7c: {  	_ =	shalt  }
0x7d: {  	_ =	shalt  }
0x7e: {  	_ =	shalt  }
0x7f: {  	_ =	shalt  }
0x80: {  	_ =	shalt  }
0x81: {  	_ =	shalt  }
0x82: {  	_ =	shalt  }
0x83: {  	_ =	shalt  }
0x84: {  	_ =	shalt  }
0x85: {  	_ =	shalt  }
0x86: {  	_ =	shalt  }
0x87: {  	_ =	shalt  }
.Lfunc_end0:
.L_simem_size_0:
called_computation_lowered:
.L_overlay_start_0:
0x88: {  	s2 =	sld [smem:$0x3FD9]  }
0x89: {  	s3 =	sld [smem:$0x3FFE];
	_ =	sdelay $0x1  }
0x8a: {  	s1 =	srdreg.scid  }
0x8b: {  	s0 =	sand.u32 $0x1, s1  }
0x8c: {  	s17 =	sshll.u32 s0, $0xA;
	s2 =	sadd.s32 s3, s2  }
0x8d: {  	s2 =	sadd.s32 s2, s17  }
0x8e: {  	[smem:$0x3FC3] =	sst s2  }
0x8f: {  	_ = 	snop  }
0x90: {  	s2 =	sld [smem:$0x3FC6]  }
0x91: {  	s18 =	sld [smem:$0x3FD0];
	(tm) =	ssettm $0x1  }
0x92: {  	s4 =	sld [smem:$0x3FFB];
	_ =	sdelay $0x3  }
0x93: {  	_ =	strace s4  }
0x94: {  	s4 =	sld [smem:$0x3FFC];
	_ =	sdelay $0x3  }
0x95: {  	_ =	strace s4  }
0x96: {  	s4 =	sld [smem:$0x3FFD];
	_ =	sdelay $0x3  }
0x97: {  	_ =	strace s4  }
0x98: {  	_ =	strace $0x8FFFFFFF  }
0x99: {  	s19 =	sld [smem:$0x3FDB];
	_ =	sdelay $0x1  }
0x9a: {  	s5 =	simm.s32 $_scs_section_size  }
0x9b: {  	s6 =	simm.s32 $_size__tile_overlayer_lowered;
	s7 =	simm.s32 $_tile_overlayer_lowered  }
0x9c: {  	s22 =	simm.s32 $0x1BFF;
	s21 =	sshll.u32 s7, $0x1;
	s4 =	sadd.s32 s5, s19  }
0x9d: {  	s8 =	simm.s32 $0x0;
	s20 =	sshll.u32 s6, $0x1;
	s6 =	sadd.s32 s21, s4  }
0x9e: {  	[timem:s8], [sflag:s22] =	dma.local [hbm:s6], s20  }
0x9f: {  	_ =	swait.ge [sflag:s22], s20  }
0xa0: {  	s5 =	ssub.s32 $0x0, s20;
	[sflag:s22] =	ssyncset.done $0x0  }
0xa1: {  	[sflag:s22] =	ssyncadd.s32 s5;
	_ =	sdelay $0x1  }
0xa2: {  	s23 =	simm.s32 $0x1B8B  }
0xa3: {  	_ =	swait.ge [sflag:s23], $0x1  }
0xa4: {  	[sflag:s23] =	ssyncset.done $0x0  }
0xa5: {  	s25 =	simm.s32 $0x1B8E;
	s24 =	sld [smem:$0x3FFE];
	[sflag:s23] =	ssyncadd.s32 $0xFFFFFFFF  }
0xa6: {  	s26 =	simm.s32 $execute0_lowered;
	[smem:$0x3FD2] =	sst s25  }
0xa7: {  	s6 =	sshll.u32 s26, $0x1;
	_ =	strace $0x80000046;
	[dreg:$0x1] =	wrdreg $0xFFFFFFFF  }
0xa8: {  	s28 =	simm.s32 $_size_execute0_lowered;
	s4 =	sadd.s32 s4, s6;
	[dreg:$0x0] =	wrdreg $0x0  }
0xa9: {  	s6 =	sshll.u32 s28, $0x1;
	[dreg:$0x2] =	wrdreg s4  }
0xaa: {  	[dreg:$0x3] =	wrdreg s6  }
0xab: {  	[dreg:$0x4] =	wrdreg $0xC0  }
0xac: {  	_ =	task [dreg:s8], $0x5FFFF  }
0xad: {  	[dreg:$0x1] =	wrdreg $0xFFFFFFFF  }
0xae: {  	[dreg:$0x0] =	wrdreg $0x60  }
0xaf: {  	[dreg:$0x2] =	wrdreg s24  }
0xb0: {  	[dreg:$0x3] =	wrdreg s2  }
0xb1: {  	[dreg:$0x4] =	wrdreg s18  }
0xb2: {  	[dreg:$0x5] =	wrdreg $0x9  }
0xb3: {  	_ =	task.clear_ibuf [dreg:s8], $0x6FFFF;
	_ =	strace $0x90000046  }
0xb4: {  	s29 =	simm.s32 $0x9;
	_ =	strace $0x80000048  }
0xb5: {  	_ =	swait.ge [sflag:s29], $0x1  }
0xb6: {  	[sflag:s29] =	ssyncadd.s32 $0xFFFFFFFF  }
0xb7: {  	_ =	strace $0x90000048  }
0xb8: {  	_ =	sfence  }
0xb9: {  	s30 =	sld [smem:$0x0];
	_ =	sdelay $0x2  }
0xba: {  	s31 =	sshll.u32 s1, $0xD;
	s1 =	sshrl.u32 s1, $0x2  }
0xbb: {  	s3 =	sand.u32 $0x4000, s31;
	s1 =	sadd.s32 s1, s30  }
0xbc: {  	s0 =	sor.u32 s3, s0;
	s1 =	sshll.u32 s1, $0x11  }
0xbd: {  	s0 =	sor.u32 s1, s0  }
0xbe: {  	s0 =	sadd.s32 $0x8F2B, s0  }
0xbf: {  	[sflag:s0] =	ssyncadd.remote.s32 $0x1  }
0xc0: {  	_ =	sfence.sel $0xFFFF  }
0xc1: {  	[dreg:$0x0] =	wrdreg $0xFFFFFFFF;
	(pc) =	sbr.abs _section_cstart, $3  }
0xc2: {  	[dreg:$0x1] =	wrdreg $0xFFFFFFFF  }
0xc3: {  	_ =	task.clear_ibuf [dreg:s8], $0x2FFFF;
	_ =	strace $0x9FFFFFFF  }
0xc4: {  	(tm) =	ssettm $0x7FFFFFFF  }
0xc5: {  	_ =	shalt  }
tec
execute0_lowered:
.L_overlay_start_1:
0x0: {  	(tag) =	ssettag $0x1  }
0x1: {  	s8 =	rddreg [dreg:$0x0]  }
0x2: {  	s1 =	rddreg [dreg:$0x1]  }
0x3: {  	v0 =	vimm.s32 $0xFEDCBA98;
	s9 =	rddreg [dreg:$0x2]  }
0x4: {  	v1 =	vimm.s32 $0x76543210;
	s0 =	rddreg [dreg:$0x3];
	v2 =	vimm.s32 $0xBA98FEDC;
	v3 =	vimm.s32 $0x32107654  }
0x5: {  	s2 =	simm.s32 $0x0;
	s5 =	srdreg.scid;
	s3 =	stileid.u32;
	v4 =	vimm.s32 $0xDCFE98BA;
	v5 =	vimm.s32 $0x54761032;
	v6 =	vimm.s32 $0xEFCDAB89  }
0x6: {  	v7 =	vimm.s32 $0x67452301;
	s13 =	simm.s32 $0x1B280;
	s14 =	simm.s32 $0x1B300;
	s15 =	simm.s32 $0x1A000;
	v0 =	vunpack.c.l.s4.s8 v0;
	v1 =	vunpack.c.l.s4.s8 v1  }
0x7: {  	s16 =	simm.s32 $0xD000;
	s17 =	simm.s32 $0x1B000;
	s18 =	simm.s32 $0x0;
	v2 =	vunpack.c.l.s4.s8 v2;
	v3 =	vunpack.c.l.s4.s8 v3;
	v4 =	vunpack.c.l.s4.s8 v4  }
0x8: {  	[smem:$0x7FF] =	sst s2;
	s4 =	sadd.s32 $0xA00, s8;
	s6 =	sand.u32 $0x1, s5;
	v5 =	vunpack.c.l.s4.s8 v5;
	v6 =	vunpack.c.l.s4.s8 v6;
	v7 =	vunpack.c.l.s4.s8 v7  }
0x9: {  	s5 =	sadd.s32 $0x800, s8;
	s7 =	sshll.u32 s3, $0xA;
	s10 =	sshll.u32 s6, $0x9;
	v0 =	vunpack.c.0.s8.s32 v0;
	v1 =	vunpack.c.0.s8.s32 v1;
	v2 =	vunpack.c.0.s8.s32 v2  }
0xa: {  	_ =	strace $0x80000047;
	s11 =	ssub.s32 $0x2, s6;
	s6 =	sor.u32 s10, s7;
	v3 =	vunpack.c.0.s8.s32 v3;
	v4 =	vunpack.c.0.s8.s32 v4;
	v5 =	vunpack.c.0.s8.s32 v5  }
0xb: {  	s7 =	sadd.s32 $0x600, s8;
	s31 =	sshrl.u32 s11, $0x1;
	s8 =	sadd.s32 $0x340A00, s8;
	v6 =	vunpack.c.0.s8.s32 v6;
	v7 =	vunpack.c.0.s8.s32 v7;
	v0 =	vand.u32 $0xF, v0  }
0xc: {  	s12 =	sshrl.u32 s6, $0x3;
	s10 =	ssub.s32 s11, s31;
	s11 =	simm.s32 $0x1B200;
	v0 =	vcombine.low v0, v1;
	v1 =	vcombine.low v3, v2  }
0xd: {  	s9 =	sadd.s32 s9, s12;
	s10 =	smax.u32 s10, $0x1;
	s12 =	simm.s32 $0x1;
	v2 =	vcombine.low v5, v4;
	v3 =	vcombine.low v7, v6;
	v4 =	vlaneseq.u32  }
.LBB2_1:
0xe: {  	[tilespmem:s11], [sflag:$0x1] =	stream.linear.gather [hbm4b:s5+s2], $0x80, $0x38;
	[tilespmem:$0x1B380] =	vst v63  }
0xf: {  	_ =	swait.ge [sflag:s12], $0x80  }
0x10: {  	[sflag:s12] =	ssyncset.done $0x0  }
0x11: {  	[sflag:s12] =	ssyncadd.s32 $0xFFFFFF80  }
0x12: {  	[tilespmem:s13], [sflag:$0x1] =	stream.linear.gather [hbm4b:s7+s2], $0x80, $0x38;
	[tilespmem:$0x1B380] =	vst v63  }
0x13: {  	_ =	swait.ge [sflag:s12], $0x80  }
0x14: {  	[sflag:s12] =	ssyncset.done $0x0  }
0x15: {  	[sflag:s12] =	ssyncadd.s32 $0xFFFFFF80  }
0x16: {  	[tilespmem:s14], [sflag:$0x1] =	stream.linear.gather [hbm4b:s1+s2], $0x80, $0x38;
	[tilespmem:$0x1B380] =	vst v63  }
0x17: {  	_ =	swait.ge [sflag:s12], $0x80  }
0x18: {  	[sflag:s12] =	ssyncset.done $0x0  }
0x19: {  	[sflag:s12] =	ssyncadd.s32 $0xFFFFFF80  }
0x1a: {  	v5 =	vld [tilespmem:$0x1B300]  }
0x1b: {  	v6 =	vld [tilespmem:$0x1B310]  }
0x1c: {  	v7 =	vld [tilespmem:$0x1B320]  }
0x1d: {  	s19 =	simm.s32 $0x0;
	v8 =	vld [tilespmem:$0x1B330]  }
.LBB2_2:
0x1e: {  	s20 =	sshll.u32 s19, $0x5  }
0x1f: {  	s22 =	sor.u32 s6, s20  }
0x20: {  	s21 =	sshrl.u32 s22, $0x3  }
0x21: {  	s21 =	smul.u32 $0x680, s21;
	_ =	sdelay $0x1  }
0x22: {  	s23 =	sadd.s32 s4, s21;
	s21 =	simm.s32 $0x0  }
0x23: {  	[tilespmem:s21], [sflag:$0x1] =	stream.linear.gather [hbm4b:s23+s21], $0xD000, $0x38;
	[tilespmem:$0x1B380] =	vst v63  }
0x24: {  	_ =	swait.ge [sflag:s12], $0xD000  }
0x25: {  	s22 =	sshll.u32 s22, $0x4;
	[sflag:s12] =	ssyncset.done $0x0  }
0x26: {  	s22 =	sadd.s32 s8, s22;
	[sflag:s12] =	ssyncadd.s32 $0xFFFF3000  }
0x27: {  	[tilespmem:s15], [sflag:$0x1] =	stream.linear.gather [hbm4b:s22+s21], $0x1000, $0x38;
	[tilespmem:$0x1B380] =	vst v63  }
0x28: {  	_ =	swait.ge [sflag:s12], $0x1000  }
0x29: {  	[sflag:s12] =	ssyncset.done $0x0  }
0x2a: {  	s22 =	simm.s32 $0x0;
	[sflag:s12] =	ssyncadd.s32 $0xFFFFF000  }
.LBB2_3:
0x2b: {  	s23 =	sshrl.u32 s22, $0x3  }
0x2c: {  	s23 =	smul.u32 $0x3400, s23  }
0x2d: {  	s24 =	sand.u32 $0x380, s21  }
0x2e: {  	s23 =	sor.u32 s24, s23  }
0x2f: {  	v9 =	vld [tilespmem:s23+$0x0]  }
0x30: {  	v10 =	vld [tilespmem:s23+$0x10]  }
0x31: {  	v11 =	vld [tilespmem:s23+$0x20]  }
0x32: {  	v12 =	vld [tilespmem:s23+$0x30]  }
0x33: {  	v13 =	vld [tilespmem:s23+$0x40]  }
0x34: {  	v14 =	vld [tilespmem:s23+$0x50];
	v9 =	vmul.f32 v9, v5  }
0x35: {  	v15 =	vld [tilespmem:s23+$0x60];
	v10 =	vmul.f32 v10, v6  }
0x36: {  	v16 =	vld [tilespmem:s23+$0x70];
	[tilespmem:s23+$0xD000] =	vst v9;
	v9 =	vmul.f32 v11, v7  }
0x37: {  	v11 =	vld [tilespmem:s23+$0x400];
	[tilespmem:s23+$0xD010] =	vst v10;
	v10 =	vmul.f32 v12, v8  }
0x38: {  	v28 =	vld [tilespmem:s23+$0x410];
	[tilespmem:s23+$0xD020] =	vst v9;
	v9 =	vmul.f32 v13, v5  }
0x39: {  	v29 =	vld [tilespmem:s23+$0x420];
	[tilespmem:s23+$0xD030] =	vst v10;
	v10 =	vmul.f32 v14, v6  }
0x3a: {  	v30 =	vld [tilespmem:s23+$0x430];
	[tilespmem:s23+$0xD040] =	vst v9;
	v9 =	vmul.f32 v15, v7  }
0x3b: {  	v31 =	vld [tilespmem:s23+$0x440];
	[tilespmem:s23+$0xD050] =	vst v10;
	v10 =	vmul.f32 v16, v8  }
0x3c: {  	v32 =	vld [tilespmem:s23+$0x450];
	[tilespmem:s23+$0xD060] =	vst v9;
	v9 =	vmul.f32 v11, v5  }
0x3d: {  	v11 =	vld [tilespmem:s23+$0x460];
	[tilespmem:s23+$0xD070] =	vst v10;
	v10 =	vmul.f32 v28, v6  }
0x3e: {  	v33 =	vld [tilespmem:s23+$0x470];
	[tilespmem:s23+$0xD400] =	vst v9;
	v9 =	vmul.f32 v29, v7  }
0x3f: {  	v34 =	vld [tilespmem:s23+$0x800];
	[tilespmem:s23+$0xD410] =	vst v10;
	v10 =	vmul.f32 v30, v8  }
0x40: {  	v35 =	vld [tilespmem:s23+$0x810];
	[tilespmem:s23+$0xD420] =	vst v9;
	v9 =	vmul.f32 v31, v5  }
0x41: {  	v36 =	vld [tilespmem:s23+$0x820];
	[tilespmem:s23+$0xD430] =	vst v10;
	v10 =	vmul.f32 v32, v6  }
0x42: {  	v37 =	vld [tilespmem:s23+$0x830];
	[tilespmem:s23+$0xD440] =	vst v9;
	v9 =	vmul.f32 v11, v7  }
0x43: {  	v11 =	vld [tilespmem:s23+$0x840];
	[tilespmem:s23+$0xD450] =	vst v10;
	v10 =	vmul.f32 v33, v8  }
0x44: {  	v38 =	vld [tilespmem:s23+$0x850];
	[tilespmem:s23+$0xD460] =	vst v9;
	v9 =	vmul.f32 v34, v5  }
0x45: {  	v39 =	vld [tilespmem:s23+$0x860];
	[tilespmem:s23+$0xD470] =	vst v10;
	v10 =	vmul.f32 v35, v6  }
0x46: {  	v40 =	vld [tilespmem:s23+$0x870];
	[tilespmem:s23+$0xD800] =	vst v9;
	v9 =	vmul.f32 v36, v7  }
0x47: {  	v41 =	vld [tilespmem:s23+$0xC00];
	[tilespmem:s23+$0xD810] =	vst v10;
	v10 =	vmul.f32 v37, v8  }
0x48: {  	v42 =	vld [tilespmem:s23+$0xC10];
	[tilespmem:s23+$0xD820] =	vst v9;
	v9 =	vmul.f32 v11, v5  }
0x49: {  	v11 =	vld [tilespmem:s23+$0xC20];
	[tilespmem:s23+$0xD830] =	vst v10;
	v10 =	vmul.f32 v38, v6  }
0x4a: {  	v43 =	vld [tilespmem:s23+$0xC30];
	[tilespmem:s23+$0xD840] =	vst v9;
	v9 =	vmul.f32 v39, v7  }
0x4b: {  	v44 =	vld [tilespmem:s23+$0xC40];
	[tilespmem:s23+$0xD850] =	vst v10;
	v10 =	vmul.f32 v40, v8  }
0x4c: {  	v45 =	vld [tilespmem:s23+$0xC50];
	[tilespmem:s23+$0xD860] =	vst v9;
	v9 =	vmul.f32 v41, v5  }
0x4d: {  	v46 =	vld [tilespmem:s23+$0xC60];
	[tilespmem:s23+$0xD870] =	vst v10;
	v10 =	vmul.f32 v42, v6  }
0x4e: {  	v47 =	vld [tilespmem:s23+$0xC70];
	[tilespmem:s23+$0xDC00] =	vst v9;
	v9 =	vmul.f32 v11, v7  }
0x4f: {  	v11 =	vld [tilespmem:s23+$0x1000];
	[tilespmem:s23+$0xDC10] =	vst v10;
	v10 =	vmul.f32 v43, v8  }
0x50: {  	v48 =	vld [tilespmem:s23+$0x1010];
	[tilespmem:s23+$0xDC20] =	vst v9;
	v9 =	vmul.f32 v44, v5  }
0x51: {  	v49 =	vld [tilespmem:s23+$0x1020];
	[tilespmem:s23+$0xDC30] =	vst v10;
	v10 =	vmul.f32 v45, v6  }
0x52: {  	v50 =	vld [tilespmem:s23+$0x1030];
	[tilespmem:s23+$0xDC40] =	vst v9;
	v9 =	vmul.f32 v46, v7  }
0x53: {  	v51 =	vld [tilespmem:s23+$0x1040];
	[tilespmem:s23+$0xDC50] =	vst v10;
	v10 =	vmul.f32 v47, v8  }
0x54: {  	v52 =	vld [tilespmem:s23+$0x1050];
	[tilespmem:s23+$0xDC60] =	vst v9;
	v9 =	vmul.f32 v11, v5  }
0x55: {  	v11 =	vld [tilespmem:s23+$0x1060];
	[tilespmem:s23+$0xDC70] =	vst v10;
	v10 =	vmul.f32 v48, v6  }
0x56: {  	v53 =	vld [tilespmem:s23+$0x1070];
	[tilespmem:s23+$0xE000] =	vst v9;
	v9 =	vmul.f32 v49, v7  }
0x57: {  	v54 =	vld [tilespmem:s23+$0x1400];
	[tilespmem:s23+$0xE010] =	vst v10;
	v10 =	vmul.f32 v50, v8  }
0x58: {  	v55 =	vld [tilespmem:s23+$0x1410];
	[tilespmem:s23+$0xE020] =	vst v9;
	v9 =	vmul.f32 v51, v5  }
0x59: {  	v56 =	vld [tilespmem:s23+$0x1420];
	[tilespmem:s23+$0xE030] =	vst v10;
	v10 =	vmul.f32 v52, v6  }
0x5a: {  	v57 =	vld [tilespmem:s23+$0x1430];
	v11 =	vmul.f32 v11, v7;
	[tilespmem:s23+$0xE040] =	vst v9  }
0x5b: {  	v58 =	vld [tilespmem:s23+$0x1450];
	[tilespmem:s23+$0xE050] =	vst v10;
	v10 =	vmul.f32 v53, v8  }
0x5c: {  	v59 =	vld [tilespmem:s23+$0x1460];
	[tilespmem:s23+$0xE060] =	vst v11;
	v11 =	vmul.f32 v54, v5  }
0x5d: {  	v60 =	vld [tilespmem:s23+$0x1470];
	[tilespmem:s23+$0xE070] =	vst v10;
	v10 =	vmul.f32 v55, v6  }
0x5e: {  	v55 =	vld [tilespmem:s23+$0x2C30];
	[tilespmem:s23+$0xE400] =	vst v11;
	v11 =	vmul.f32 v56, v7  }
0x5f: {  	v61 =	vld [tilespmem:s23+$0x1800];
	[tilespmem:s23+$0xE410] =	vst v10;
	v10 =	vmul.f32 v57, v8  }
0x60: {  	v62 =	vld [tilespmem:s23+$0x1810];
	[tilespmem:s23+$0xE420] =	vst v11;
	v11 =	vmul.f32 v58, v6  }
0x61: {  	v63 =	vld [tilespmem:s23+$0x1820];
	[tilespmem:s23+$0xE430] =	vst v10;
	v10 =	vmul.f32 v59, v7  }
0x62: {  	v20 =	vld [tilespmem:s23+$0x1830];
	[tilespmem:s23+$0xE450] =	vst v11;
	v11 =	vmul.f32 v60, v8  }
0x63: {  	v21 =	vld [tilespmem:s23+$0x1850];
	v13 =	vmul.f32 v55, v8;
	[tilespmem:s23+$0xE460] =	vst v10  }
0x64: {  	v22 =	vld [tilespmem:s23+$0x1860];
	v10 =	vmul.f32 v61, v5;
	[tilespmem:s23+$0xE470] =	vst v11  }
0x65: {  	v23 =	vld [tilespmem:s23+$0x1870];
	v11 =	vmul.f32 v62, v6;
	[tilespmem:s23+$0xFC30] =	vst v13  }
0x66: {  	v24 =	vld [tilespmem:s23+$0x1C00];
	[tilespmem:s23+$0xE800] =	vst v10;
	v10 =	vmul.f32 v63, v7  }
0x67: {  	v25 =	vld [tilespmem:s23+$0x1C10];
	[tilespmem:s23+$0xE810] =	vst v11;
	v11 =	vmul.f32 v20, v8  }
0x68: {  	v26 =	vld [tilespmem:s23+$0x1C20];
	[tilespmem:s23+$0xE820] =	vst v10;
	v10 =	vmul.f32 v21, v6  }
0x69: {  	v27 =	vld [tilespmem:s23+$0x1C30];
	[tilespmem:s23+$0xE830] =	vst v11;
	v11 =	vmul.f32 v22, v7  }
0x6a: {  	v28 =	vld [tilespmem:s23+$0x1C50];
	[tilespmem:s23+$0xE850] =	vst v10;
	v10 =	vmul.f32 v23, v8  }
0x6b: {  	v29 =	vld [tilespmem:s23+$0x1C60];
	[tilespmem:s23+$0xE860] =	vst v11;
	v11 =	vmul.f32 v24, v5  }
0x6c: {  	v30 =	vld [tilespmem:s23+$0x1C70];
	[tilespmem:s23+$0xE870] =	vst v10;
	v10 =	vmul.f32 v25, v6  }
0x6d: {  	v31 =	vld [tilespmem:s23+$0x2000];
	[tilespmem:s23+$0xEC00] =	vst v11;
	v11 =	vmul.f32 v26, v7  }
0x6e: {  	v32 =	vld [tilespmem:s23+$0x2010];
	[tilespmem:s23+$0xEC10] =	vst v10;
	v10 =	vmul.f32 v27, v8  }
0x6f: {  	v33 =	vld [tilespmem:s23+$0x2020];
	[tilespmem:s23+$0xEC20] =	vst v11;
	v11 =	vmul.f32 v28, v6  }
0x70: {  	v34 =	vld [tilespmem:s23+$0x2030];
	[tilespmem:s23+$0xEC30] =	vst v10;
	v10 =	vmul.f32 v29, v7  }
0x71: {  	v35 =	vld [tilespmem:s23+$0x2050];
	[tilespmem:s23+$0xEC50] =	vst v11;
	v11 =	vmul.f32 v30, v8  }
0x72: {  	v36 =	vld [tilespmem:s23+$0x2060];
	[tilespmem:s23+$0xEC60] =	vst v10;
	v10 =	vmul.f32 v31, v5  }
0x73: {  	v37 =	vld [tilespmem:s23+$0x2070];
	[tilespmem:s23+$0xEC70] =	vst v11;
	v11 =	vmul.f32 v32, v6  }
0x74: {  	v38 =	vld [tilespmem:s23+$0x2400];
	[tilespmem:s23+$0xF000] =	vst v10;
	v10 =	vmul.f32 v33, v7  }
0x75: {  	v39 =	vld [tilespmem:s23+$0x2410];
	[tilespmem:s23+$0xF010] =	vst v11;
	v11 =	vmul.f32 v34, v8  }
0x76: {  	v40 =	vld [tilespmem:s23+$0x2420];
	[tilespmem:s23+$0xF020] =	vst v10;
	v10 =	vmul.f32 v35, v6  }
0x77: {  	v41 =	vld [tilespmem:s23+$0x2430];
	[tilespmem:s23+$0xF030] =	vst v11;
	v11 =	vmul.f32 v36, v7  }
0x78: {  	v42 =	vld [tilespmem:s23+$0x2450];
	[tilespmem:s23+$0xF050] =	vst v10;
	v10 =	vmul.f32 v37, v8  }
0x79: {  	v43 =	vld [tilespmem:s23+$0x2460];
	[tilespmem:s23+$0xF060] =	vst v11;
	v11 =	vmul.f32 v38, v5  }
0x7a: {  	v44 =	vld [tilespmem:s23+$0x2470];
	[tilespmem:s23+$0xF070] =	vst v10;
	v10 =	vmul.f32 v39, v6  }
0x7b: {  	v45 =	vld [tilespmem:s23+$0x2800];
	[tilespmem:s23+$0xF400] =	vst v11;
	v11 =	vmul.f32 v40, v7  }
0x7c: {  	v46 =	vld [tilespmem:s23+$0x2810];
	[tilespmem:s23+$0xF410] =	vst v10;
	v10 =	vmul.f32 v41, v8  }
0x7d: {  	v47 =	vld [tilespmem:s23+$0x2820];
	[tilespmem:s23+$0xF420] =	vst v11;
	v11 =	vmul.f32 v42, v6  }
0x7e: {  	v48 =	vld [tilespmem:s23+$0x2830];
	[tilespmem:s23+$0xF430] =	vst v10;
	v10 =	vmul.f32 v43, v7  }
0x7f: {  	v49 =	vld [tilespmem:s23+$0x2850];
	[tilespmem:s23+$0xF450] =	vst v11;
	v11 =	vmul.f32 v44, v8  }
0x80: {  	v50 =	vld [tilespmem:s23+$0x2860];
	[tilespmem:s23+$0xF460] =	vst v10;
	v10 =	vmul.f32 v45, v5  }
0x81: {  	v51 =	vld [tilespmem:s23+$0x2870];
	[tilespmem:s23+$0xF470] =	vst v11;
	v11 =	vmul.f32 v46, v6  }
0x82: {  	v52 =	vld [tilespmem:s23+$0x2C00];
	[tilespmem:s23+$0xF800] =	vst v10;
	v10 =	vmul.f32 v47, v7  }
0x83: {  	v53 =	vld [tilespmem:s23+$0x2C10];
	[tilespmem:s23+$0xF810] =	vst v11;
	v11 =	vmul.f32 v48, v8  }
0x84: {  	v54 =	vld [tilespmem:s23+$0x2C20];
	[tilespmem:s23+$0xF820] =	vst v10;
	v10 =	vmul.f32 v49, v6  }
0x85: {  	v56 =	vld [tilespmem:s23+$0x2C50];
	[tilespmem:s23+$0xF830] =	vst v11;
	v11 =	vmul.f32 v50, v7  }
0x86: {  	v57 =	vld [tilespmem:s23+$0x2C60];
	[tilespmem:s23+$0xF850] =	vst v10;
	v10 =	vmul.f32 v51, v8  }
0x87: {  	v58 =	vld [tilespmem:s23+$0x2C70];
	[tilespmem:s23+$0xF860] =	vst v11;
	v11 =	vmul.f32 v52, v5  }
0x88: {  	v59 =	vld [tilespmem:s23+$0x3000];
	[tilespmem:s23+$0xF870] =	vst v10;
	v10 =	vmul.f32 v53, v6  }
0x89: {  	v9 =	vld [tilespmem:s23+$0x1440];
	[tilespmem:s23+$0xFC00] =	vst v11;
	v11 =	vmul.f32 v54, v7  }
0x8a: {  	v14 =	vmul.f32 v56, v6;
	[tilespmem:s23+$0xFC10] =	vst v10;
	v10 =	vld [tilespmem:s23+$0x1840]  }
0x8b: {  	v15 =	vmul.f32 v57, v7;
	[tilespmem:s23+$0xFC20] =	vst v11;
	v11 =	vld [tilespmem:s23+$0x1C40]  }
0x8c: {  	v60 =	vld [tilespmem:s23+$0x2040];
	[tilespmem:s23+$0xFC50] =	vst v14;
	v16 =	vmul.f32 v58, v8  }
0x8d: {  	v61 =	vld [tilespmem:s23+$0x2440];
	[tilespmem:s23+$0xFC60] =	vst v15;
	v12 =	vmul.f32 v59, v5  }
0x8e: {  	s24 =	sadd.s32 $0x3000, s23;
	v9 =	vmul.f32 v9, v5;
	v62 =	vld [tilespmem:s23+$0x2840];
	[tilespmem:s23+$0xFC70] =	vst v16  }
0x8f: {  	v63 =	vld [tilespmem:s23+$0x2C40];
	[tilespmem:s24+$0xD000] =	vst v12;
	v10 =	vmul.f32 v10, v5  }
0x90: {  	[tilespmem:s23+$0xE440] =	vst v9;
	v9 =	vmul.f32 v11, v5;
	v11 =	vld [tilespmem:s23+$0x3010]  }
0x91: {  	[tilespmem:s23+$0xE840] =	vst v10;
	v10 =	vmul.f32 v60, v5  }
0x92: {  	[tilespmem:s23+$0xEC40] =	vst v9;
	v9 =	vmul.f32 v61, v5  }
0x93: {  	[tilespmem:s23+$0xF040] =	vst v10;
	v10 =	vmul.f32 v62, v5  }
0x94: {  	[tilespmem:s23+$0xF440] =	vst v9;
	v9 =	vmul.f32 v63, v5  }
0x95: {  	[tilespmem:s23+$0xF840] =	vst v10;
	v10 =	vmul.f32 v11, v6  }
0x96: {  	[tilespmem:s23+$0xFC40] =	vst v9  }
0x97: {  	[tilespmem:s24+$0xD010] =	vst v10  }
0x98: {  	v9 =	vld [tilespmem:s23+$0x3020];
	_ =	sdelay $0x4  }
0x99: {  	v9 =	vmul.f32 v9, v7;
	_ =	sdelay $0x1  }
0x9a: {  	[tilespmem:s24+$0xD020] =	vst v9  }
0x9b: {  	v9 =	vld [tilespmem:s23+$0x3030];
	_ =	sdelay $0x4  }
0x9c: {  	v9 =	vmul.f32 v9, v8;
	_ =	sdelay $0x1  }
0x9d: {  	[tilespmem:s24+$0xD030] =	vst v9  }
0x9e: {  	v9 =	vld [tilespmem:s23+$0x3040];
	_ =	sdelay $0x4  }
0x9f: {  	v9 =	vmul.f32 v9, v5;
	_ =	sdelay $0x1  }
0xa0: {  	[tilespmem:s24+$0xD040] =	vst v9  }
0xa1: {  	v9 =	vld [tilespmem:s23+$0x3050];
	_ =	sdelay $0x4  }
0xa2: {  	v9 =	vmul.f32 v9, v6;
	_ =	sdelay $0x1  }
0xa3: {  	[tilespmem:s24+$0xD050] =	vst v9  }
0xa4: {  	v9 =	vld [tilespmem:s23+$0x3060];
	_ =	sdelay $0x4  }
0xa5: {  	v9 =	vmul.f32 v9, v7;
	_ =	sdelay $0x1  }
0xa6: {  	[tilespmem:s24+$0xD060] =	vst v9  }
0xa7: {  	v9 =	vld [tilespmem:s23+$0x3070];
	_ =	sdelay $0x1  }
0xa8: {  	p0 =	seq.s32 s22, $0x1F  }
.Ltmp0:
0xa9: {  	_ = 	snop;
	(pc) =	sbr.rel @!p0 .LBB2_3-.Ltmp0, $3  }
0xaa: {  	_ = 	snop  }
0xab: {  	v9 =	vmul.f32 v9, v8;
	_ =	sdelay $0x1  }
0xac: {  	s21 =	sadd.s32 $0x80, s21;
	s22 =	sadd.s32 $0x1, s22;
	[tilespmem:s24+$0xD070] =	vst v9  }
0xad: {  	s21 =	sadd.s32 $0x1B000, s20  }
0xae: {  	s20 =	simm.s32 $0x0;
	p1 =	por $0x1, $0x1;
	v9 =	vmov s21  }
.LBB2_5:
0xaf: {  	s21 =	sshll.u32 s20, $0xB  }
0xb0: {  	p0 =	por p1, p1;
	s21 =	sand.u32 $0x3FFFF800, s21  }
0xb1: {  	s20 =	sshll.u32 s20, $0x4;
	v10 =	vimm.f32 $0.0e+00;
	s22 =	simm.s32 $0x0;
	s21 =	sadd.s32 $0x1A000, s21  }
.LBB2_6:
0xb2: {  	s23 =	sadd.s32 s20, s22  }
0xb3: {  	v12 =	vmov s23  }
0xb4: {  	v14 =	vmov s21;
	v11 =	vshrl.u32 v12, $0x3;
	v12 =	vshll.u32 v12, $0x7  }
0xb5: {  	v13 =	vimm.f32 $0.0e+00;
	s23 =	simm.s32 $0x0;
	v11 =	vmul.u32 $0x3400, v11;
	v12 =	vand.u32 $0x380, v12  }
.LBB2_7:
0xb6: {  	s24 =	sshra.s32 s23, $0x2  }
0xb7: {  	v16 =	vld [tilespmem:s24+$0x1B200]  }
0xb8: {  	v15 =	vld [tilespmem:s24+$0x1B280];
	_ =	sdelay $0x4  }
0xb9: {  	v17 =	vshll.u32 v16, $0x3;
	v18 =	vshll.u32 v15, $0x3  }
0xba: {  	v19 =	vand.u32 $0x7F, v16;
	v20 =	vand.u32 $0x7F, v15;
	v21 =	vadd.s32 $0x1, v16  }
0xbb: {  	v49 =	vadd.s32 $0x1, v15;
	v22 =	vadd.s32 $0x2, v16;
	v24 =	vadd.s32 $0x2, v15  }
0xbc: {  	v54 =	vadd.s32 $0x3, v16;
	v25 =	vadd.s32 $0x3, v15;
	v60 =	vadd.s32 $0x4, v16  }
0xbd: {  	v62 =	vadd.s32 $0x4, v15;
	v17 =	vand.u32 $0xFFFFFC00, v17;
	v18 =	vand.u32 $0xFFFFFC00, v18  }
0xbe: {  	v47 =	vshll.u32 v21, $0x3;
	v48 =	vand.u32 $0x7F, v21;
	v50 =	vshll.u32 v49, $0x3  }
0xbf: {  	v23 =	vshll.u32 v22, $0x3;
	v21 =	vand.u32 $0x7F, v49;
	v22 =	vand.u32 $0x7F, v22  }
0xc0: {  	v52 =	vshll.u32 v24, $0x3;
	v53 =	vand.u32 $0x7F, v24;
	v55 =	vshll.u32 v54, $0x3  }
0xc1: {  	v26 =	vshll.u32 v25, $0x3;
	v24 =	vand.u32 $0x7F, v54;
	v56 =	vand.u32 $0x7F, v25  }
0xc2: {  	v17 =	vadd.s32 v11, v17;
	v18 =	vadd.s32 v11, v18;
	v23 =	vand.u32 $0xFFFFFC00, v23  }
0xc3: {  	v26 =	vand.u32 $0xFFFFFC00, v26;
	v17 =	vor.u32 v19, v17;
	v18 =	vor.u32 v20, v18  }
0xc4: {  	v19 =	vand.u32 $0xFFFFFC00, v47;
	v20 =	vand.u32 $0xFFFFFC00, v50;
	v23 =	vadd.s32 v11, v23  }
0xc5: {  	v17 =	vor.u32 v12, v17;
	v18 =	vor.u32 v12, v18;
	v19 =	vadd.s32 v11, v19  }
0xc6: {  	v20 =	vadd.s32 v11, v20;
	v51 =	vor.u32 v22, v23;
	v22 =	vand.u32 $0xFFFFFC00, v52  }
0xc7: {  	v19 =	vor.u32 v48, v19;
	v20 =	vor.u32 v21, v20;
	v21 =	vor.u32 v12, v51  }
0xc8: {  	v23 =	vand.u32 $0xFFFFFC00, v55;
	v22 =	vadd.s32 v11, v22;
	v19 =	vor.u32 v12, v19  }
0xc9: {  	v23 =	vadd.s32 v11, v23;
	v20 =	vor.u32 v12, v20;
	v22 =	vor.u32 v53, v22  }
0xca: {  	v57 =	vadd.s32 v11, v26;
	v23 =	vor.u32 v24, v23;
	v22 =	vor.u32 v12, v22;
	v17 =	vld.idx.msk [tilespmem:v17+s16+$0x0], $0xffff  }
0xcb: {  	v28 =	vadd.s32 $0x5, v16;
	v24 =	vor.u32 v56, v57;
	v23 =	vor.u32 v12, v23;
	v18 =	vld.idx.msk [tilespmem:v18+s2+$0x0], $0xffff  }
0xcc: {  	v30 =	vadd.s32 $0x5, v15;
	v34 =	vadd.s32 $0x6, v16;
	v24 =	vor.u32 v12, v24;
	v21 =	vld.idx.msk [tilespmem:v21+s16+$0x0], $0xffff  }
0xcd: {  	v27 =	vadd.s32 $0x6, v15;
	v39 =	vadd.s32 $0x7, v15;
	v44 =	vadd.s32 $0x9, v16;
	v19 =	vld.idx.msk [tilespmem:v19+s16+$0x0], $0xffff  }
0xce: {  	v61 =	vshll.u32 v60, $0x3;
	v63 =	vshll.u32 v62, $0x3;
	v29 =	vshll.u32 v28, $0x3;
	v20 =	vld.idx.msk [tilespmem:v20+s2+$0x0], $0xffff  }
0xcf: {  	v32 =	vshll.u32 v30, $0x3;
	v33 =	vand.u32 $0x7F, v30;
	v35 =	vshll.u32 v34, $0x3;
	v22 =	vld.idx.msk [tilespmem:v22+s2+$0x0], $0xffff  }
0xd0: {  	v40 =	vshll.u32 v39, $0x3;
	v30 =	vadd.s32 $0x8, v16;
	v45 =	vshll.u32 v44, $0x3;
	v23 =	vld.idx.msk [tilespmem:v23+s16+$0x0], $0xffff  }
0xd1: {  	v49 =	vadd.s32 $0xA, v15;
	v54 =	vadd.s32 $0xC, v16;
	v25 =	vand.u32 $0xFFFFFC00, v29;
	v24 =	vld.idx.msk [tilespmem:v24+s2+$0x0], $0xffff  }
0xd2: {  	v29 =	vadd.s32 $0x7, v16;
	v25 =	vadd.s32 v11, v25;
	v26 =	vand.u32 $0x7F, v34  }
0xd3: {  	v37 =	vshll.u32 v29, $0x3;
	v38 =	vand.u32 $0x7F, v29;
	v17 =	vmul.f32 v18, v17  }
0xd4: {  	v29 =	vand.u32 $0x7F, v39;
	v50 =	vshll.u32 v49, $0x3;
	v39 =	vadd.s32 $0xC, v15  }
0xd5: {  	v55 =	vshll.u32 v54, $0x3;
	v58 =	vmul.f32 v20, v19;
	v19 =	vadd.f32 $0.0e+00, v17  }
0xd6: {  	v59 =	vmul.f32 v22, v21;
	v20 =	vmul.f32 v24, v23;
	v22 =	vand.u32 $0xFFFFFC00, v61  }
0xd7: {  	v21 =	vand.u32 $0x7F, v60;
	v23 =	vand.u32 $0x7F, v62;
	v24 =	vand.u32 $0x7F, v28  }
0xd8: {  	v28 =	vshll.u32 v27, $0x3;
	v27 =	vand.u32 $0x7F, v27;
	v17 =	vadd.f32 $0.0e+00, v58  }
0xd9: {  	v22 =	vadd.s32 v11, v22;
	v31 =	vor.u32 v24, v25;
	v24 =	vand.u32 $0xFFFFFC00, v32  }
0xda: {  	v25 =	vand.u32 $0xFFFFFC00, v35;
	v28 =	vand.u32 $0xFFFFFC00, v28;
	v32 =	vadd.s32 $0x8, v15  }
0xdb: {  	v35 =	vadd.s32 $0xA, v16;
	v18 =	vadd.f32 $0.0e+00, v59;
	v21 =	vor.u32 v21, v22  }
0xdc: {  	v22 =	vand.u32 $0xFFFFFC00, v63;
	v24 =	vadd.s32 v11, v24;
	v25 =	vadd.s32 v11, v25  }
0xdd: {  	v28 =	vadd.s32 v11, v28;
	v42 =	vshll.u32 v32, $0x3;
	v43 =	vand.u32 $0x7F, v32  }
0xde: {  	v32 =	vand.u32 $0x7F, v44;
	v47 =	vshll.u32 v35, $0x3;
	v48 =	vand.u32 $0x7F, v35  }
0xdf: {  	v35 =	vand.u32 $0x7F, v49;
	v59 =	vadd.s32 $0xD, v15;
	v44 =	vadd.s32 $0xE, v15  }
0xe0: {  	v20 =	vadd.f32 $0.0e+00, v20;
	v21 =	vor.u32 v12, v21;
	v22 =	vadd.s32 v11, v22  }
0xe1: {  	v24 =	vor.u32 v33, v24;
	v25 =	vor.u32 v26, v25;
	v36 =	vor.u32 v27, v28  }
0xe2: {  	v27 =	vand.u32 $0xFFFFFC00, v37;
	v28 =	vand.u32 $0xFFFFFC00, v40;
	v33 =	vadd.s32 $0x9, v15  }
0xe3: {  	v40 =	vshll.u32 v39, $0x3;
	v39 =	vand.u32 $0x7F, v39;
	v60 =	vshll.u32 v59, $0x3  }
0xe4: {  	v62 =	vshll.u32 v44, $0x3;
	v63 =	vand.u32 $0x7F, v44;
	v22 =	vor.u32 v23, v22  }
0xe5: {  	v23 =	vor.u32 v12, v31;
	v24 =	vor.u32 v12, v24;
	v25 =	vor.u32 v12, v25  }
0xe6: {  	v26 =	vor.u32 v12, v36;
	v27 =	vadd.s32 v11, v27;
	v31 =	vshll.u32 v30, $0x3  }
0xe7: {  	v28 =	vadd.s32 v11, v28;
	v30 =	vand.u32 $0x7F, v30;
	v34 =	vshll.u32 v33, $0x3  }
0xe8: {  	v33 =	vand.u32 $0x7F, v33;
	v36 =	vadd.s32 $0xB, v16;
	v40 =	vand.u32 $0xFFFFFC00, v40  }
0xe9: {  	v22 =	vor.u32 v12, v22;
	v27 =	vor.u32 v38, v27;
	v31 =	vand.u32 $0xFFFFFC00, v31  }
0xea: {  	v28 =	vor.u32 v29, v28;
	v34 =	vand.u32 $0xFFFFFC00, v34;
	v37 =	vshll.u32 v36, $0x3  }
0xeb: {  	v36 =	vand.u32 $0x7F, v36;
	v38 =	vadd.s32 $0xB, v15;
	v40 =	vadd.s32 v11, v40  }
0xec: {  	v27 =	vor.u32 v12, v27;
	v31 =	vadd.s32 v11, v31;
	v28 =	vor.u32 v12, v28  }
0xed: {  	v34 =	vadd.s32 v11, v34;
	v37 =	vand.u32 $0xFFFFFC00, v37;
	v52 =	vshll.u32 v38, $0x3  }
0xee: {  	v53 =	vand.u32 $0x7F, v38;
	v38 =	vand.u32 $0x7F, v54;
	v56 =	vor.u32 v39, v40  }
0xef: {  	v40 =	vand.u32 $0xFFFFFC00, v60;
	v41 =	vor.u32 v30, v31;
	v30 =	vand.u32 $0xFFFFFC00, v42  }
0xf0: {  	v31 =	vand.u32 $0xFFFFFC00, v45;
	v46 =	vor.u32 v33, v34;
	v33 =	vand.u32 $0xFFFFFC00, v47  }
0xf1: {  	v34 =	vand.u32 $0xFFFFFC00, v50;
	v37 =	vadd.s32 v11, v37;
	v42 =	vadd.s32 $0xE, v16  }
0xf2: {  	v40 =	vadd.s32 v11, v40;
	v45 =	vadd.s32 $0xF, v15;
	v47 =	vadd.s32 $0x10, v16  }
0xf3: {  	v29 =	vor.u32 v12, v41;
	v30 =	vadd.s32 v11, v30;
	v31 =	vadd.s32 v11, v31  }
0xf4: {  	v33 =	vadd.s32 v11, v33;
	v34 =	vadd.s32 v11, v34;
	v51 =	vor.u32 v36, v37  }
0xf5: {  	v36 =	vand.u32 $0xFFFFFC00, v52;
	v37 =	vand.u32 $0xFFFFFC00, v55;
	v41 =	vadd.s32 $0xD, v16  }
0xf6: {  	v52 =	vand.u32 $0x7F, v47;
	v30 =	vor.u32 v43, v30;
	v31 =	vor.u32 v32, v31  }
0xf7: {  	v32 =	vor.u32 v12, v46;
	v33 =	vor.u32 v48, v33;
	v34 =	vor.u32 v35, v34  }
0xf8: {  	v35 =	vor.u32 v12, v51;
	v36 =	vadd.s32 v11, v36;
	v37 =	vadd.s32 v11, v37  }
0xf9: {  	v57 =	vshll.u32 v41, $0x3;
	v58 =	vand.u32 $0x7F, v41;
	v43 =	vshll.u32 v42, $0x3  }
0xfa: {  	v41 =	vand.u32 $0x7F, v59;
	v42 =	vand.u32 $0x7F, v42;
	v48 =	vadd.s32 $0xF, v16  }
0xfb: {  	v46 =	vshll.u32 v45, $0x3;
	v45 =	vand.u32 $0x7F, v45;
	v51 =	vshll.u32 v47, $0x3  }
0xfc: {  	v30 =	vor.u32 v12, v30;
	v31 =	vor.u32 v12, v31;
	v33 =	vor.u32 v12, v33  }
0xfd: {  	v34 =	vor.u32 v12, v34;
	v36 =	vor.u32 v53, v36;
	v37 =	vor.u32 v38, v37  }
0xfe: {  	v38 =	vor.u32 v12, v56;
	v39 =	vand.u32 $0xFFFFFC00, v57;
	v43 =	vand.u32 $0xFFFFFC00, v43  }
0xff: {  	v40 =	vor.u32 v41, v40;
	v49 =	vshll.u32 v48, $0x3;
	v44 =	vand.u32 $0x7F, v48  }
0x100: {  	v46 =	vand.u32 $0xFFFFFC00, v46;
	v53 =	vadd.s32 $0x10, v15;
	v48 =	vadd.s32 $0x11, v16  }
0x101: {  	v36 =	vor.u32 v12, v36;
	v37 =	vor.u32 v12, v37;
	v39 =	vadd.s32 v11, v39  }
0x102: {  	v43 =	vadd.s32 v11, v43;
	v40 =	vor.u32 v12, v40;
	v46 =	vadd.s32 v11, v46  }
0x103: {  	v21 =	vld.idx.msk [tilespmem:v21+s16+$0x0], $0xffff;
	v54 =	vshll.u32 v53, $0x3;
	v47 =	vand.u32 $0x7F, v53;
	v39 =	vor.u32 v58, v39  }
0x104: {  	v23 =	vld.idx.msk [tilespmem:v23+s16+$0x0], $0xffff;
	v61 =	vor.u32 v42, v43;
	v42 =	vand.u32 $0xFFFFFC00, v62;
	v43 =	vand.u32 $0xFFFFFC00, v49  }
0x105: {  	v24 =	vld.idx.msk [tilespmem:v24+s2+$0x0], $0xffff;
	v50 =	vor.u32 v45, v46;
	v45 =	vand.u32 $0xFFFFFC00, v51;
	v46 =	vand.u32 $0xFFFFFC00, v54  }
0x106: {  	v25 =	vld.idx.msk [tilespmem:v25+s16+$0x0], $0xffff;
	v49 =	vshll.u32 v48, $0x3;
	v48 =	vand.u32 $0x7F, v48;
	v58 =	vadd.s32 $0x12, v16  }
0x107: {  	v26 =	vld.idx.msk [tilespmem:v26+s2+$0x0], $0xffff;
	v51 =	vadd.s32 $0x12, v15;
	v39 =	vor.u32 v12, v39;
	v41 =	vor.u32 v12, v61  }
0x108: {  	v22 =	vld.idx.msk [tilespmem:v22+s2+$0x0], $0xffff;
	v42 =	vadd.s32 v11, v42;
	v43 =	vadd.s32 v11, v43;
	v45 =	vadd.s32 v11, v45  }
0x109: {  	v27 =	vld.idx.msk [tilespmem:v27+s16+$0x0], $0xffff;
	v46 =	vadd.s32 v11, v46;
	v49 =	vand.u32 $0xFFFFFC00, v49;
	v59 =	vshll.u32 v58, $0x3  }
0x10a: {  	v28 =	vld.idx.msk [tilespmem:v28+s2+$0x0], $0xffff;
	v60 =	vand.u32 $0x7F, v51;
	v42 =	vor.u32 v63, v42;
	v43 =	vor.u32 v44, v43  }
0x10b: {  	v29 =	vld.idx.msk [tilespmem:v29+s16+$0x0], $0xffff;
	v44 =	vor.u32 v12, v50;
	v45 =	vor.u32 v52, v45;
	v49 =	vadd.s32 v11, v49  }
0x10c: {  	v32 =	vld.idx.msk [tilespmem:v32+s2+$0x0], $0xffff;
	v50 =	vadd.s32 $0x11, v15;
	v46 =	vor.u32 v47, v46;
	v52 =	vshll.u32 v51, $0x3  }
0x10d: {  	v35 =	vld.idx.msk [tilespmem:v35+s16+$0x0], $0xffff;
	v23 =	vmul.f32 v24, v23;
	v42 =	vor.u32 v12, v42;
	v43 =	vor.u32 v12, v43  }
0x10e: {  	v30 =	vld.idx.msk [tilespmem:v30+s2+$0x0], $0xffff;
	v45 =	vor.u32 v12, v45;
	v55 =	vor.u32 v48, v49;
	v56 =	vshll.u32 v50, $0x3  }
0x10f: {  	v31 =	vld.idx.msk [tilespmem:v31+s16+$0x0], $0xffff;
	v46 =	vor.u32 v12, v46;
	v57 =	vand.u32 $0x7F, v50;
	v49 =	vand.u32 $0xFFFFFC00, v59  }
0x110: {  	v33 =	vld.idx.msk [tilespmem:v33+s16+$0x0], $0xffff;
	v50 =	vand.u32 $0x7F, v58;
	v52 =	vand.u32 $0xFFFFFC00, v52;
	v21 =	vmul.f32 v22, v21  }
0x111: {  	v34 =	vld.idx.msk [tilespmem:v34+s2+$0x0], $0xffff;
	v47 =	vor.u32 v12, v55;
	v48 =	vand.u32 $0xFFFFFC00, v56;
	v49 =	vadd.s32 v11, v49  }
0x112: {  	v38 =	vld.idx.msk [tilespmem:v38+s2+$0x0], $0xffff;
	v61 =	vadd.s32 v11, v52;
	v53 =	vmul.f32 v28, v27;
	v17 =	vadd.f32 v23, v17  }
0x113: {  	v36 =	vld.idx.msk [tilespmem:v36+s2+$0x0], $0xffff;
	v48 =	vadd.s32 v11, v48;
	v49 =	vor.u32 v50, v49;
	v63 =	vor.u32 v60, v61  }
0x114: {  	v37 =	vld.idx.msk [tilespmem:v37+s16+$0x0], $0xffff;
	v50 =	vmul.f32 v26, v25;
	v19 =	vadd.f32 v21, v19;
	v48 =	vor.u32 v57, v48  }
0x115: {  	v62 =	vor.u32 v12, v49;
	v52 =	vor.u32 v12, v63;
	v20 =	vadd.f32 v53, v20  }
0x116: {  	v40 =	vld.idx.msk [tilespmem:v40+s2+$0x0], $0xffff;
	v53 =	vadd.s32 $0x17, v16;
	v48 =	vor.u32 v12, v48;
	v55 =	vmul.f32 v30, v29  }
0x117: {  	v39 =	vld.idx.msk [tilespmem:v39+s16+$0x0], $0xffff;
	v18 =	vadd.f32 v50, v18;
	v57 =	vmul.f32 v32, v31;
	v58 =	vmul.f32 v34, v33  }
0x118: {  	v51 =	vld.idx.msk [tilespmem:v45+s16+$0x0], $0xffff;
	v32 =	vadd.s32 $0x13, v16;
	v45 =	vadd.s32 $0x15, v15;
	v31 =	vand.u32 $0x7F, v53  }
0x119: {  	v41 =	vld.idx.msk [tilespmem:v41+s16+$0x0], $0xffff;
	v60 =	vmul.f32 v36, v35;
	v61 =	vmul.f32 v38, v37;
	v33 =	vshll.u32 v32, $0x3  }
0x11a: {  	v54 =	vld.idx.msk [tilespmem:v46+s2+$0x0], $0xffff;
	v34 =	vand.u32 $0x7F, v32;
	v35 =	vadd.s32 $0x13, v15;
	v37 =	vadd.s32 $0x14, v16  }
0x11b: {  	v56 =	vld.idx.msk [tilespmem:v47+s16+$0x0], $0xffff;
	v46 =	vshll.u32 v45, $0x3;
	v47 =	vadd.s32 $0x16, v16;
	v19 =	vadd.f32 v55, v19  }
0x11c: {  	v22 =	vld.idx.msk [tilespmem:v44+s2+$0x0], $0xffff;
	v17 =	vadd.f32 v57, v17;
	v18 =	vadd.f32 v58, v18;
	v36 =	vshll.u32 v35, $0x3  }
0x11d: {  	v42 =	vld.idx.msk [tilespmem:v42+s2+$0x0], $0xffff;
	v38 =	vshll.u32 v37, $0x3;
	v24 =	vand.u32 $0x7F, v35;
	v29 =	vand.u32 $0xFFFFFC00, v46  }
0x11e: {  	v43 =	vld.idx.msk [tilespmem:v43+s16+$0x0], $0xffff;
	v49 =	vshll.u32 v47, $0x3;
	v50 =	vand.u32 $0x7F, v47;
	v55 =	vadd.s32 $0x17, v15  }
0x11f: {  	v47 =	vadd.s32 $0x1A, v15;
	v63 =	vmul.f32 v40, v39;
	v20 =	vadd.f32 v60, v20  }
0x120: {  	v23 =	vand.u32 $0xFFFFFC00, v36;
	v39 =	vadd.s32 $0x14, v15;
	v29 =	vadd.s32 v11, v29  }
0x121: {  	v57 =	vshll.u32 v55, $0x3;
	v58 =	vand.u32 $0x7F, v55;
	v55 =	vadd.s32 $0x1C, v16  }
0x122: {  	v19 =	vadd.f32 v61, v19;
	v23 =	vadd.s32 v11, v23;
	v61 =	vadd.s32 $0x18, v15  }
0x123: {  	v28 =	vmul.f32 v42, v41;
	v21 =	vadd.f32 v63, v17;
	v22 =	vmul.f32 v22, v43  }
0x124: {  	v25 =	vmul.f32 v54, v51;
	v23 =	vor.u32 v24, v23;
	v41 =	vshll.u32 v39, $0x3  }
0x125: {  	v42 =	vand.u32 $0x7F, v39;
	v43 =	vadd.s32 $0x15, v16;
	v51 =	vadd.s32 $0x16, v15  }
0x126: {  	v54 =	vshll.u32 v53, $0x3;
	v63 =	vadd.s32 $0x19, v16;
	v53 =	vadd.s32 $0x1B, v15  }
0x127: {  	v23 =	vor.u32 v12, v23;
	v44 =	vshll.u32 v43, $0x3;
	v27 =	vand.u32 $0x7F, v43  }
0x128: {  	v26 =	vld.idx.msk [tilespmem:v52+s2+$0x0], $0xffff;
	v52 =	vshll.u32 v51, $0x3;
	v32 =	vand.u32 $0xFFFFFC00, v54;
	v43 =	vadd.s32 $0x19, v15  }
0x129: {  	v59 =	vld.idx.msk [tilespmem:v48+s2+$0x0], $0xffff;
	v54 =	vshll.u32 v53, $0x3;
	v17 =	vadd.f32 v28, v18;
	v20 =	vadd.f32 v22, v20  }
0x12a: {  	v18 =	vadd.f32 v25, v19;
	v22 =	vand.u32 $0xFFFFFC00, v33;
	v25 =	vand.u32 $0x7F, v37  }
0x12b: {  	v28 =	vand.u32 $0x7F, v45;
	v32 =	vadd.s32 v11, v32;
	v45 =	vadd.s32 $0x1A, v16  }
0x12c: {  	v36 =	vand.u32 $0x7F, v43;
	v22 =	vadd.s32 v11, v22;
	v48 =	vor.u32 v28, v29  }
0x12d: {  	v28 =	vand.u32 $0xFFFFFC00, v49;
	v29 =	vand.u32 $0xFFFFFC00, v52;
	v46 =	vshll.u32 v45, $0x3  }
0x12e: {  	v37 =	vand.u32 $0x7F, v45;
	v49 =	vshll.u32 v47, $0x3;
	v30 =	vmul.f32 v59, v56  }
0x12f: {  	v62 =	vld.idx.msk [tilespmem:v62+s16+$0x0], $0xffff;
	v22 =	vor.u32 v34, v22;
	v28 =	vadd.s32 v11, v28;
	v29 =	vadd.s32 v11, v29  }
0x130: {  	v56 =	vor.u32 v31, v32;
	v31 =	vand.u32 $0xFFFFFC00, v57;
	v59 =	vadd.s32 $0x18, v16  }
0x131: {  	v34 =	vand.u32 $0x7F, v61;
	v57 =	vshll.u32 v55, $0x3;
	v22 =	vor.u32 v12, v22  }
0x132: {  	v28 =	vor.u32 v50, v28;
	v31 =	vadd.s32 v11, v31;
	v60 =	vshll.u32 v59, $0x3  }
0x133: {  	v33 =	vand.u32 $0x7F, v59;
	v50 =	vand.u32 $0x7F, v47;
	v59 =	vadd.s32 $0x1C, v15  }
0x134: {  	v19 =	vadd.f32 v30, v21;
	v21 =	vmul.f32 v26, v62;
	v26 =	vand.u32 $0xFFFFFC00, v38  }
0x135: {  	v28 =	vor.u32 v12, v28;
	v30 =	vand.u32 $0x7F, v51;
	v31 =	vor.u32 v58, v31  }
0x136: {  	v32 =	vand.u32 $0xFFFFFC00, v60;
	v62 =	vshll.u32 v61, $0x3;
	v38 =	vand.u32 $0xFFFFFC00, v46  }
0x137: {  	v51 =	vadd.s32 $0x1B, v16;
	v58 =	vand.u32 $0x7F, v55;
	v60 =	vshll.u32 v59, $0x3  }
0x138: {  	v61 =	vadd.s32 $0x1D, v16;
	v55 =	vadd.s32 $0x1F, v16;
	v26 =	vadd.s32 v11, v26  }
0x139: {  	v29 =	vor.u32 v30, v29;
	v30 =	vor.u32 v12, v56;
	v31 =	vor.u32 v12, v31  }
0x13a: {  	v32 =	vadd.s32 v11, v32;
	v35 =	vand.u32 $0xFFFFFC00, v62;
	v38 =	vadd.s32 v11, v38  }
0x13b: {  	v52 =	vshll.u32 v51, $0x3;
	v39 =	vand.u32 $0x7F, v51;
	v62 =	vshll.u32 v61, $0x3  }
0x13c: {  	v51 =	vadd.s32 $0x1E, v16;
	v40 =	vor.u32 v25, v26;
	v25 =	vand.u32 $0xFFFFFC00, v41  }
0x13d: {  	v26 =	vand.u32 $0xFFFFFC00, v44;
	v29 =	vor.u32 v12, v29;
	v35 =	vadd.s32 v11, v35  }
0x13e: {  	v32 =	vor.u32 v33, v32;
	v41 =	vshll.u32 v63, $0x3;
	v44 =	vshll.u32 v43, $0x3  }
0x13f: {  	v43 =	vand.u32 $0x7F, v61;
	v45 =	vand.u32 $0x7F, v51;
	v61 =	vadd.s32 $0x20, v16  }
0x140: {  	v17 =	vadd.f32 v21, v17;
	v24 =	vor.u32 v12, v40;
	v25 =	vadd.s32 v11, v25  }
0x141: {  	v26 =	vadd.s32 v11, v26;
	v40 =	vor.u32 v34, v35;
	v32 =	vor.u32 v12, v32  }
0x142: {  	v34 =	vand.u32 $0xFFFFFC00, v41;
	v35 =	vand.u32 $0xFFFFFC00, v44;
	v41 =	vand.u32 $0xFFFFFC00, v54  }
0x143: {  	v44 =	vand.u32 $0xFFFFFC00, v62;
	v62 =	vshll.u32 v61, $0x3;
	v25 =	vor.u32 v42, v25  }
0x144: {  	v26 =	vor.u32 v27, v26;
	v27 =	vor.u32 v12, v48;
	v33 =	vor.u32 v12, v40  }
0x145: {  	v42 =	vand.u32 $0x7F, v63;
	v34 =	vadd.s32 v11, v34;
	v35 =	vadd.s32 v11, v35  }
0x146: {  	v48 =	vor.u32 v37, v38;
	v37 =	vand.u32 $0xFFFFFC00, v49;
	v38 =	vand.u32 $0xFFFFFC00, v52  }
0x147: {  	v40 =	vand.u32 $0x7F, v53;
	v41 =	vadd.s32 v11, v41;
	v44 =	vadd.s32 v11, v44  }
0x148: {  	v63 =	vadd.s32 $0x1D, v15;
	v52 =	vshll.u32 v51, $0x3;
	v53 =	vadd.s32 $0x1E, v15  }
0x149: {  	v25 =	vor.u32 v12, v25;
	v26 =	vor.u32 v12, v26;
	v34 =	vor.u32 v42, v34  }
0x14a: {  	v35 =	vor.u32 v36, v35;
	v36 =	vor.u32 v12, v48;
	v37 =	vadd.s32 v11, v37  }
0x14b: {  	v38 =	vadd.s32 v11, v38;
	v56 =	vor.u32 v40, v41;
	v40 =	vand.u32 $0xFFFFFC00, v57  }
0x14c: {  	v41 =	vand.u32 $0xFFFFFC00, v60;
	v42 =	vand.u32 $0x7F, v59;
	v48 =	vor.u32 v43, v44  }
0x14d: {  	v49 =	vshll.u32 v63, $0x3;
	v44 =	vand.u32 $0xFFFFFC00, v52;
	v54 =	vshll.u32 v53, $0x3  }
0x14e: {  	v46 =	vand.u32 $0x7F, v53;
	v57 =	vshll.u32 v55, $0x3;
	v59 =	vadd.s32 $0x1F, v15  }
0x14f: {  	v34 =	vor.u32 v12, v34;
	v35 =	vor.u32 v12, v35;
	v37 =	vor.u32 v50, v37  }
0x150: {  	v38 =	vor.u32 v39, v38;
	v39 =	vor.u32 v12, v56;
	v40 =	vadd.s32 v11, v40  }
0x151: {  	v41 =	vadd.s32 v11, v41;
	v43 =	vand.u32 $0xFFFFFC00, v49;
	v50 =	vand.u32 $0x7F, v63  }
0x152: {  	v23 =	vld.idx.msk [tilespmem:v23+s2+$0x0], $0xffff;
	v44 =	vadd.s32 v11, v44;
	v47 =	vand.u32 $0xFFFFFC00, v54;
	v60 =	vshll.u32 v59, $0x3  }
0x153: {  	v22 =	vld.idx.msk [tilespmem:v22+s16+$0x0], $0xffff;
	v49 =	vand.u32 $0x7F, v61;
	v63 =	vadd.s32 $0x20, v15;
	v37 =	vor.u32 v12, v37  }
0x154: {  	v28 =	vld.idx.msk [tilespmem:v28+s16+$0x0], $0xffff;
	v38 =	vor.u32 v12, v38;
	v40 =	vor.u32 v58, v40;
	v41 =	vor.u32 v42, v41  }
0x155: {  	v30 =	vld.idx.msk [tilespmem:v30+s16+$0x0], $0xffff;
	v42 =	vor.u32 v12, v48;
	v43 =	vadd.s32 v11, v43;
	v47 =	vadd.s32 v11, v47  }
0x156: {  	v31 =	vld.idx.msk [tilespmem:v31+s2+$0x0], $0xffff;
	v44 =	vor.u32 v45, v44;
	v58 =	vand.u32 $0x7F, v55;
	v48 =	vand.u32 $0x7F, v59  }
0x157: {  	v29 =	vld.idx.msk [tilespmem:v29+s2+$0x0], $0xffff;
	v54 =	vshll.u32 v63, $0x3;
	v55 =	vand.u32 $0x7F, v63;
	v40 =	vor.u32 v12, v40  }
0x158: {  	v24 =	vld.idx.msk [tilespmem:v24+s16+$0x0], $0xffff;
	v41 =	vor.u32 v12, v41;
	v43 =	vor.u32 v50, v43;
	v56 =	vor.u32 v46, v47  }
0x159: {  	v32 =	vld.idx.msk [tilespmem:v32+s16+$0x0], $0xffff;
	v44 =	vor.u32 v12, v44;
	v46 =	vand.u32 $0xFFFFFC00, v57;
	v47 =	vand.u32 $0xFFFFFC00, v60  }
0x15a: {  	v50 =	vand.u32 $0xFFFFFC00, v62;
	v27 =	vld.idx.msk [tilespmem:v27+s2+$0x0], $0xffff;
	v43 =	vor.u32 v12, v43;
	v45 =	vor.u32 v12, v56  }
0x15b: {  	v33 =	vld.idx.msk [tilespmem:v33+s2+$0x0], $0xffff;
	v46 =	vadd.s32 v11, v46;
	v47 =	vadd.s32 v11, v47;
	v50 =	vadd.s32 v11, v50  }
0x15c: {  	v56 =	vadd.s32 $0x21, v16;
	v22 =	vmul.f32 v23, v22;
	v25 =	vld.idx.msk [tilespmem:v25+s2+$0x0], $0xffff;
	v46 =	vor.u32 v58, v46  }
0x15d: {  	v26 =	vld.idx.msk [tilespmem:v26+s16+$0x0], $0xffff;
	v47 =	vor.u32 v48, v47;
	v53 =	vor.u32 v49, v50;
	v49 =	vand.u32 $0xFFFFFC00, v54  }
0x15e: {  	v36 =	vld.idx.msk [tilespmem:v36+s16+$0x0], $0xffff;
	v57 =	vshll.u32 v56, $0x3;
	v58 =	vadd.s32 $0x21, v15;
	v51 =	vand.u32 $0x7F, v56  }
0x15f: {  	v34 =	vld.idx.msk [tilespmem:v34+s16+$0x0], $0xffff;
	v46 =	vor.u32 v12, v46;
	v47 =	vor.u32 v12, v47;
	v48 =	vor.u32 v12, v53  }
0x160: {  	v35 =	vld.idx.msk [tilespmem:v35+s2+$0x0], $0xffff;
	v49 =	vadd.s32 v11, v49;
	v50 =	vand.u32 $0xFFFFFC00, v57;
	v53 =	vshll.u32 v58, $0x3  }
0x161: {  	v39 =	vld.idx.msk [tilespmem:v39+s2+$0x0], $0xffff;
	v59 =	vand.u32 $0x7F, v58;
	v20 =	vadd.f32 v22, v20;
	v52 =	vmul.f32 v31, v30  }
0x162: {  	v37 =	vld.idx.msk [tilespmem:v37+s2+$0x0], $0xffff;
	v49 =	vor.u32 v55, v49;
	v50 =	vadd.s32 v11, v50;
	v53 =	vand.u32 $0xFFFFFC00, v53  }
0x163: {  	v38 =	vld.idx.msk [tilespmem:v38+s16+$0x0], $0xffff;
	v49 =	vor.u32 v12, v49;
	v50 =	vor.u32 v51, v50;
	v60 =	vadd.s32 v11, v53  }
0x164: {  	v42 =	vld.idx.msk [tilespmem:v42+s16+$0x0], $0xffff;
	v20 =	vadd.f32 v52, v20;
	v52 =	vadd.s32 $0x26, v15;
	v61 =	vor.u32 v12, v50  }
0x165: {  	v40 =	vld.idx.msk [tilespmem:v40+s16+$0x0], $0xffff;
	v62 =	vor.u32 v59, v60;
	v50 =	vmul.f32 v29, v28;
	v54 =	vmul.f32 v33, v32  }
0x166: {  	v41 =	vld.idx.msk [tilespmem:v41+s2+$0x0], $0xffff;
	v29 =	vadd.s32 $0x22, v16;
	v32 =	vadd.s32 $0x22, v15;
	v24 =	vmul.f32 v25, v24  }
0x167: {  	v44 =	vld.idx.msk [tilespmem:v44+s16+$0x0], $0xffff;
	v63 =	vmul.f32 v27, v26;
	v30 =	vshll.u32 v29, $0x3;
	v31 =	vand.u32 $0x7F, v29  }
0x168: {  	v33 =	vshll.u32 v32, $0x3;
	v26 =	vld.idx.msk [tilespmem:v46+s16+$0x0], $0xffff;
	v46 =	vor.u32 v12, v62;
	v17 =	vadd.f32 v50, v17  }
0x169: {  	v53 =	vld.idx.msk [tilespmem:v48+s16+$0x0], $0xffff;
	v55 =	vmul.f32 v35, v34;
	v34 =	vadd.s32 $0x23, v16;
	v48 =	vadd.s32 $0x25, v15  }
0x16a: {  	v43 =	vld.idx.msk [tilespmem:v43+s2+$0x0], $0xffff;
	v50 =	vadd.s32 $0x26, v16;
	v18 =	vadd.f32 v24, v18;
	v19 =	vadd.f32 v63, v19  }
0x16b: {  	v23 =	vld.idx.msk [tilespmem:v45+s2+$0x0], $0xffff;
	v57 =	vmul.f32 v37, v36;
	v58 =	vmul.f32 v39, v38;
	v35 =	vshll.u32 v34, $0x3  }
0x16c: {  	v24 =	vand.u32 $0x7F, v32;
	v25 =	vand.u32 $0x7F, v34;
	v36 =	vadd.s32 $0x23, v15  }
0x16d: {  	v60 =	vmul.f32 v41, v40;
	v38 =	vshll.u32 v36, $0x3;
	v39 =	vand.u32 $0x7F, v36  }
0x16e: {  	v56 =	vld.idx.msk [tilespmem:v49+s2+$0x0], $0xffff;
	v40 =	vadd.s32 $0x24, v16;
	v18 =	vadd.f32 v54, v18;
	v19 =	vadd.f32 v55, v19  }
0x16f: {  	v49 =	vshll.u32 v48, $0x3;
	v59 =	vld.idx.msk [tilespmem:v61+s16+$0x0], $0xffff;
	v17 =	vadd.f32 v57, v17;
	v61 =	vadd.f32 v58, v20  }
0x170: {  	v51 =	vld.idx.msk [tilespmem:v47+s2+$0x0], $0xffff;
	v62 =	vmul.f32 v43, v42;
	v63 =	vmul.f32 v23, v44;
	v23 =	vand.u32 $0xFFFFFC00, v33  }
0x171: {  	v41 =	vshll.u32 v40, $0x3;
	v42 =	vadd.s32 $0x24, v15;
	v44 =	vadd.s32 $0x25, v16  }
0x172: {  	v54 =	vshll.u32 v52, $0x3;
	v55 =	vand.u32 $0x7F, v52;
	v58 =	vadd.s32 $0x27, v15  }
0x173: {  	v52 =	vadd.s32 $0x2B, v16;
	v23 =	vadd.s32 v11, v23;
	v43 =	vshll.u32 v42, $0x3  }
0x174: {  	v47 =	vand.u32 $0x7F, v44;
	v34 =	vand.u32 $0x7F, v58;
	v21 =	vadd.f32 v60, v18  }
0x175: {  	v22 =	vmul.f32 v51, v26;
	v20 =	vadd.f32 v62, v19;
	v19 =	vadd.f32 v63, v17  }
0x176: {  	v26 =	vand.u32 $0xFFFFFC00, v35;
	v23 =	vor.u32 v24, v23;
	v29 =	vand.u32 $0xFFFFFC00, v43  }
0x177: {  	v27 =	vld.idx.msk [tilespmem:v46+s2+$0x0], $0xffff;
	v46 =	vshll.u32 v44, $0x3;
	v51 =	vshll.u32 v50, $0x3;
	v60 =	vadd.s32 $0x28, v16  }
0x178: {  	v44 =	vadd.s32 $0x29, v15;
	v26 =	vadd.s32 v11, v26;
	v23 =	vor.u32 v12, v23  }
0x179: {  	v29 =	vadd.s32 v11, v29;
	v32 =	vand.u32 $0xFFFFFC00, v51;
	v62 =	vshll.u32 v60, $0x3  }
0x17a: {  	v63 =	vand.u32 $0x7F, v60;
	v60 =	vadd.s32 $0x2C, v15;
	v28 =	vmul.f32 v56, v53  }
0x17b: {  	v18 =	vadd.f32 v22, v61;
	v22 =	vand.u32 $0xFFFFFC00, v30;
	v37 =	vor.u32 v25, v26  }
0x17c: {  	v25 =	vand.u32 $0xFFFFFC00, v38;
	v26 =	vand.u32 $0xFFFFFC00, v41;
	v30 =	vand.u32 $0x7F, v48  }
0x17d: {  	v32 =	vadd.s32 v11, v32;
	v56 =	vadd.s32 $0x27, v16;
	v48 =	vadd.s32 $0x2A, v16  }
0x17e: {  	v22 =	vadd.s32 v11, v22;
	v24 =	vor.u32 v12, v37;
	v25 =	vadd.s32 v11, v25  }
0x17f: {  	v26 =	vadd.s32 v11, v26;
	v57 =	vshll.u32 v56, $0x3;
	v33 =	vand.u32 $0x7F, v56  }
0x180: {  	v56 =	vadd.s32 $0x2B, v15;
	v17 =	vadd.f32 v28, v21;
	v22 =	vor.u32 v31, v22  }
0x181: {  	v25 =	vor.u32 v39, v25;
	v28 =	vand.u32 $0x7F, v42;
	v31 =	vand.u32 $0x7F, v50  }
0x182: {  	v42 =	vadd.s32 $0x29, v16;
	v50 =	vadd.s32 $0x2A, v15;
	v39 =	vand.u32 $0x7F, v48  }
0x183: {  	v21 =	vmul.f32 v27, v59;
	v22 =	vor.u32 v12, v22;
	v25 =	vor.u32 v12, v25  }
0x184: {  	v27 =	vand.u32 $0x7F, v40;
	v45 =	vor.u32 v28, v29;
	v28 =	vand.u32 $0xFFFFFC00, v46  }
0x185: {  	v29 =	vand.u32 $0xFFFFFC00, v49;
	v53 =	vor.u32 v31, v32;
	v31 =	vand.u32 $0xFFFFFC00, v54  }
0x186: {  	v32 =	vand.u32 $0xFFFFFC00, v57;
	v59 =	vshll.u32 v58, $0x3;
	v40 =	vadd.s32 $0x28, v15  }
0x187: {  	v43 =	vshll.u32 v42, $0x3;
	v37 =	vand.u32 $0x7F, v42;
	v46 =	vshll.u32 v44, $0x3  }
0x188: {  	v49 =	vshll.u32 v48, $0x3;
	v51 =	vshll.u32 v50, $0x3;
	v54 =	vshll.u32 v52, $0x3  }
0x189: {  	v57 =	vshll.u32 v56, $0x3;
	v58 =	vadd.s32 $0x2C, v16;
	v42 =	vand.u32 $0x7F, v56  }
0x18a: {  	v48 =	vadd.s32 $0x2D, v16;
	v26 =	vor.u32 v27, v26;
	v27 =	vor.u32 v12, v45  }
0x18b: {  	v28 =	vadd.s32 v11, v28;
	v29 =	vadd.s32 v11, v29;
	v31 =	vadd.s32 v11, v31  }
0x18c: {  	v32 =	vadd.s32 v11, v32;
	v35 =	vand.u32 $0xFFFFFC00, v59;
	v41 =	vshll.u32 v40, $0x3  }
0x18d: {  	v36 =	vand.u32 $0x7F, v40;
	v38 =	vand.u32 $0xFFFFFC00, v43;
	v40 =	vand.u32 $0x7F, v50  }
0x18e: {  	v59 =	vshll.u32 v58, $0x3;
	v43 =	vand.u32 $0x7F, v58;
	v50 =	vadd.s32 $0x2D, v15  }
0x18f: {  	v26 =	vor.u32 v12, v26;
	v28 =	vor.u32 v47, v28;
	v29 =	vor.u32 v30, v29  }
0x190: {  	v30 =	vor.u32 v12, v53;
	v31 =	vor.u32 v55, v31;
	v35 =	vadd.s32 v11, v35  }
0x191: {  	v32 =	vor.u32 v33, v32;
	v38 =	vadd.s32 v11, v38;
	v47 =	vand.u32 $0x7F, v44  }
0x192: {  	v55 =	vand.u32 $0x7F, v52;
	v44 =	vand.u32 $0xFFFFFC00, v59;
	v52 =	vand.u32 $0x7F, v50  }
0x193: {  	v20 =	vadd.f32 v21, v20;
	v28 =	vor.u32 v12, v28;
	v29 =	vor.u32 v12, v29  }
0x194: {  	v31 =	vor.u32 v12, v31;
	v61 =	vor.u32 v34, v35;
	v32 =	vor.u32 v12, v32  }
0x195: {  	v34 =	vand.u32 $0xFFFFFC00, v62;
	v35 =	vand.u32 $0xFFFFFC00, v41;
	v45 =	vor.u32 v37, v38  }
0x196: {  	v37 =	vand.u32 $0xFFFFFC00, v46;
	v38 =	vand.u32 $0xFFFFFC00, v49;
	v41 =	vand.u32 $0xFFFFFC00, v51  }
0x197: {  	v44 =	vadd.s32 v11, v44;
	v62 =	vshll.u32 v60, $0x3;
	v49 =	vshll.u32 v48, $0x3  }
0x198: {  	v51 =	vshll.u32 v50, $0x3;
	v33 =	vor.u32 v12, v61;
	v34 =	vadd.s32 v11, v34  }
0x199: {  	v35 =	vadd.s32 v11, v35;
	v37 =	vadd.s32 v11, v37;
	v38 =	vadd.s32 v11, v38  }
0x19a: {  	v41 =	vadd.s32 v11, v41;
	v61 =	vor.u32 v43, v44;
	v43 =	vand.u32 $0xFFFFFC00, v62  }
0x19b: {  	v44 =	vand.u32 $0xFFFFFC00, v49;
	v34 =	vor.u32 v63, v34;
	v35 =	vor.u32 v36, v35  }
0x19c: {  	v23 =	vld.idx.msk [tilespmem:v23+s2+$0x0], $0xffff;
	v36 =	vor.u32 v12, v45;
	v37 =	vor.u32 v47, v37;
	v38 =	vor.u32 v39, v38  }
0x19d: {  	v24 =	vld.idx.msk [tilespmem:v24+s16+$0x0], $0xffff;
	v53 =	vor.u32 v40, v41;
	v40 =	vand.u32 $0xFFFFFC00, v54;
	v41 =	vand.u32 $0xFFFFFC00, v57  }
0x19e: {  	v22 =	vld.idx.msk [tilespmem:v22+s16+$0x0], $0xffff;
	v63 =	vand.u32 $0x7F, v60;
	v43 =	vadd.s32 v11, v43;
	v45 =	vand.u32 $0x7F, v48  }
0x19f: {  	v25 =	vld.idx.msk [tilespmem:v25+s2+$0x0], $0xffff;
	v44 =	vadd.s32 v11, v44;
	v47 =	vand.u32 $0xFFFFFC00, v51;
	v34 =	vor.u32 v12, v34  }
0x1a0: {  	v35 =	vor.u32 v12, v35;
	v37 =	vor.u32 v12, v37;
	v27 =	vld.idx.msk [tilespmem:v27+s2+$0x0], $0xffff;
	v38 =	vor.u32 v12, v38  }
0x1a1: {  	v39 =	vor.u32 v12, v53;
	v40 =	vadd.s32 v11, v40;
	v41 =	vadd.s32 v11, v41;
	v26 =	vld.idx.msk [tilespmem:v26+s16+$0x0], $0xffff  }
0x1a2: {  	v43 =	vor.u32 v63, v43;
	v44 =	vor.u32 v45, v44;
	v53 =	vadd.s32 v11, v47;
	v30 =	vld.idx.msk [tilespmem:v30+s16+$0x0], $0xffff  }
0x1a3: {  	v47 =	vadd.s32 $0x2E, v15;
	v40 =	vor.u32 v55, v40;
	v41 =	vor.u32 v42, v41;
	v28 =	vld.idx.msk [tilespmem:v28+s16+$0x0], $0xffff  }
0x1a4: {  	v42 =	vor.u32 v12, v61;
	v43 =	vor.u32 v12, v43;
	v55 =	vor.u32 v12, v44;
	v29 =	vld.idx.msk [tilespmem:v29+s2+$0x0], $0xffff  }
0x1a5: {  	v56 =	vor.u32 v52, v53;
	v44 =	vadd.s32 $0x2E, v16;
	v50 =	vshll.u32 v47, $0x3;
	v31 =	vld.idx.msk [tilespmem:v31+s2+$0x0], $0xffff  }
0x1a6: {  	v52 =	vadd.s32 $0x2F, v16;
	v40 =	vor.u32 v12, v40;
	v32 =	vld.idx.msk [tilespmem:v32+s16+$0x0], $0xffff;
	v41 =	vor.u32 v12, v41  }
0x1a7: {  	v59 =	vor.u32 v12, v56;
	v45 =	vshll.u32 v44, $0x3;
	v48 =	vand.u32 $0x7F, v44;
	v33 =	vld.idx.msk [tilespmem:v33+s2+$0x0], $0xffff  }
0x1a8: {  	v51 =	vand.u32 $0xFFFFFC00, v50;
	v53 =	vshll.u32 v52, $0x3;
	v44 =	vadd.s32 $0x33, v16;
	v36 =	vld.idx.msk [tilespmem:v36+s16+$0x0], $0xffff  }
0x1a9: {  	v46 =	vand.u32 $0xFFFFFC00, v45;
	v45 =	vshll.u32 v44, $0x3;
	v22 =	vmul.f32 v23, v22;
	v34 =	vld.idx.msk [tilespmem:v34+s16+$0x0], $0xffff  }
0x1aa: {  	v57 =	vmul.f32 v25, v24;
	v49 =	vadd.s32 v11, v46;
	v24 =	vadd.s32 v11, v51;
	v35 =	vld.idx.msk [tilespmem:v35+s2+$0x0], $0xffff  }
0x1ab: {  	v46 =	vand.u32 $0xFFFFFC00, v45;
	v45 =	vadd.s32 $0x37, v16;
	v37 =	vld.idx.msk [tilespmem:v37+s2+$0x0], $0xffff;
	v19 =	vadd.f32 v22, v19  }
0x1ac: {  	v38 =	vld.idx.msk [tilespmem:v38+s16+$0x0], $0xffff;
	v60 =	vmul.f32 v27, v26;
	v18 =	vadd.f32 v57, v18;
	v22 =	vand.u32 $0x7F, v47  }
0x1ad: {  	v39 =	vld.idx.msk [tilespmem:v39+s2+$0x0], $0xffff;
	v57 =	vadd.s32 $0x30, v16;
	v47 =	vadd.s32 $0x33, v15;
	v61 =	vmul.f32 v29, v28  }
0x1ae: {  	v58 =	vld.idx.msk [tilespmem:v42+s16+$0x0], $0xffff;
	v63 =	vmul.f32 v31, v30;
	v22 =	vor.u32 v22, v24;
	v24 =	vand.u32 $0xFFFFFC00, v53  }
0x1af: {  	v62 =	vld.idx.msk [tilespmem:v43+s2+$0x0], $0xffff;
	v27 =	vand.u32 $0x7F, v57;
	v33 =	vmul.f32 v33, v32;
	v17 =	vadd.f32 v60, v17  }
0x1b0: {  	v40 =	vld.idx.msk [tilespmem:v40+s16+$0x0], $0xffff;
	v22 =	vor.u32 v12, v22;
	v24 =	vadd.s32 v11, v24;
	v60 =	vadd.s32 $0x30, v15  }
0x1b1: {  	v54 =	vld.idx.msk [tilespmem:v41+s2+$0x0], $0xffff;
	v20 =	vadd.f32 v61, v20;
	v19 =	vadd.f32 v63, v19;
	v63 =	vadd.s32 $0x31, v16  }
0x1b2: {  	v41 =	vld.idx.msk [tilespmem:v55+s16+$0x0], $0xffff;
	v29 =	vand.u32 $0x7F, v60;
	v35 =	vmul.f32 v35, v34;
	v18 =	vadd.f32 v33, v18  }
0x1b3: {  	v25 =	vld.idx.msk [tilespmem:v59+s2+$0x0], $0xffff;
	v37 =	vmul.f32 v37, v36;
	v42 =	vmul.f32 v39, v38;
	v33 =	vshll.u32 v63, $0x3  }
0x1b4: {  	v38 =	vadd.s32 $0x32, v16;
	v43 =	vmul.f32 v62, v58;
	v58 =	vshll.u32 v57, $0x3  }
0x1b5: {  	v62 =	vshll.u32 v60, $0x3;
	v34 =	vand.u32 $0xFFFFFC00, v33;
	v32 =	vand.u32 $0x7F, v38  }
0x1b6: {  	v33 =	vand.u32 $0x7F, v44;
	v57 =	vadd.s32 $0x35, v15;
	v60 =	vadd.s32 $0x36, v16  }
0x1b7: {  	v17 =	vadd.f32 v35, v17;
	v23 =	vmul.f32 v54, v40;
	v20 =	vadd.f32 v37, v20  }
0x1b8: {  	v19 =	vadd.f32 v42, v19;
	v21 =	vmul.f32 v25, v41;
	v54 =	vadd.s32 $0x2F, v15  }
0x1b9: {  	v25 =	vand.u32 $0x7F, v52;
	v59 =	vand.u32 $0xFFFFFC00, v58;
	v35 =	vadd.s32 $0x31, v15  }
0x1ba: {  	v40 =	vshll.u32 v38, $0x3;
	v41 =	vadd.s32 $0x32, v15;
	v52 =	vadd.s32 $0x34, v15  }
0x1bb: {  	v58 =	vshll.u32 v57, $0x3;
	v38 =	vand.u32 $0x7F, v57;
	v55 =	vshll.u32 v54, $0x3  }
0x1bc: {  	v24 =	vor.u32 v25, v24;
	v26 =	vand.u32 $0x7F, v54;
	v28 =	vadd.s32 v11, v59  }
0x1bd: {  	v36 =	vshll.u32 v35, $0x3;
	v30 =	vand.u32 $0x7F, v35;
	v42 =	vshll.u32 v41, $0x3  }
0x1be: {  	v53 =	vshll.u32 v52, $0x3;
	v59 =	vand.u32 $0xFFFFFC00, v58;
	v18 =	vadd.f32 v23, v18  }
0x1bf: {  	v17 =	vadd.f32 v43, v17;
	v23 =	vor.u32 v48, v49;
	v56 =	vand.u32 $0xFFFFFC00, v55  }
0x1c0: {  	v24 =	vor.u32 v12, v24;
	v61 =	vor.u32 v27, v28;
	v27 =	vand.u32 $0xFFFFFC00, v62  }
0x1c1: {  	v28 =	vand.u32 $0x7F, v63;
	v37 =	vand.u32 $0xFFFFFC00, v36;
	v43 =	vand.u32 $0xFFFFFC00, v42  }
0x1c2: {  	v48 =	vshll.u32 v47, $0x3;
	v49 =	vadd.s32 $0x34, v16;
	v54 =	vand.u32 $0xFFFFFC00, v53  }
0x1c3: {  	v36 =	vand.u32 $0x7F, v52;
	v55 =	vadd.s32 $0x35, v16;
	v63 =	vadd.s32 $0x36, v15  }
0x1c4: {  	v53 =	vadd.s32 $0x38, v15;
	v23 =	vor.u32 v12, v23;
	v25 =	vadd.s32 v11, v56  }
0x1c5: {  	v27 =	vadd.s32 v11, v27;
	v31 =	vadd.s32 v11, v37;
	v50 =	vshll.u32 v49, $0x3  }
0x1c6: {  	v35 =	vand.u32 $0x7F, v49;
	v56 =	vshll.u32 v55, $0x3;
	v37 =	vand.u32 $0x7F, v55  }
0x1c7: {  	v44 =	vshll.u32 v63, $0x3;
	v25 =	vor.u32 v26, v25;
	v27 =	vor.u32 v29, v27  }
0x1c8: {  	v29 =	vadd.s32 v11, v34;
	v39 =	vor.u32 v30, v31;
	v30 =	vand.u32 $0xFFFFFC00, v40  }
0x1c9: {  	v31 =	vand.u32 $0x7F, v41;
	v34 =	vand.u32 $0x7F, v47;
	v51 =	vand.u32 $0xFFFFFC00, v50  }
0x1ca: {  	v40 =	vand.u32 $0x7F, v63;
	v41 =	vand.u32 $0x7F, v45;
	v26 =	vor.u32 v12, v25  }
0x1cb: {  	v25 =	vor.u32 v12, v61;
	v27 =	vor.u32 v12, v27;
	v28 =	vor.u32 v28, v29  }
0x1cc: {  	v30 =	vadd.s32 v11, v30;
	v61 =	vshll.u32 v60, $0x3;
	v29 =	vor.u32 v12, v28  }
0x1cd: {  	v28 =	vor.u32 v12, v39;
	v30 =	vor.u32 v32, v30;
	v32 =	vadd.s32 v11, v43  }
0x1ce: {  	v62 =	vand.u32 $0xFFFFFC00, v61;
	v39 =	vand.u32 $0x7F, v60;
	v61 =	vadd.s32 $0x3A, v16  }
0x1cf: {  	v30 =	vor.u32 v12, v30;
	v31 =	vor.u32 v31, v32;
	v32 =	vadd.s32 v11, v46  }
0x1d0: {  	v46 =	vshll.u32 v45, $0x3;
	v31 =	vor.u32 v12, v31;
	v32 =	vor.u32 v33, v32  }
0x1d1: {  	v33 =	vand.u32 $0xFFFFFC00, v48;
	v47 =	vand.u32 $0xFFFFFC00, v46;
	v48 =	vadd.s32 $0x37, v15  }
0x1d2: {  	v32 =	vor.u32 v12, v32;
	v33 =	vadd.s32 v11, v33;
	v49 =	vshll.u32 v48, $0x3  }
0x1d3: {  	v22 =	vld.idx.msk [tilespmem:v22+s2+$0x0], $0xffff;
	v42 =	vand.u32 $0x7F, v48;
	v33 =	vor.u32 v34, v33;
	v34 =	vadd.s32 v11, v51  }
0x1d4: {  	v23 =	vld.idx.msk [tilespmem:v23+s16+$0x0], $0xffff;
	v50 =	vand.u32 $0xFFFFFC00, v49;
	v51 =	vadd.s32 $0x38, v16;
	v33 =	vor.u32 v12, v33  }
0x1d5: {  	v34 =	vor.u32 v35, v34;
	v35 =	vadd.s32 v11, v54;
	v52 =	vshll.u32 v51, $0x3  }
0x1d6: {  	v43 =	vand.u32 $0x7F, v51;
	v54 =	vshll.u32 v53, $0x3;
	v34 =	vor.u32 v12, v34  }
0x1d7: {  	v35 =	vor.u32 v36, v35;
	v36 =	vand.u32 $0xFFFFFC00, v56;
	v55 =	vand.u32 $0xFFFFFC00, v54  }
0x1d8: {  	v56 =	vadd.s32 $0x39, v16;
	v35 =	vor.u32 v12, v35;
	v36 =	vadd.s32 v11, v36  }
0x1d9: {  	v57 =	vshll.u32 v56, $0x3;
	v45 =	vand.u32 $0x7F, v56;
	v22 =	vmul.f32 v22, v23  }
0x1da: {  	v36 =	vor.u32 v37, v36;
	v37 =	vadd.s32 v11, v59;
	v58 =	vand.u32 $0xFFFFFC00, v57  }
0x1db: {  	v59 =	vadd.s32 $0x39, v15;
	v57 =	vadd.s32 $0x3B, v15;
	v36 =	vor.u32 v12, v36  }
0x1dc: {  	v37 =	vor.u32 v38, v37;
	v38 =	vadd.s32 v11, v62;
	v60 =	vshll.u32 v59, $0x3  }
0x1dd: {  	v46 =	vand.u32 $0x7F, v59;
	v62 =	vshll.u32 v61, $0x3;
	v37 =	vor.u32 v12, v37  }
0x1de: {  	v38 =	vor.u32 v39, v38;
	v39 =	vand.u32 $0xFFFFFC00, v44;
	v44 =	vand.u32 $0x7F, v53  }
0x1df: {  	v63 =	vand.u32 $0xFFFFFC00, v62;
	v38 =	vor.u32 v12, v38;
	v39 =	vadd.s32 v11, v39  }
0x1e0: {  	v39 =	vor.u32 v40, v39;
	v40 =	vadd.s32 v11, v47;
	v47 =	vand.u32 $0x7F, v61  }
0x1e1: {  	v39 =	vor.u32 v12, v39;
	v40 =	vor.u32 v41, v40;
	v41 =	vadd.s32 v11, v50  }
0x1e2: {  	v50 =	vand.u32 $0x7F, v57;
	v40 =	vor.u32 v12, v40;
	v41 =	vor.u32 v42, v41  }
0x1e3: {  	v42 =	vand.u32 $0xFFFFFC00, v52;
	v52 =	vadd.s32 $0x3A, v15;
	v41 =	vor.u32 v12, v41  }
0x1e4: {  	v42 =	vadd.s32 v11, v42;
	v53 =	vshll.u32 v52, $0x3;
	v48 =	vand.u32 $0x7F, v52  }
0x1e5: {  	v42 =	vor.u32 v43, v42;
	v43 =	vadd.s32 v11, v55;
	v54 =	vand.u32 $0xFFFFFC00, v53  }
0x1e6: {  	v24 =	vld.idx.msk [tilespmem:v24+s16+$0x0], $0xffff;
	v55 =	vadd.s32 $0x3B, v16;
	v42 =	vor.u32 v12, v42;
	v43 =	vor.u32 v44, v43  }
0x1e7: {  	v26 =	vld.idx.msk [tilespmem:v26+s2+$0x0], $0xffff;
	v44 =	vadd.s32 v11, v58;
	v56 =	vshll.u32 v55, $0x3;
	v49 =	vand.u32 $0x7F, v55  }
0x1e8: {  	v25 =	vld.idx.msk [tilespmem:v25+s16+$0x0], $0xffff;
	v58 =	vshll.u32 v57, $0x3;
	v57 =	vadd.s32 $0x3D, v16;
	v43 =	vor.u32 v12, v43  }
0x1e9: {  	v27 =	vld.idx.msk [tilespmem:v27+s2+$0x0], $0xffff;
	v44 =	vor.u32 v45, v44;
	v45 =	vand.u32 $0xFFFFFC00, v60;
	v59 =	vand.u32 $0xFFFFFC00, v58  }
0x1ea: {  	v29 =	vld.idx.msk [tilespmem:v29+s16+$0x0], $0xffff;
	v60 =	vadd.s32 $0x3C, v16;
	v53 =	vand.u32 $0x7F, v57;
	v44 =	vor.u32 v12, v44  }
0x1eb: {  	v28 =	vld.idx.msk [tilespmem:v28+s2+$0x0], $0xffff;
	v45 =	vadd.s32 v11, v45;
	v61 =	vshll.u32 v60, $0x3;
	v51 =	vand.u32 $0x7F, v60  }
0x1ec: {  	v30 =	vld.idx.msk [tilespmem:v30+s16+$0x0], $0xffff;
	v45 =	vor.u32 v46, v45;
	v46 =	vadd.s32 v11, v63;
	v62 =	vand.u32 $0xFFFFFC00, v61  }
0x1ed: {  	v31 =	vld.idx.msk [tilespmem:v31+s2+$0x0], $0xffff;
	v63 =	vadd.s32 $0x3C, v15;
	v61 =	vadd.s32 $0x3E, v16;
	v16 =	vadd.s32 $0x3F, v16  }
0x1ee: {  	v32 =	vld.idx.msk [tilespmem:v32+s16+$0x0], $0xffff;
	v45 =	vor.u32 v12, v45;
	v46 =	vor.u32 v47, v46;
	v47 =	vadd.s32 v11, v54  }
0x1ef: {  	v33 =	vld.idx.msk [tilespmem:v33+s2+$0x0], $0xffff;
	v52 =	vand.u32 $0x7F, v63;
	v54 =	vshll.u32 v57, $0x3;
	v46 =	vor.u32 v12, v46  }
0x1f0: {  	v34 =	vld.idx.msk [tilespmem:v34+s16+$0x0], $0xffff;
	v47 =	vor.u32 v48, v47;
	v48 =	vand.u32 $0xFFFFFC00, v56;
	v56 =	vshll.u32 v63, $0x3  }
0x1f1: {  	v35 =	vld.idx.msk [tilespmem:v35+s2+$0x0], $0xffff;
	v58 =	vand.u32 $0xFFFFFC00, v54;
	v47 =	vor.u32 v12, v47;
	v48 =	vadd.s32 v11, v48  }
0x1f2: {  	v36 =	vld.idx.msk [tilespmem:v36+s16+$0x0], $0xffff;
	v48 =	vor.u32 v49, v48;
	v49 =	vadd.s32 v11, v59;
	v59 =	vadd.s32 $0x3D, v15  }
0x1f3: {  	v37 =	vld.idx.msk [tilespmem:v37+s2+$0x0], $0xffff;
	v48 =	vor.u32 v12, v48;
	v49 =	vor.u32 v50, v49;
	v50 =	vadd.s32 v11, v62  }
0x1f4: {  	v38 =	vld.idx.msk [tilespmem:v38+s16+$0x0], $0xffff;
	v55 =	vshll.u32 v59, $0x3;
	v54 =	vand.u32 $0x7F, v59;
	v62 =	vshll.u32 v61, $0x3  }
0x1f5: {  	v39 =	vld.idx.msk [tilespmem:v39+s2+$0x0], $0xffff;
	v49 =	vor.u32 v12, v49;
	v50 =	vor.u32 v51, v50;
	v51 =	vand.u32 $0xFFFFFC00, v56  }
0x1f6: {  	v40 =	vld.idx.msk [tilespmem:v40+s16+$0x0], $0xffff;
	v60 =	vand.u32 $0xFFFFFC00, v55;
	v56 =	vadd.s32 $0x3E, v15;
	v55 =	vand.u32 $0x7F, v61  }
0x1f7: {  	v41 =	vld.idx.msk [tilespmem:v41+s2+$0x0], $0xffff;
	v15 =	vadd.s32 $0x3F, v15;
	v50 =	vor.u32 v12, v50;
	v51 =	vadd.s32 v11, v51  }
0x1f8: {  	v42 =	vld.idx.msk [tilespmem:v42+s16+$0x0], $0xffff;
	v57 =	vshll.u32 v56, $0x3;
	v56 =	vand.u32 $0x7F, v56;
	v51 =	vor.u32 v52, v51  }
0x1f9: {  	v43 =	vld.idx.msk [tilespmem:v43+s2+$0x0], $0xffff;
	v52 =	vadd.s32 v11, v58;
	v63 =	vand.u32 $0xFFFFFC00, v57;
	v51 =	vor.u32 v12, v51  }
0x1fa: {  	v44 =	vld.idx.msk [tilespmem:v44+s16+$0x0], $0xffff;
	v52 =	vor.u32 v53, v52;
	v53 =	vadd.s32 v11, v60;
	v60 =	vshll.u32 v16, $0x3  }
0x1fb: {  	v45 =	vld.idx.msk [tilespmem:v45+s2+$0x0], $0xffff;
	v16 =	vand.u32 $0x7F, v16;
	v52 =	vor.u32 v12, v52;
	v53 =	vor.u32 v54, v53  }
0x1fc: {  	v46 =	vld.idx.msk [tilespmem:v46+s16+$0x0], $0xffff;
	v54 =	vand.u32 $0xFFFFFC00, v62;
	v61 =	vand.u32 $0xFFFFFC00, v60;
	v62 =	vshll.u32 v15, $0x3  }
0x1fd: {  	v47 =	vld.idx.msk [tilespmem:v47+s2+$0x0], $0xffff;
	v15 =	vand.u32 $0x7F, v15;
	v53 =	vor.u32 v12, v53;
	v54 =	vadd.s32 v11, v54  }
0x1fe: {  	v48 =	vld.idx.msk [tilespmem:v48+s16+$0x0], $0xffff;
	v54 =	vor.u32 v55, v54;
	v55 =	vadd.s32 v11, v63;
	v63 =	vand.u32 $0xFFFFFC00, v62  }
0x1ff: {  	v49 =	vld.idx.msk [tilespmem:v49+s2+$0x0], $0xffff;
	v55 =	vor.u32 v56, v55;
	v56 =	vadd.s32 v11, v61;
	v54 =	vor.u32 v12, v54  }
0x200: {  	v50 =	vld.idx.msk [tilespmem:v50+s16+$0x0], $0xffff;
	v16 =	vor.u32 v16, v56;
	v55 =	vor.u32 v12, v55;
	v56 =	vadd.s32 v11, v63  }
0x201: {  	v58 =	vmul.f32 v26, v24;
	v23 =	vld.idx.msk [tilespmem:v51+s2+$0x0], $0xffff;
	v15 =	vor.u32 v15, v56;
	v16 =	vor.u32 v12, v16  }
0x202: {  	v20 =	vadd.f32 v21, v20;
	v59 =	vld.idx.msk [tilespmem:v52+s16+$0x0], $0xffff;
	v15 =	vor.u32 v12, v15  }
0x203: {  	v32 =	vmul.f32 v33, v32;
	v60 =	vmul.f32 v27, v25;
	v18 =	vadd.f32 v58, v18;
	v62 =	vld.idx.msk [tilespmem:v53+s2+$0x0], $0xffff  }
0x204: {  	v19 =	vadd.f32 v22, v19;
	v34 =	vmul.f32 v35, v34;
	v61 =	vmul.f32 v28, v29;
	v33 =	vld.idx.msk [tilespmem:v54+s16+$0x0], $0xffff  }
0x205: {  	v17 =	vadd.f32 v60, v17;
	v18 =	vadd.f32 v32, v18;
	v63 =	vmul.f32 v31, v30;
	v35 =	vld.idx.msk [tilespmem:v55+s2+$0x0], $0xffff  }
0x206: {  	v51 =	vmul.f32 v37, v36;
	v20 =	vadd.f32 v61, v20;
	v52 =	vmul.f32 v39, v38;
	v16 =	vld.idx.msk [tilespmem:v16+s16+$0x0], $0xffff  }
0x207: {  	v56 =	vmul.f32 v47, v46;
	v19 =	vadd.f32 v63, v19;
	v53 =	vmul.f32 v41, v40;
	v15 =	vld.idx.msk [tilespmem:v15+s2+$0x0], $0xffff  }
0x208: {  	v17 =	vadd.f32 v34, v17;
	v57 =	vmul.f32 v49, v48;
	v54 =	vmul.f32 v43, v42  }
0x209: {  	v20 =	vadd.f32 v51, v20;
	v19 =	vadd.f32 v52, v19;
	v55 =	vmul.f32 v45, v44  }
0x20a: {  	v18 =	vadd.f32 v53, v18;
	v58 =	vmul.f32 v23, v50;
	v17 =	vadd.f32 v54, v17  }
0x20b: {  	v19 =	vadd.f32 v56, v19;
	v20 =	vadd.f32 v55, v20;
	v59 =	vmul.f32 v62, v59  }
0x20c: {  	v18 =	vadd.f32 v57, v18;
	v60 =	vmul.f32 v35, v33;
	v15 =	vmul.f32 v15, v16  }
0x20d: {  	v61 =	vadd.f32 v58, v17;
	v62 =	vadd.f32 v59, v20  }
0x20e: {  	v19 =	vadd.f32 v60, v19;
	v15 =	vadd.f32 v15, v18  }
0x20f: {  	v63 =	vld.idx.msk [tilespmem:v14+s24+$0x0 ss:$0x1], $0xffff  }
0x210: {  	v16 =	vadd.f32 v62, v61;
	v15 =	vadd.f32 v15, v19  }
0x211: {  	p1 =	sne.s32 s23, $0x180  }
.Ltmp1:
0x212: {  	v15 =	vadd.f32 v15, v16;
	(pc) =	sbr.rel @p1 .LBB2_7-.Ltmp1, $3  }
0x213: {  	_ = 	snop  }
0x214: {  	v15 =	vmul.f32 v15, v63;
	_ =	sdelay $0x1  }
0x215: {  	s23 =	sadd.s32 $0x40, s23;
	v13 =	vadd.f32 v15, v13  }
0x216: {  	_ = 	snop  }
0x217: {  	v11 =	vperm.xlane v13, v0;
	_ =	sdelay $0x1  }
0x218: {  	v11 =	vadd.f32 v11, v13;
	_ =	sdelay $0x1  }
0x219: {  	v12 =	vperm.xlane v11, v1;
	_ =	sdelay $0x1  }
0x21a: {  	v11 =	vadd.f32 v12, v11;
	_ =	sdelay $0x1  }
0x21b: {  	v12 =	vperm.xlane v11, v2;
	_ =	sdelay $0x1  }
0x21c: {  	v63 =	vmov s22;
	s22 =	sadd.s32 $0x1, s22;
	v11 =	vadd.f32 v12, v11  }
0x21d: {  	p1 =	sne.s32 s22, $0x10  }
.Ltmp2:
0x21e: {  	v12 =	vperm.xlane v11, v3;
	(pc) =	sbr.rel @p1 .LBB2_6-.Ltmp2, $4  }
0x21f: {  	_ = 	snop  }
0x220: {  	v11 =	vadd.f32 v12, v11  }
0x221: {  	vm0 =	veq.s32 v63, v4  }
0x222: {  	s21 =	sadd.s32 $0x80, s21;
	v10 =	vsel vm0, v11, v10  }
.Ltmp3:
0x223: {  	_ = 	snop;
	(pc) =	sbr.rel @p0 .LBB2_5-.Ltmp3, $3  }
0x224: {  	_ =	sdelay $0x1  }
0x225: {  	s20 =	sand.u32 $0x3FFFFFF0, s20  }
0x226: {  	p1 =	por $0x0, $0x0;
	[tilespmem:v9+s20+$0x0 ss:$0x1] =	vst.idx.msk $0xffff, v10;
	s20 =	simm.s32 $0x1  }
0x227: {  	s19 =	sadd.s32 $0x1, s19  }
0x228: {  	p0 =	sne.s32 s19, $0x10  }
.Ltmp4:
0x229: {  	_ = 	snop;
	(pc) =	sbr.rel @p0 .LBB2_2-.Ltmp4, $1  }
0x22a: {  	_ =	sdelay $0x3  }
0x22b: {  	s18 =	sadd.s32 $0x1, s18  }
0x22c: {  	p0 =	sne.s32 s18, s10  }
.Ltmp5:
0x22d: {  	_ = 	snop;
	(pc) =	sbr.rel @p0 .LBB2_1-.Ltmp5, $4  }
0x22e: {  	[hbm4b:s9+s2] =	stream.linear.scatter [tilespmem:s17], [sflag:$0x1], $0x200, $0x38;
	[tilespmem:$0x1B380] =	vst v63  }
0x22f: {  	_ =	swait.ge [sflag:s12], $0x200  }
0x230: {  	[sflag:s12] =	ssyncset.done $0x0  }
0x231: {  	[sflag:s12] =	ssyncadd.s32 $0xFFFFFE00  }
0x232: {  	_ =	sfence.sel $0x180000  }
0x233: {  	[bflag:$0x0] =	sbarrier.arrive $0xFFFF  }
0x234: {  	p0 =	sne.s32 s3, $0x0;
	_ =	strace $0x90000047  }
0x235: {  	s0 =	sadd.s32 @!p0 $0x100000, s0;
	[bflag:$0x2] =	sbarrier.arrive $0xFFFF  }
0x236: {  	[sflag:s0] =	ssyncadd.tile.s32 @!p0 $0x1;
	_ =	shalt  }
.Lfunc_end2:
_tile_overlayer_lowered:
.L_overlay_start_2:
0x237: {  	(tag) =	ssettag $0x2  }
0x238: {  	s0 =	rddreg [dreg:$0x0];
	s2 =	stileid.u32  }
0x239: {  	s1 =	rddreg [dreg:$0x1];
	p0 =	sne.s32 s2, $0x0  }
0x23a: {  	s3 =	rddreg [dreg:$0x2];
	[bflag:$0x3] =	sbarrier.arrive $0xFFFF;
	s2 =	simm.s32 @!p0 $0x1C01  }
0x23b: {  	[timem:s3], [sflag:s2] =	dma.local @!p0 [hbm:s0], s1  }
0x23c: {  	s0 =	simm.s32 @!p0 $0x1  }
0x23d: {  	_ =	swait.ge @!p0 [sflag:s0], s1  }
0x23e: {  	s1 =	ssub.s32 @!p0 $0x0, s1;
	[sflag:s0] =	ssyncset.done @!p0 $0x0  }
0x23f: {  	[sflag:s0] =	ssyncadd.s32 @!p0 s1  }
0x240: {  	[bflag:$0x3] =	sbarrier.arrive $0xFFFF  }
0x241: {  	_ =	shalt  }

</sc_bundles>
